<compile_context>
chip_gen: v7x
topology: tpu7x:2x2x1
jax: 0.10.2.dev20260603
libtpu: 0.0.44.dev20260713+nightly
codegen_flags: <defaults>
</compile_context>

<pallas_src>
import functools

import jax
import jax.numpy as jnp
from jax import lax
from jax.experimental import pallas as pl
from jax.experimental.pallas import tpu as pltpu
from jax.experimental.pallas import tpu_sc as plsc

E = 8
TN = 512
NBLK = 4096 // TN + E
RCH = 256
NC, NS, NW = 2, 16, 32


def _router_kernel(x_ref, rw_ref, pos_ref, wtsx_ref, bexp_ref, nact_ref,
                   aux_ref):
    n = x_ref.shape[0]
    xf = x_ref[...]
    logits = lax.dot_general(xf, rw_ref[...], (((1,), (1,)), ((), ())))
    m = jnp.max(logits, -1, keepdims=True)
    p = jnp.exp(logits - m)
    probs = p / jnp.sum(p, -1, keepdims=True)
    iota = lax.broadcasted_iota(jnp.int32, probs.shape, 1)
    m1 = jnp.max(probs, -1, keepdims=True)
    i1 = jnp.min(jnp.where(probs == m1, iota, E), -1, keepdims=True)
    mask1 = iota == i1
    pm = jnp.where(mask1, -jnp.inf, probs)
    m2 = jnp.max(pm, -1, keepdims=True)
    i2 = jnp.min(jnp.where(pm == m2, iota, E), -1, keepdims=True)
    mask2 = iota == i2
    denom = m1 + m2 + 1e-9
    wtsx_ref[0] = jnp.broadcast_to(m1 / denom, (n, 16))
    wtsx_ref[1] = jnp.broadcast_to(m2 / denom, (n, 16))

    oh1 = mask1.astype(jnp.float32)
    oh = oh1 + mask2.astype(jnp.float32)
    c = jnp.sum(oh, axis=0, keepdims=True)
    nb = jnp.floor((c + (TN - 1)) * (1.0 / TN))
    er = lax.broadcasted_iota(jnp.int32, (E, E), 0)
    ec = lax.broadcasted_iota(jnp.int32, (E, E), 1)
    t_excl = (er < ec).astype(jnp.float32)
    off_row = lax.dot_general(nb, t_excl,
                              (((1,), (0,)), ((), ()))) * TN

    ones_col = jnp.ones((n, 1), jnp.float32)
    c_col = lax.dot_general(oh, ones_col, (((0,), (0,)), ((), ())))
    nb_col = jnp.floor((c_col + (TN - 1)) * (1.0 / TN))
    t_incl = (ec <= er).astype(jnp.float32)
    po_col = lax.dot_general(t_incl, nb_col, (((1,), (0,)), ((), ())))
    giota = lax.broadcasted_iota(jnp.int32, (E, NBLK), 1)
    bexp_i = jnp.sum((giota >= po_col.astype(jnp.int32)).astype(jnp.int32),
                     axis=0, keepdims=True)
    bexp_ref[...] = jnp.minimum(bexp_i, E - 1)
    nact_ref[...] = jnp.reshape(jnp.max(po_col), (1, 1)).astype(jnp.int32)

    rr = lax.broadcasted_iota(jnp.int32, (RCH, RCH), 0)
    cc = lax.broadcasted_iota(jnp.int32, (RCH, RCH), 1)
    t_strict = (cc < rr).astype(jnp.float32)
    run = jnp.zeros((1, E), jnp.float32)
    for i in range(n // RCH):
        sl = slice(i * RCH, (i + 1) * RCH)
        oh_c = oh[sl]
        cnt = run + lax.dot_general(t_strict, oh_c,
                                    (((1,), (0,)), ((), ())))
        run = run + jnp.sum(oh_c, axis=0, keepdims=True)
        dest = off_row + cnt
        p0 = jnp.sum(jnp.where(mask1[sl], dest, 0.0), -1, keepdims=True)
        p1 = jnp.sum(jnp.where(mask2[sl], dest, 0.0), -1, keepdims=True)
        pos_ref[sl, :] = jnp.concatenate([p0, p1], 1).astype(jnp.int32)

    importance = jnp.sum(probs, axis=0) / n
    load = jnp.sum(oh1, axis=0) / n
    aux_ref[...] = jnp.reshape(jnp.sum(importance * load) * E, (1, 1))


KS = 1


def _expert_kernel(bexp_ref, nact_ref, xs_ref, w1_ref, b1_ref,
                   w2_ref, b2_ref, ys_ref):
    g = pl.program_id(0)
    k = pl.program_id(1)
    active = g < nact_ref[0, 0]

    @pl.when(active)
    def _():
        xb = xs_ref[...]
        w1 = w1_ref[0].astype(jnp.bfloat16)
        h = lax.dot_general(xb, w1, (((1,), (1,)), ((), ())),
                            preferred_element_type=jnp.float32) + b1_ref[0]
        h = h * jax.nn.sigmoid(h)
        w2 = w2_ref[0].astype(jnp.bfloat16)
        part = lax.dot_general(h.astype(jnp.bfloat16), w2,
                               (((1,), (1,)), ((), ())),
                               preferred_element_type=jnp.float32)

        @pl.when(k == 0)
        def _init():
            ys_ref[...] = part + b2_ref[0]

        @pl.when(k > 0)
        def _acc():
            ys_ref[...] += part


def _make_scatter(n, d, nrows, tpw):
    mesh = plsc.VectorSubcoreMesh(core_axis_name="c", subcore_axis_name="s")

    @functools.partial(
        pl.kernel, mesh=mesh,
        out_type=jax.ShapeDtypeStruct((nrows, d), jnp.float32),
        scratch_types=[pltpu.VMEM((tpw, d), jnp.float32),
                       pltpu.VMEM((tpw,), jnp.int32),
                       pltpu.VMEM((tpw,), jnp.int32),
                       pltpu.SemaphoreType.DMA],
    )
    def scatter_x(x_hbm, pos_hbm, xs_hbm, xv, i0, i1, sem):
        wid = lax.axis_index("s") * NC + lax.axis_index("c")
        base = wid * tpw
        pltpu.sync_copy(x_hbm.at[pl.ds(base, tpw)], xv)
        pltpu.sync_copy(pos_hbm.at[0, pl.ds(base, tpw)], i0)
        pltpu.sync_copy(pos_hbm.at[1, pl.ds(base, tpw)], i1)
        cp0 = pltpu.make_async_copy(xv, xs_hbm.at[i0], sem)
        cp1 = pltpu.make_async_copy(xv, xs_hbm.at[i1], sem)
        cp0.start()
        cp1.start()
        cp0.wait()
        cp1.wait()

    return scatter_x


def _make_combine(n, d, nrows, tpw):
    mesh = plsc.VectorSubcoreMesh(core_axis_name="c", subcore_axis_name="s")

    @functools.partial(
        pl.kernel, mesh=mesh,
        out_type=jax.ShapeDtypeStruct((n, d), jnp.float32),
        scratch_types=[pltpu.VMEM((tpw, d), jnp.float32),
                       pltpu.VMEM((tpw, d), jnp.float32),
                       pltpu.VMEM((tpw,), jnp.int32),
                       pltpu.VMEM((tpw,), jnp.int32),
                       pltpu.VMEM((tpw, 16), jnp.float32),
                       pltpu.VMEM((tpw, 16), jnp.float32),
                       pltpu.SemaphoreType.DMA],
    )
    def combine(ys_hbm, pos_hbm, wts_hbm, y_hbm, ra, rb, i0, i1, w0, w1, sem):
        wid = lax.axis_index("s") * NC + lax.axis_index("c")
        base = wid * tpw
        pltpu.sync_copy(pos_hbm.at[0, pl.ds(base, tpw)], i0)
        pltpu.sync_copy(pos_hbm.at[1, pl.ds(base, tpw)], i1)
        pltpu.sync_copy(wts_hbm.at[0, pl.ds(base, tpw)], w0)
        pltpu.sync_copy(wts_hbm.at[1, pl.ds(base, tpw)], w1)
        cp0 = pltpu.make_async_copy(ys_hbm.at[i0], ra, sem)
        cp1 = pltpu.make_async_copy(ys_hbm.at[i1], rb, sem)
        cp0.start()
        cp1.start()
        cp0.wait()
        cp1.wait()

        def tbody(t, _):
            s0 = w0[t, :]
            s1 = w1[t, :]
            for ci in range(d // 16):
                sl = pl.ds(ci * 16, 16)
                ra[t, sl] = s0 * ra[t, sl] + s1 * rb[t, sl]
            return 0

        lax.fori_loop(0, tpw, tbody, 0)
        pltpu.sync_copy(ra, y_hbm.at[pl.ds(base, tpw)])

    return combine


def kernel(x, router_W, fc1_W, fc1_b, fc2_W, fc2_b):
    B, L, D = x.shape
    N = B * L
    H = fc1_W.shape[1]
    NROWS = NBLK * TN
    TPW = N // NW
    x_flat = x.reshape(N, D)

    pos, wtsx, bexp, nact, aux = pl.pallas_call(
        _router_kernel,
        out_shape=[
            jax.ShapeDtypeStruct((N, 2), jnp.int32),
            jax.ShapeDtypeStruct((2, N, 16), jnp.float32),
            jax.ShapeDtypeStruct((1, NBLK), jnp.int32),
            jax.ShapeDtypeStruct((1, 1), jnp.int32),
            jax.ShapeDtypeStruct((1, 1), jnp.float32),
        ],
    )(x_flat, router_W)

    pos_t = pos.T

    xs = _make_scatter(N, D, NROWS, TPW)(x_flat, pos_t)

    grid_spec = pltpu.PrefetchScalarGridSpec(
        num_scalar_prefetch=2,
        grid=(NBLK, KS),
        in_specs=[
            pl.BlockSpec((TN, D),
                         lambda g, k, be, na: (jnp.minimum(g, na[0, 0] - 1),
                                               0)),
            pl.BlockSpec((1, H // KS, D),
                         lambda g, k, be, na: (be[0, g], k, 0)),
            pl.BlockSpec((1, 1, H // KS),
                         lambda g, k, be, na: (be[0, g], 0, k)),
            pl.BlockSpec((1, D, H // KS),
                         lambda g, k, be, na: (be[0, g], 0, k)),
            pl.BlockSpec((1, 1, D), lambda g, k, be, na: (be[0, g], 0, 0)),
        ],
        out_specs=pl.BlockSpec(
            (TN, D),
            lambda g, k, be, na: (jnp.minimum(g, na[0, 0] - 1), 0)),
    )
    ys = pl.pallas_call(
        _expert_kernel,
        grid_spec=grid_spec,
        out_shape=jax.ShapeDtypeStruct((NROWS, D), jnp.float32),
    )(bexp, nact, xs, fc1_W, fc1_b.reshape(E, 1, H),
      fc2_W, fc2_b.reshape(E, 1, D))

    y = _make_combine(N, D, NROWS, TPW)(ys, pos_t, wtsx)
    return y.reshape(B, L, D), aux[0, 0]

# --- scband reference (transcript-rebuilt; emitter-appended) ---
"""Pipeline reference for scband-student-mamba2-39281770889621 (READ-ONLY COPY).

The authoritative reference and input builder live on the scoring server;
editing this copy changes nothing except your own understanding.
"""

import jax, jax.numpy as jnp
import numpy as np

B, L, D = 1, 2048, 768
E = 8
TOPK = 2
H = 1536  # int(round(2.0 * 768))


def setup_inputs(seed: int = 0) -> dict:
    key = jax.random.key(seed)
    ks = jax.random.split(key, 8)
    x = jax.random.normal(ks[0], (B, L, D), dtype=jnp.float32)
    router_W = jax.random.normal(ks[1], (E, D), dtype=jnp.float32) * 0.02
    fc1_W = jax.random.normal(ks[2], (E, H, D), dtype=jnp.float32) * (1.0 / np.sqrt(D))
    fc1_b = jnp.zeros((E, H), dtype=jnp.float32)
    fc2_W = jax.random.normal(ks[3], (E, D, H), dtype=jnp.float32) * (1.0 / np.sqrt(H))
    fc2_b = jnp.zeros((E, D), dtype=jnp.float32)
    return {"x": x, "router_W": router_W, "fc1_W": fc1_W, "fc1_b": fc1_b, "fc2_W": fc2_W, "fc2_b": fc2_b}


def reference(x, router_W, fc1_W, fc1_b, fc2_W, fc2_b):
    Bs, Ls, Ds = x.shape
    N = Bs * Ls
    n_experts = router_W.shape[0]
    x_flat = x.reshape(N, Ds)
    # Router: linear projection (no bias), softmax over experts
    logits = x_flat @ router_W.T
    probs = jax.nn.softmax(logits, axis=-1)
    topk_scores, topk_idx = jax.lax.top_k(probs, TOPK)
    topk_w = topk_scores / (topk_scores.sum(axis=-1, keepdims=True) + 1e-09)
    # Switch-style load balancing auxiliary loss
    importance = probs.mean(axis=0)
    load = jnp.zeros((n_experts,), dtype=probs.dtype).at[topk_idx[:, 0]].add(1.0)
    load = load / max(1.0, float(N))
    aux_loss = (importance * load).sum() * float(n_experts)
    # Combine weights per token per expert (scatter of top-k gate weights)
    comb = jnp.zeros((N, n_experts), dtype=x_flat.dtype)
    for j in range(TOPK):
        comb = comb + jax.nn.one_hot(topk_idx[:, j], n_experts, dtype=x_flat.dtype) * topk_w[:, j:j + 1]
    # Expert MLPs: fc1 -> SiLU -> fc2
    h = jnp.einsum('nd,ehd->enh', x_flat, fc1_W) + fc1_b[:, None, :]
    h = jax.nn.silu(h)
    y_e = jnp.einsum('enh,edh->end', h, fc2_W) + fc2_b[:, None, :]
    # Weighted combine (tokens only receive output from their top-k experts)
    y_flat = jnp.einsum('end,ne->nd', y_e, comb)
    y = y_flat.reshape(Bs, Ls, Ds)
    return (y, aux_loss)

if __name__ == "__main__":
    import jax
    _d = setup_inputs()
    print(jax.jit(kernel)(*tuple(_d.values())))

</pallas_src>

<mosaic_0001>
#map = affine_map<(d0, d1) -> (0, 0)>
#map1 = affine_map<(d0, d1) -> (0, 0, 0)>
module attributes {stable_mosaic.version = 14 : i64} {
  func.func @combine(%arg0: i32, %arg1: i32, %arg2: memref<8192x768xf32, #tpu.memory_space<hbm>>, %arg3: memref<2x2048xi32, #tpu.memory_space<hbm>>, %arg4: memref<2x2048x16xf32, #tpu.memory_space<hbm>>, %arg5: memref<2048x768xf32, #tpu.memory_space<hbm>>, %arg6: memref<64x768xf32, #tpu.memory_space<vmem>>, %arg7: memref<64x768xf32, #tpu.memory_space<vmem>>, %arg8: memref<64xi32, #tpu.memory_space<vmem>>, %arg9: memref<64xi32, #tpu.memory_space<vmem>>, %arg10: memref<64x16xf32, #tpu.memory_space<vmem>>, %arg11: memref<64x16xf32, #tpu.memory_space<vmem>>, %arg12: memref<!tpu.dma_semaphore, #tpu.memory_space<semaphore_mem>>) attributes {dimension_semantics = [#tpu.dimension_semantics<core_parallel>, #tpu.dimension_semantics<subcore_parallel>], iteration_bounds = array<i64: 2, 16>, scalar_prefetch = 0 : i64, scratch_operands = 7 : i64, tpu.core_type = #tpu.core_type<sc_vector_subcore>, window_params = [{transform_indices = #map}, {transform_indices = #map}, {transform_indices = #map1}, {transform_indices = #map}]} {
    %mul3A = arith.constant 2 : i32
    %mul3A_0 = arith.muli %arg1, %mul3A : i32
    %add3A = arith.addi %mul3A_0, %arg0 : i32
    %mul3A_1 = arith.constant 64 : i32
    %mul3A_2 = arith.muli %add3A, %mul3A_1 : i32
    %run_scoped3A = arith.constant 0 : i32
    "tpu.region"() ({
      %run_scoped3A_22 = tpu.sem_alloc : memref<!tpu.dma_semaphore, #tpu.memory_space<semaphore_mem>>
      %dma_start3A_23 = tpu.memref_slice %arg3[%run_scoped3A, %mul3A_2] : memref<2x2048xi32, #tpu.memory_space<hbm>> -> memref<1x64xi32, #tpu.memory_space<hbm>>
      %dma_start3A_24 = tpu.memref_squeeze %dma_start3A_23 : memref<1x64xi32, #tpu.memory_space<hbm>> -> memref<64xi32, #tpu.memory_space<hbm>>
      %dma_start3A_25 = tpu.memref_slice %arg3[%run_scoped3A, %mul3A_2] : memref<2x2048xi32, #tpu.memory_space<hbm>> -> memref<1x64xi32, #tpu.memory_space<hbm>>
      %dma_start3A_26 = tpu.memref_squeeze %dma_start3A_25 : memref<1x64xi32, #tpu.memory_space<hbm>> -> memref<64xi32, #tpu.memory_space<hbm>>
      tpu.enqueue_dma source(%dma_start3A_26 : memref<64xi32, #tpu.memory_space<hbm>>) target(%arg8 : memref<64xi32, #tpu.memory_space<vmem>>) target_semaphore(%run_scoped3A_22 : memref<!tpu.dma_semaphore, #tpu.memory_space<semaphore_mem>>)
      %dma_wait3A_27 = tpu.memref_slice %arg3[%run_scoped3A, %mul3A_2] : memref<2x2048xi32, #tpu.memory_space<hbm>> -> memref<1x64xi32, #tpu.memory_space<hbm>>
      %dma_wait3A_28 = tpu.memref_squeeze %dma_wait3A_27 : memref<1x64xi32, #tpu.memory_space<hbm>> -> memref<64xi32, #tpu.memory_space<hbm>>
      %dma_wait3A_29 = tpu.memref_slice %arg3[%run_scoped3A, %mul3A_2] : memref<2x2048xi32, #tpu.memory_space<hbm>> -> memref<1x64xi32, #tpu.memory_space<hbm>>
      %dma_wait3A_30 = tpu.memref_squeeze %dma_wait3A_29 : memref<1x64xi32, #tpu.memory_space<hbm>> -> memref<64xi32, #tpu.memory_space<hbm>>
      tpu.wait_dma2 semaphore(%run_scoped3A_22 : memref<!tpu.dma_semaphore, #tpu.memory_space<semaphore_mem>>) src(%dma_wait3A_30 : memref<64xi32, #tpu.memory_space<hbm>>) dst(%arg8 : memref<64xi32, #tpu.memory_space<vmem>>)
      tpu.yield
    }) : () -> ()
    %run_scoped3A_3 = arith.constant 1 : i32
    "tpu.region"() ({
      %run_scoped3A_22 = tpu.sem_alloc : memref<!tpu.dma_semaphore, #tpu.memory_space<semaphore_mem>>
      %dma_start3A_23 = tpu.memref_slice %arg3[%run_scoped3A_3, %mul3A_2] : memref<2x2048xi32, #tpu.memory_space<hbm>> -> memref<1x64xi32, #tpu.memory_space<hbm>>
      %dma_start3A_24 = tpu.memref_squeeze %dma_start3A_23 : memref<1x64xi32, #tpu.memory_space<hbm>> -> memref<64xi32, #tpu.memory_space<hbm>>
      %dma_start3A_25 = tpu.memref_slice %arg3[%run_scoped3A_3, %mul3A_2] : memref<2x2048xi32, #tpu.memory_space<hbm>> -> memref<1x64xi32, #tpu.memory_space<hbm>>
      %dma_start3A_26 = tpu.memref_squeeze %dma_start3A_25 : memref<1x64xi32, #tpu.memory_space<hbm>> -> memref<64xi32, #tpu.memory_space<hbm>>
      tpu.enqueue_dma source(%dma_start3A_26 : memref<64xi32, #tpu.memory_space<hbm>>) target(%arg9 : memref<64xi32, #tpu.memory_space<vmem>>) target_semaphore(%run_scoped3A_22 : memref<!tpu.dma_semaphore, #tpu.memory_space<semaphore_mem>>)
      %dma_wait3A_27 = tpu.memref_slice %arg3[%run_scoped3A_3, %mul3A_2] : memref<2x2048xi32, #tpu.memory_space<hbm>> -> memref<1x64xi32, #tpu.memory_space<hbm>>
      %dma_wait3A_28 = tpu.memref_squeeze %dma_wait3A_27 : memref<1x64xi32, #tpu.memory_space<hbm>> -> memref<64xi32, #tpu.memory_space<hbm>>
      %dma_wait3A_29 = tpu.memref_slice %arg3[%run_scoped3A_3, %mul3A_2] : memref<2x2048xi32, #tpu.memory_space<hbm>> -> memref<1x64xi32, #tpu.memory_space<hbm>>
      %dma_wait3A_30 = tpu.memref_squeeze %dma_wait3A_29 : memref<1x64xi32, #tpu.memory_space<hbm>> -> memref<64xi32, #tpu.memory_space<hbm>>
      tpu.wait_dma2 semaphore(%run_scoped3A_22 : memref<!tpu.dma_semaphore, #tpu.memory_space<semaphore_mem>>) src(%dma_wait3A_30 : memref<64xi32, #tpu.memory_space<hbm>>) dst(%arg9 : memref<64xi32, #tpu.memory_space<vmem>>)
      tpu.yield
    }) : () -> ()
    %run_scoped3A_4 = arith.constant 0 : i32
    "tpu.region"() ({
      %run_scoped3A_22 = tpu.sem_alloc : memref<!tpu.dma_semaphore, #tpu.memory_space<semaphore_mem>>
      %dma_start3A_23 = arith.constant 0 : i32
      %dma_start3A_24 = tpu.memref_slice %arg4[%run_scoped3A_4, %mul3A_2, %dma_start3A_23] : memref<2x2048x16xf32, #tpu.memory_space<hbm>> -> memref<1x64x16xf32, #tpu.memory_space<hbm>>
      %dma_start3A_25 = tpu.memref_squeeze %dma_start3A_24 : memref<1x64x16xf32, #tpu.memory_space<hbm>> -> memref<64x16xf32, #tpu.memory_space<hbm>>
      %dma_start3A_26 = arith.constant 0 : i32
      %dma_start3A_27 = tpu.memref_slice %arg4[%run_scoped3A_4, %mul3A_2, %dma_start3A_26] : memref<2x2048x16xf32, #tpu.memory_space<hbm>> -> memref<1x64x16xf32, #tpu.memory_space<hbm>>
      %dma_start3A_28 = tpu.memref_squeeze %dma_start3A_27 : memref<1x64x16xf32, #tpu.memory_space<hbm>> -> memref<64x16xf32, #tpu.memory_space<hbm>>
      tpu.enqueue_dma source(%dma_start3A_28 : memref<64x16xf32, #tpu.memory_space<hbm>>) target(%arg10 : memref<64x16xf32, #tpu.memory_space<vmem>>) target_semaphore(%run_scoped3A_22 : memref<!tpu.dma_semaphore, #tpu.memory_space<semaphore_mem>>)
      %dma_wait3A_29 = arith.constant 0 : i32
      %dma_wait3A_30 = tpu.memref_slice %arg4[%run_scoped3A_4, %mul3A_2, %dma_wait3A_29] : memref<2x2048x16xf32, #tpu.memory_space<hbm>> -> memref<1x64x16xf32, #tpu.memory_space<hbm>>
      %dma_wait3A_31 = tpu.memref_squeeze %dma_wait3A_30 : memref<1x64x16xf32, #tpu.memory_space<hbm>> -> memref<64x16xf32, #tpu.memory_space<hbm>>
      %dma_wait3A_32 = arith.constant 0 : i32
      %dma_wait3A_33 = tpu.memref_slice %arg4[%run_scoped3A_4, %mul3A_2, %dma_wait3A_32] : memref<2x2048x16xf32, #tpu.memory_space<hbm>> -> memref<1x64x16xf32, #tpu.memory_space<hbm>>
      %dma_wait3A_34 = tpu.memref_squeeze %dma_wait3A_33 : memref<1x64x16xf32, #tpu.memory_space<hbm>> -> memref<64x16xf32, #tpu.memory_space<hbm>>
      tpu.wait_dma2 semaphore(%run_scoped3A_22 : memref<!tpu.dma_semaphore, #tpu.memory_space<semaphore_mem>>) src(%dma_wait3A_34 : memref<64x16xf32, #tpu.memory_space<hbm>>) dst(%arg10 : memref<64x16xf32, #tpu.memory_space<vmem>>)
      tpu.yield
    }) : () -> ()
    %run_scoped3A_5 = arith.constant 1 : i32
    "tpu.region"() ({
      %run_scoped3A_22 = tpu.sem_alloc : memref<!tpu.dma_semaphore, #tpu.memory_space<semaphore_mem>>
      %dma_start3A_23 = arith.constant 0 : i32
      %dma_start3A_24 = tpu.memref_slice %arg4[%run_scoped3A_5, %mul3A_2, %dma_start3A_23] : memref<2x2048x16xf32, #tpu.memory_space<hbm>> -> memref<1x64x16xf32, #tpu.memory_space<hbm>>
      %dma_start3A_25 = tpu.memref_squeeze %dma_start3A_24 : memref<1x64x16xf32, #tpu.memory_space<hbm>> -> memref<64x16xf32, #tpu.memory_space<hbm>>
      %dma_start3A_26 = arith.constant 0 : i32
      %dma_start3A_27 = tpu.memref_slice %arg4[%run_scoped3A_5, %mul3A_2, %dma_start3A_26] : memref<2x2048x16xf32, #tpu.memory_space<hbm>> -> memref<1x64x16xf32, #tpu.memory_space<hbm>>
      %dma_start3A_28 = tpu.memref_squeeze %dma_start3A_27 : memref<1x64x16xf32, #tpu.memory_space<hbm>> -> memref<64x16xf32, #tpu.memory_space<hbm>>
      tpu.enqueue_dma source(%dma_start3A_28 : memref<64x16xf32, #tpu.memory_space<hbm>>) target(%arg11 : memref<64x16xf32, #tpu.memory_space<vmem>>) target_semaphore(%run_scoped3A_22 : memref<!tpu.dma_semaphore, #tpu.memory_space<semaphore_mem>>)
      %dma_wait3A_29 = arith.constant 0 : i32
      %dma_wait3A_30 = tpu.memref_slice %arg4[%run_scoped3A_5, %mul3A_2, %dma_wait3A_29] : memref<2x2048x16xf32, #tpu.memory_space<hbm>> -> memref<1x64x16xf32, #tpu.memory_space<hbm>>
      %dma_wait3A_31 = tpu.memref_squeeze %dma_wait3A_30 : memref<1x64x16xf32, #tpu.memory_space<hbm>> -> memref<64x16xf32, #tpu.memory_space<hbm>>
      %dma_wait3A_32 = arith.constant 0 : i32
      %dma_wait3A_33 = tpu.memref_slice %arg4[%run_scoped3A_5, %mul3A_2, %dma_wait3A_32] : memref<2x2048x16xf32, #tpu.memory_space<hbm>> -> memref<1x64x16xf32, #tpu.memory_space<hbm>>
      %dma_wait3A_34 = tpu.memref_squeeze %dma_wait3A_33 : memref<1x64x16xf32, #tpu.memory_space<hbm>> -> memref<64x16xf32, #tpu.memory_space<hbm>>
      tpu.wait_dma2 semaphore(%run_scoped3A_22 : memref<!tpu.dma_semaphore, #tpu.memory_space<semaphore_mem>>) src(%dma_wait3A_34 : memref<64x16xf32, #tpu.memory_space<hbm>>) dst(%arg11 : memref<64x16xf32, #tpu.memory_space<vmem>>)
      tpu.yield
    }) : () -> ()
    %dma_start3A = arith.constant 0 : i32
    %dma_start3A_6 = arith.constant 0 : i32
    %dma_start3A_7 = tpu.memref_slice %arg2[%dma_start3A, %dma_start3A_6] : memref<8192x768xf32, #tpu.memory_space<hbm>> -> memref<8192x768xf32, #tpu.memory_space<hbm>>
    tpu.enqueue_indirect_dma source(%dma_start3A_7 : memref<8192x768xf32, #tpu.memory_space<hbm>>) target(%arg6 : memref<64x768xf32, #tpu.memory_space<vmem>>) offsets(%arg8 : memref<64xi32, #tpu.memory_space<vmem>>) semaphore(%arg12 : memref<!tpu.dma_semaphore, #tpu.memory_space<semaphore_mem>>)
    %dma_start3A_8 = arith.constant 0 : i32
    %dma_start3A_9 = arith.constant 0 : i32
    %dma_start3A_10 = tpu.memref_slice %arg2[%dma_start3A_8, %dma_start3A_9] : memref<8192x768xf32, #tpu.memory_space<hbm>> -> memref<8192x768xf32, #tpu.memory_space<hbm>>
    tpu.enqueue_indirect_dma source(%dma_start3A_10 : memref<8192x768xf32, #tpu.memory_space<hbm>>) target(%arg7 : memref<64x768xf32, #tpu.memory_space<vmem>>) offsets(%arg9 : memref<64xi32, #tpu.memory_space<vmem>>) semaphore(%arg12 : memref<!tpu.dma_semaphore, #tpu.memory_space<semaphore_mem>>)
    %dma_wait3A = arith.constant 0 : i32
    %dma_wait3A_11 = arith.constant 0 : i32
    %dma_wait3A_12 = tpu.memref_slice %arg2[%dma_wait3A, %dma_wait3A_11] : memref<8192x768xf32, #tpu.memory_space<hbm>> -> memref<8192x768xf32, #tpu.memory_space<hbm>>
    tpu.wait_indirect_dma semaphore(%arg12 : memref<!tpu.dma_semaphore, #tpu.memory_space<semaphore_mem>>) src(%dma_wait3A_12 : memref<8192x768xf32, #tpu.memory_space<hbm>>) dst(%arg6 : memref<64x768xf32, #tpu.memory_space<vmem>>)
    %dma_wait3A_13 = arith.constant 0 : i32
    %dma_wait3A_14 = arith.constant 0 : i32
    %dma_wait3A_15 = tpu.memref_slice %arg2[%dma_wait3A_13, %dma_wait3A_14] : memref<8192x768xf32, #tpu.memory_space<hbm>> -> memref<8192x768xf32, #tpu.memory_space<hbm>>
    tpu.wait_indirect_dma semaphore(%arg12 : memref<!tpu.dma_semaphore, #tpu.memory_space<semaphore_mem>>) src(%dma_wait3A_15 : memref<8192x768xf32, #tpu.memory_space<hbm>>) dst(%arg7 : memref<64x768xf32, #tpu.memory_space<vmem>>)
    %scan3A = arith.constant 0 : i32
    %scan3A_16 = arith.constant 0 : i32
    %scan3A_17 = arith.constant 64 : i32
    %scan3A_18 = arith.addi %scan3A_16, %scan3A_17 : i32
    %scan3A_19 = arith.constant 1 : i32
    %scan3A_20 = scf.for %scan3A_22 = %scan3A_16 to %scan3A_18 step %scan3A_19 iter_args(%scan3A_23 = %scan3A) -> (i32)  : i32 {
      %get3A = arith.index_cast %scan3A_22 : i32 to index
      %get3A_24 = arith.constant 0 : index
      %get3A_25 = tpu.vector_load %arg10[%get3A, %get3A_24] {strides = array<i32>} : memref<64x16xf32, #tpu.memory_space<vmem>>, vector<1x16xf32>,
      %get3A_26 = vector.shape_cast %get3A_25 : vector<1x16xf32> to vector<16xf32>
      %get3A_27 = arith.index_cast %scan3A_22 : i32 to index
      %get3A_28 = arith.constant 0 : index
      %get3A_29 = tpu.vector_load %arg11[%get3A_27, %get3A_28] {strides = array<i32>} : memref<64x16xf32, #tpu.memory_space<vmem>>, vector<1x16xf32>,
      %get3A_30 = vector.shape_cast %get3A_29 : vector<1x16xf32> to vector<16xf32>
      %get3A_31 = arith.index_cast %scan3A_22 : i32 to index
      %get3A_32 = arith.constant 0 : index
      %get3A_33 = tpu.vector_load %arg6[%get3A_31, %get3A_32] {strides = array<i32>} : memref<64x768xf32, #tpu.memory_space<vmem>>, vector<1x16xf32>,
      %get3A_34 = vector.shape_cast %get3A_33 : vector<1x16xf32> to vector<16xf32>
      %mul3A_35 = arith.mulf %get3A_26, %get3A_34 : vector<16xf32>
      %get3A_36 = arith.index_cast %scan3A_22 : i32 to index
      %get3A_37 = arith.constant 0 : index
      %get3A_38 = tpu.vector_load %arg7[%get3A_36, %get3A_37] {strides = array<i32>} : memref<64x768xf32, #tpu.memory_space<vmem>>, vector<1x16xf32>,
      %get3A_39 = vector.shape_cast %get3A_38 : vector<1x16xf32> to vector<16xf32>
      %mul3A_40 = arith.mulf %get3A_30, %get3A_39 : vector<16xf32>
      %add3A_41 = arith.addf %mul3A_35, %mul3A_40 : vector<16xf32>
      %swap3A = arith.index_cast %scan3A_22 : i32 to index
      %swap3A_42 = arith.constant 0 : index
      %swap3A_43 = tpu.vector_load %arg6[%swap3A, %swap3A_42] {strides = array<i32>} : memref<64x768xf32, #tpu.memory_space<vmem>>, vector<1x16xf32>,
      %swap3A_44 = vector.shape_cast %swap3A_43 : vector<1x16xf32> to vector<16xf32>
      %swap3A_45 = vector.shape_cast %add3A_41 : vector<16xf32> to vector<1x16xf32>
      tpu.vector_store %arg6[%swap3A, %swap3A_42], %swap3A_45 {strides = array<i32>} : memref<64x768xf32, #tpu.memory_space<vmem>>, vector<1x16xf32>,
      %get3A_46 = arith.index_cast %scan3A_22 : i32 to index
      %get3A_47 = arith.constant 16 : index
      %get3A_48 = tpu.vector_load %arg6[%get3A_46, %get3A_47] {strides = array<i32>} : memref<64x768xf32, #tpu.memory_space<vmem>>, vector<1x16xf32>,
      %get3A_49 = vector.shape_cast %get3A_48 : vector<1x16xf32> to vector<16xf32>
      %mul3A_50 = arith.mulf %get3A_26, %get3A_49 : vector<16xf32>
      %get3A_51 = arith.index_cast %scan3A_22 : i32 to index
      %get3A_52 = arith.constant 16 : index
      %get3A_53 = tpu.vector_load %arg7[%get3A_51, %get3A_52] {strides = array<i32>} : memref<64x768xf32, #tpu.memory_space<vmem>>, vector<1x16xf32>,
      %get3A_54 = vector.shape_cast %get3A_53 : vector<1x16xf32> to vector<16xf32>
      %mul3A_55 = arith.mulf %get3A_30, %get3A_54 : vector<16xf32>
      %add3A_56 = arith.addf %mul3A_50, %mul3A_55 : vector<16xf32>
      %swap3A_57 = arith.index_cast %scan3A_22 : i32 to index
      %swap3A_58 = arith.constant 16 : index
      %swap3A_59 = tpu.vector_load %arg6[%swap3A_57, %swap3A_58] {strides = array<i32>} : memref<64x768xf32, #tpu.memory_space<vmem>>, vector<1x16xf32>,
      %swap3A_60 = vector.shape_cast %swap3A_59 : vector<1x16xf32> to vector<16xf32>
      %swap3A_61 = vector.shape_cast %add3A_56 : vector<16xf32> to vector<1x16xf32>
      tpu.vector_store %arg6[%swap3A_57, %swap3A_58], %swap3A_61 {strides = array<i32>} : memref<64x768xf32, #tpu.memory_space<vmem>>, vector<1x16xf32>,
      %get3A_62 = arith.index_cast %scan3A_22 : i32 to index
      %get3A_63 = arith.constant 32 : index
      %get3A_64 = tpu.vector_load %arg6[%get3A_62, %get3A_63] {strides = array<i32>} : memref<64x768xf32, #tpu.memory_space<vmem>>, vector<1x16xf32>,
      %get3A_65 = vector.shape_cast %get3A_64 : vector<1x16xf32> to vector<16xf32>
      %mul3A_66 = arith.mulf %get3A_26, %get3A_65 : vector<16xf32>
      %get3A_67 = arith.index_cast %scan3A_22 : i32 to index
      %get3A_68 = arith.constant 32 : index
      %get3A_69 = tpu.vector_load %arg7[%get3A_67, %get3A_68] {strides = array<i32>} : memref<64x768xf32, #tpu.memory_space<vmem>>, vector<1x16xf32>,
      %get3A_70 = vector.shape_cast %get3A_69 : vector<1x16xf32> to vector<16xf32>
      %mul3A_71 = arith.mulf %get3A_30, %get3A_70 : vector<16xf32>
      %add3A_72 = arith.addf %mul3A_66, %mul3A_71 : vector<16xf32>
      %swap3A_73 = arith.index_cast %scan3A_22 : i32 to index
      %swap3A_74 = arith.constant 32 : index
      %swap3A_75 = tpu.vector_load %arg6[%swap3A_73, %swap3A_74] {strides = array<i32>} : memref<64x768xf32, #tpu.memory_space<vmem>>, vector<1x16xf32>,
      %swap3A_76 = vector.shape_cast %swap3A_75 : vector<1x16xf32> to vector<16xf32>
      %swap3A_77 = vector.shape_cast %add3A_72 : vector<16xf32> to vector<1x16xf32>
      tpu.vector_store %arg6[%swap3A_73, %swap3A_74], %swap3A_77 {strides = array<i32>} : memref<64x768xf32, #tpu.memory_space<vmem>>, vector<1x16xf32>,
      %get3A_78 = arith.index_cast %scan3A_22 : i32 to index
      %get3A_79 = arith.constant 48 : index
      %get3A_80 = tpu.vector_load %arg6[%get3A_78, %get3A_79] {strides = array<i32>} : memref<64x768xf32, #tpu.memory_space<vmem>>, vector<1x16xf32>,
      %get3A_81 = vector.shape_cast %get3A_80 : vector<1x16xf32> to vector<16xf32>
      %mul3A_82 = arith.mulf %get3A_26, %get3A_81 : vector<16xf32>
      %get3A_83 = arith.index_cast %scan3A_22 : i32 to index
      %get3A_84 = arith.constant 48 : index
      %get3A_85 = tpu.vector_load %arg7[%get3A_83, %get3A_84] {strides = array<i32>} : memref<64x768xf32, #tpu.memory_space<vmem>>, vector<1x16xf32>,
      %get3A_86 = vector.shape_cast %get3A_85 : vector<1x16xf32> to vector<16xf32>
      %mul3A_87 = arith.mulf %get3A_30, %get3A_86 : vector<16xf32>
      %add3A_88 = arith.addf %mul3A_82, %mul3A_87 : vector<16xf32>
      %swap3A_89 = arith.index_cast %scan3A_22 : i32 to index
      %swap3A_90 = arith.constant 48 : index
      %swap3A_91 = tpu.vector_load %arg6[%swap3A_89, %swap3A_90] {strides = array<i32>} : memref<64x768xf32, #tpu.memory_space<vmem>>, vector<1x16xf32>,
      %swap3A_92 = vector.shape_cast %swap3A_91 : vector<1x16xf32> to vector<16xf32>
      %swap3A_93 = vector.shape_cast %add3A_88 : vector<16xf32> to vector<1x16xf32>
      tpu.vector_store %arg6[%swap3A_89, %swap3A_90], %swap3A_93 {strides = array<i32>} : memref<64x768xf32, #tpu.memory_space<vmem>>, vector<1x16xf32>,
      %get3A_94 = arith.index_cast %scan3A_22 : i32 to index
      %get3A_95 = arith.constant 64 : index
      %get3A_96 = tpu.vector_load %arg6[%get3A_94, %get3A_95] {strides = array<i32>} : memref<64x768xf32, #tpu.memory_space<vmem>>, vector<1x16xf32>,
      %get3A_97 = vector.shape_cast %get3A_96 : vector<1x16xf32> to vector<16xf32>
      %mul3A_98 = arith.mulf %get3A_26, %get3A_97 : vector<16xf32>
      %get3A_99 = arith.index_cast %scan3A_22 : i32 to index
      %get3A_100 = arith.constant 64 : index
      %get3A_101 = tpu.vector_load %arg7[%get3A_99, %get3A_100] {strides = array<i32>} : memref<64x768xf32, #tpu.memory_space<vmem>>, vector<1x16xf32>,
      %get3A_102 = vector.shape_cast %get3A_101 : vector<1x16xf32> to vector<16xf32>
      %mul3A_103 = arith.mulf %get3A_30, %get3A_102 : vector<16xf32>
      %add3A_104 = arith.addf %mul3A_98, %mul3A_103 : vector<16xf32>
      %swap3A_105 = arith.index_cast %scan3A_22 : i32 to index
      %swap3A_106 = arith.constant 64 : index
      %swap3A_107 = tpu.vector_load %arg6[%swap3A_105, %swap3A_106] {strides = array<i32>} : memref<64x768xf32, #tpu.memory_space<vmem>>, vector<1x16xf32>,
      %swap3A_108 = vector.shape_cast %swap3A_107 : vector<1x16xf32> to vector<16xf32>
      %swap3A_109 = vector.shape_cast %add3A_104 : vector<16xf32> to vector<1x16xf32>
      tpu.vector_store %arg6[%swap3A_105, %swap3A_106], %swap3A_109 {strides = array<i32>} : memref<64x768xf32, #tpu.memory_space<vmem>>, vector<1x16xf32>,
      %get3A_110 = arith.index_cast %scan3A_22 : i32 to index
      %get3A_111 = arith.constant 80 : index
      %get3A_112 = tpu.vector_load %arg6[%get3A_110, %get3A_111] {strides = array<i32>} : memref<64x768xf32, #tpu.memory_space<vmem>>, vector<1x16xf32>,
      %get3A_113 = vector.shape_cast %get3A_112 : vector<1x16xf32> to vector<16xf32>
      %mul3A_114 = arith.mulf %get3A_26, %get3A_113 : vector<16xf32>
      %get3A_115 = arith.index_cast %scan3A_22 : i32 to index
      %get3A_116 = arith.constant 80 : index
      %get3A_117 = tpu.vector_load %arg7[%get3A_115, %get3A_116] {strides = array<i32>} : memref<64x768xf32, #tpu.memory_space<vmem>>, vector<1x16xf32>,
      %get3A_118 = vector.shape_cast %get3A_117 : vector<1x16xf32> to vector<16xf32>
      %mul3A_119 = arith.mulf %get3A_30, %get3A_118 : vector<16xf32>
      %add3A_120 = arith.addf %mul3A_114, %mul3A_119 : vector<16xf32>
      %swap3A_121 = arith.index_cast %scan3A_22 : i32 to index
      %swap3A_122 = arith.constant 80 : index
      %swap3A_123 = tpu.vector_load %arg6[%swap3A_121, %swap3A_122] {strides = array<i32>} : memref<64x768xf32, #tpu.memory_space<vmem>>, vector<1x16xf32>,
      %swap3A_124 = vector.shape_cast %swap3A_123 : vector<1x16xf32> to vector<16xf32>
      %swap3A_125 = vector.shape_cast %add3A_120 : vector<16xf32> to vector<1x16xf32>
      tpu.vector_store %arg6[%swap3A_121, %swap3A_122], %swap3A_125 {strides = array<i32>} : memref<64x768xf32, #tpu.memory_space<vmem>>, vector<1x16xf32>,
      %get3A_126 = arith.index_cast %scan3A_22 : i32 to index
      %get3A_127 = arith.constant 96 : index
      %get3A_128 = tpu.vector_load %arg6[%get3A_126, %get3A_127] {strides = array<i32>} : memref<64x768xf32, #tpu.memory_space<vmem>>, vector<1x16xf32>,
      %get3A_129 = vector.shape_cast %get3A_128 : vector<1x16xf32> to vector<16xf32>
      %mul3A_130 = arith.mulf %get3A_26, %get3A_129 : vector<16xf32>
      %get3A_131 = arith.index_cast %scan3A_22 : i32 to index
      %get3A_132 = arith.constant 96 : index
      %get3A_133 = tpu.vector_load %arg7[%get3A_131, %get3A_132] {strides = array<i32>} : memref<64x768xf32, #tpu.memory_space<vmem>>, vector<1x16xf32>,
      %get3A_134 = vector.shape_cast %get3A_133 : vector<1x16xf32> to vector<16xf32>
      %mul3A_135 = arith.mulf %get3A_30, %get3A_134 : vector<16xf32>
      %add3A_136 = arith.addf %mul3A_130, %mul3A_135 : vector<16xf32>
      %swap3A_137 = arith.index_cast %scan3A_22 : i32 to index
      %swap3A_138 = arith.constant 96 : index
      %swap3A_139 = tpu.vector_load %arg6[%swap3A_137, %swap3A_138] {strides = array<i32>} : memref<64x768xf32, #tpu.memory_space<vmem>>, vector<1x16xf32>,
      %swap3A_140 = vector.shape_cast %swap3A_139 : vector<1x16xf32> to vector<16xf32>
      %swap3A_141 = vector.shape_cast %add3A_136 : vector<16xf32> to vector<1x16xf32>
      tpu.vector_store %arg6[%swap3A_137, %swap3A_138], %swap3A_141 {strides = array<i32>} : memref<64x768xf32, #tpu.memory_space<vmem>>, vector<1x16xf32>,
      %get3A_142 = arith.index_cast %scan3A_22 : i32 to index
      %get3A_143 = arith.constant 112 : index
      %get3A_144 = tpu.vector_load %arg6[%get3A_142, %get3A_143] {strides = array<i32>} : memref<64x768xf32, #tpu.memory_space<vmem>>, vector<1x16xf32>,
      %get3A_145 = vector.shape_cast %get3A_144 : vector<1x16xf32> to vector<16xf32>
      %mul3A_146 = arith.mulf %get3A_26, %get3A_145 : vector<16xf32>
      %get3A_147 = arith.index_cast %scan3A_22 : i32 to index
      %get3A_148 = arith.constant 112 : index
      %get3A_149 = tpu.vector_load %arg7[%get3A_147, %get3A_148] {strides = array<i32>} : memref<64x768xf32, #tpu.memory_space<vmem>>, vector<1x16xf32>,
      %get3A_150 = vector.shape_cast %get3A_149 : vector<1x16xf32> to vector<16xf32>
      %mul3A_151 = arith.mulf %get3A_30, %get3A_150 : vector<16xf32>
      %add3A_152 = arith.addf %mul3A_146, %mul3A_151 : vector<16xf32>
      %swap3A_153 = arith.index_cast %scan3A_22 : i32 to index
      %swap3A_154 = arith.constant 112 : index
      %swap3A_155 = tpu.vector_load %arg6[%swap3A_153, %swap3A_154] {strides = array<i32>} : memref<64x768xf32, #tpu.memory_space<vmem>>, vector<1x16xf32>,
      %swap3A_156 = vector.shape_cast %swap3A_155 : vector<1x16xf32> to vector<16xf32>
      %swap3A_157 = vector.shape_cast %add3A_152 : vector<16xf32> to vector<1x16xf32>
      tpu.vector_store %arg6[%swap3A_153, %swap3A_154], %swap3A_157 {strides = array<i32>} : memref<64x768xf32, #tpu.memory_space<vmem>>, vector<1x16xf32>,
      %get3A_158 = arith.index_cast %scan3A_22 : i32 to index
      %get3A_159 = arith.constant 128 : index
      %get3A_160 = tpu.vector_load %arg6[%get3A_158, %get3A_159] {strides = array<i32>} : memref<64x768xf32, #tpu.memory_space<vmem>>, vector<1x16xf32>,
      %get3A_161 = vector.shape_cast %get3A_160 : vector<1x16xf32> to vector<16xf32>
      %mul3A_162 = arith.mulf %get3A_26, %get3A_161 : vector<16xf32>
      %get3A_163 = arith.index_cast %scan3A_22 : i32 to index
      %get3A_164 = arith.constant 128 : index
      %get3A_165 = tpu.vector_load %arg7[%get3A_163, %get3A_164] {strides = array<i32>} : memref<64x768xf32, #tpu.memory_space<vmem>>, vector<1x16xf32>,
      %get3A_166 = vector.shape_cast %get3A_165 : vector<1x16xf32> to vector<16xf32>
      %mul3A_167 = arith.mulf %get3A_30, %get3A_166 : vector<16xf32>
      %add3A_168 = arith.addf %mul3A_162, %mul3A_167 : vector<16xf32>
      %swap3A_169 = arith.index_cast %scan3A_22 : i32 to index
      %swap3A_170 = arith.constant 128 : index
      %swap3A_171 = tpu.vector_load %arg6[%swap3A_169, %swap3A_170] {strides = array<i32>} : memref<64x768xf32, #tpu.memory_space<vmem>>, vector<1x16xf32>,
      %swap3A_172 = vector.shape_cast %swap3A_171 : vector<1x16xf32> to vector<16xf32>
      %swap3A_173 = vector.shape_cast %add3A_168 : vector<16xf32> to vector<1x16xf32>
      tpu.vector_store %arg6[%swap3A_169, %swap3A_170], %swap3A_173 {strides = array<i32>} : memref<64x768xf32, #tpu.memory_space<vmem>>, vector<1x16xf32>,
      %get3A_174 = arith.index_cast %scan3A_22 : i32 to index
      %get3A_175 = arith.constant 144 : index
      %get3A_176 = tpu.vector_load %arg6[%get3A_174, %get3A_175] {strides = array<i32>} : memref<64x768xf32, #tpu.memory_space<vmem>>, vector<1x16xf32>,
      %get3A_177 = vector.shape_cast %get3A_176 : vector<1x16xf32> to vector<16xf32>
      %mul3A_178 = arith.mulf %get3A_26, %get3A_177 : vector<16xf32>
      %get3A_179 = arith.index_cast %scan3A_22 : i32 to index
      %get3A_180 = arith.constant 144 : index
      %get3A_181 = tpu.vector_load %arg7[%get3A_179, %get3A_180] {strides = array<i32>} : memref<64x768xf32, #tpu.memory_space<vmem>>, vector<1x16xf32>,
      %get3A_182 = vector.shape_cast %get3A_181 : vector<1x16xf32> to vector<16xf32>
      %mul3A_183 = arith.mulf %get3A_30, %get3A_182 : vector<16xf32>
      %add3A_184 = arith.addf %mul3A_178, %mul3A_183 : vector<16xf32>
      %swap3A_185 = arith.index_cast %scan3A_22 : i32 to index
      %swap3A_186 = arith.constant 144 : index
      %swap3A_187 = tpu.vector_load %arg6[%swap3A_185, %swap3A_186] {strides = array<i32>} : memref<64x768xf32, #tpu.memory_space<vmem>>, vector<1x16xf32>,
      %swap3A_188 = vector.shape_cast %swap3A_187 : vector<1x16xf32> to vector<16xf32>
      %swap3A_189 = vector.shape_cast %add3A_184 : vector<16xf32> to vector<1x16xf32>
      tpu.vector_store %arg6[%swap3A_185, %swap3A_186], %swap3A_189 {strides = array<i32>} : memref<64x768xf32, #tpu.memory_space<vmem>>, vector<1x16xf32>,
      %get3A_190 = arith.index_cast %scan3A_22 : i32 to index
      %get3A_191 = arith.constant 160 : index
      %get3A_192 = tpu.vector_load %arg6[%get3A_190, %get3A_191] {strides = array<i32>} : memref<64x768xf32, #tpu.memory_space<vmem>>, vector<1x16xf32>,
      %get3A_193 = vector.shape_cast %get3A_192 : vector<1x16xf32> to vector<16xf32>
      %mul3A_194 = arith.mulf %get3A_26, %get3A_193 : vector<16xf32>
      %get3A_195 = arith.index_cast %scan3A_22 : i32 to index
      %get3A_196 = arith.constant 160 : index
      %get3A_197 = tpu.vector_load %arg7[%get3A_195, %get3A_196] {strides = array<i32>} : memref<64x768xf32, #tpu.memory_space<vmem>>, vector<1x16xf32>,
      %get3A_198 = vector.shape_cast %get3A_197 : vector<1x16xf32> to vector<16xf32>
      %mul3A_199 = arith.mulf %get3A_30, %get3A_198 : vector<16xf32>
      %add3A_200 = arith.addf %mul3A_194, %mul3A_199 : vector<16xf32>
      %swap3A_201 = arith.index_cast %scan3A_22 : i32 to index
      %swap3A_202 = arith.constant 160 : index
      %swap3A_203 = tpu.vector_load %arg6[%swap3A_201, %swap3A_202] {strides = array<i32>} : memref<64x768xf32, #tpu.memory_space<vmem>>, vector<1x16xf32>,
      %swap3A_204 = vector.shape_cast %swap3A_203 : vector<1x16xf32> to vector<16xf32>
      %swap3A_205 = vector.shape_cast %add3A_200 : vector<16xf32> to vector<1x16xf32>
      tpu.vector_store %arg6[%swap3A_201, %swap3A_202], %swap3A_205 {strides = array<i32>} : memref<64x768xf32, #tpu.memory_space<vmem>>, vector<1x16xf32>,
      %get3A_206 = arith.index_cast %scan3A_22 : i32 to index
      %get3A_207 = arith.constant 176 : index
      %get3A_208 = tpu.vector_load %arg6[%get3A_206, %get3A_207] {strides = array<i32>} : memref<64x768xf32, #tpu.memory_space<vmem>>, vector<1x16xf32>,
      %get3A_209 = vector.shape_cast %get3A_208 : vector<1x16xf32> to vector<16xf32>
      %mul3A_210 = arith.mulf %get3A_26, %get3A_209 : vector<16xf32>
      %get3A_211 = arith.index_cast %scan3A_22 : i32 to index
      %get3A_212 = arith.constant 176 : index
      %get3A_213 = tpu.vector_load %arg7[%get3A_211, %get3A_212] {strides = array<i32>} : memref<64x768xf32, #tpu.memory_space<vmem>>, vector<1x16xf32>,
      %get3A_214 = vector.shape_cast %get3A_213 : vector<1x16xf32> to vector<16xf32>
      %mul3A_215 = arith.mulf %get3A_30, %get3A_214 : vector<16xf32>
      %add3A_216 = arith.addf %mul3A_210, %mul3A_215 : vector<16xf32>
      %swap3A_217 = arith.index_cast %scan3A_22 : i32 to index
      %swap3A_218 = arith.constant 176 : index
      %swap3A_219 = tpu.vector_load %arg6[%swap3A_217, %swap3A_218] {strides = array<i32>} : memref<64x768xf32, #tpu.memory_space<vmem>>, vector<1x16xf32>,
      %swap3A_220 = vector.shape_cast %swap3A_219 : vector<1x16xf32> to vector<16xf32>
      %swap3A_221 = vector.shape_cast %add3A_216 : vector<16xf32> to vector<1x16xf32>
      tpu.vector_store %arg6[%swap3A_217, %swap3A_218], %swap3A_221 {strides = array<i32>} : memref<64x768xf32, #tpu.memory_space<vmem>>, vector<1x16xf32>,
      %get3A_222 = arith.index_cast %scan3A_22 : i32 to index
      %get3A_223 = arith.constant 192 : index
      %get3A_224 = tpu.vector_load %arg6[%get3A_222, %get3A_223] {strides = array<i32>} : memref<64x768xf32, #tpu.memory_space<vmem>>, vector<1x16xf32>,
      %get3A_225 = vector.shape_cast %get3A_224 : vector<1x16xf32> to vector<16xf32>
      %mul3A_226 = arith.mulf %get3A_26, %get3A_225 : vector<16xf32>
      %get3A_227 = arith.index_cast %scan3A_22 : i32 to index
      %get3A_228 = arith.constant 192 : index
      %get3A_229 = tpu.vector_load %arg7[%get3A_227, %get3A_228] {strides = array<i32>} : memref<64x768xf32, #tpu.memory_space<vmem>>, vector<1x16xf32>,
      %get3A_230 = vector.shape_cast %get3A_229 : vector<1x16xf32> to vector<16xf32>
      %mul3A_231 = arith.mulf %get3A_30, %get3A_230 : vector<16xf32>
      %add3A_232 = arith.addf %mul3A_226, %mul3A_231 : vector<16xf32>
      %swap3A_233 = arith.index_cast %scan3A_22 : i32 to index
      %swap3A_234 = arith.constant 192 : index
      %swap3A_235 = tpu.vector_load %arg6[%swap3A_233, %swap3A_234] {strides = array<i32>} : memref<64x768xf32, #tpu.memory_space<vmem>>, vector<1x16xf32>,
      %swap3A_236 = vector.shape_cast %swap3A_235 : vector<1x16xf32> to vector<16xf32>
      %swap3A_237 = vector.shape_cast %add3A_232 : vector<16xf32> to vector<1x16xf32>
      tpu.vector_store %arg6[%swap3A_233, %swap3A_234], %swap3A_237 {strides = array<i32>} : memref<64x768xf32, #tpu.memory_space<vmem>>, vector<1x16xf32>,
      %get3A_238 = arith.index_cast %scan3A_22 : i32 to index
      %get3A_239 = arith.constant 208 : index
      %get3A_240 = tpu.vector_load %arg6[%get3A_238, %get3A_239] {strides = array<i32>} : memref<64x768xf32, #tpu.memory_space<vmem>>, vector<1x16xf32>,
      %get3A_241 = vector.shape_cast %get3A_240 : vector<1x16xf32> to vector<16xf32>
      %mul3A_242 = arith.mulf %get3A_26, %get3A_241 : vector<16xf32>
      %get3A_243 = arith.index_cast %scan3A_22 : i32 to index
      %get3A_244 = arith.constant 208 : index
      %get3A_245 = tpu.vector_load %arg7[%get3A_243, %get3A_244] {strides = array<i32>} : memref<64x768xf32, #tpu.memory_space<vmem>>, vector<1x16xf32>,
      %get3A_246 = vector.shape_cast %get3A_245 : vector<1x16xf32> to vector<16xf32>
      %mul3A_247 = arith.mulf %get3A_30, %get3A_246 : vector<16xf32>
      %add3A_248 = arith.addf %mul3A_242, %mul3A_247 : vector<16xf32>
      %swap3A_249 = arith.index_cast %scan3A_22 : i32 to index
      %swap3A_250 = arith.constant 208 : index
      %swap3A_251 = tpu.vector_load %arg6[%swap3A_249, %swap3A_250] {strides = array<i32>} : memref<64x768xf32, #tpu.memory_space<vmem>>, vector<1x16xf32>,
      %swap3A_252 = vector.shape_cast %swap3A_251 : vector<1x16xf32> to vector<16xf32>
      %swap3A_253 = vector.shape_cast %add3A_248 : vector<16xf32> to vector<1x16xf32>
      tpu.vector_store %arg6[%swap3A_249, %swap3A_250], %swap3A_253 {strides = array<i32>} : memref<64x768xf32, #tpu.memory_space<vmem>>, vector<1x16xf32>,
      %get3A_254 = arith.index_cast %scan3A_22 : i32 to index
      %get3A_255 = arith.constant 224 : index
      %get3A_256 = tpu.vector_load %arg6[%get3A_254, %get3A_255] {strides = array<i32>} : memref<64x768xf32, #tpu.memory_space<vmem>>, vector<1x16xf32>,
      %get3A_257 = vector.shape_cast %get3A_256 : vector<1x16xf32> to vector<16xf32>
      %mul3A_258 = arith.mulf %get3A_26, %get3A_257 : vector<16xf32>
      %get3A_259 = arith.index_cast %scan3A_22 : i32 to index
      %get3A_260 = arith.constant 224 : index
      %get3A_261 = tpu.vector_load %arg7[%get3A_259, %get3A_260] {strides = array<i32>} : memref<64x768xf32, #tpu.memory_space<vmem>>, vector<1x16xf32>,
      %get3A_262 = vector.shape_cast %get3A_261 : vector<1x16xf32> to vector<16xf32>
      %mul3A_263 = arith.mulf %get3A_30, %get3A_262 : vector<16xf32>
      %add3A_264 = arith.addf %mul3A_258, %mul3A_263 : vector<16xf32>
      %swap3A_265 = arith.index_cast %scan3A_22 : i32 to index
      %swap3A_266 = arith.constant 224 : index
      %swap3A_267 = tpu.vector_load %arg6[%swap3A_265, %swap3A_266] {strides = array<i32>} : memref<64x768xf32, #tpu.memory_space<vmem>>, vector<1x16xf32>,
      %swap3A_268 = vector.shape_cast %swap3A_267 : vector<1x16xf32> to vector<16xf32>
      %swap3A_269 = vector.shape_cast %add3A_264 : vector<16xf32> to vector<1x16xf32>
      tpu.vector_store %arg6[%swap3A_265, %swap3A_266], %swap3A_269 {strides = array<i32>} : memref<64x768xf32, #tpu.memory_space<vmem>>, vector<1x16xf32>,
      %get3A_270 = arith.index_cast %scan3A_22 : i32 to index
      %get3A_271 = arith.constant 240 : index
      %get3A_272 = tpu.vector_load %arg6[%get3A_270, %get3A_271] {strides = array<i32>} : memref<64x768xf32, #tpu.memory_space<vmem>>, vector<1x16xf32>,
      %get3A_273 = vector.shape_cast %get3A_272 : vector<1x16xf32> to vector<16xf32>
      %mul3A_274 = arith.mulf %get3A_26, %get3A_273 : vector<16xf32>
      %get3A_275 = arith.index_cast %scan3A_22 : i32 to index
      %get3A_276 = arith.constant 240 : index
      %get3A_277 = tpu.vector_load %arg7[%get3A_275, %get3A_276] {strides = array<i32>} : memref<64x768xf32, #tpu.memory_space<vmem>>, vector<1x16xf32>,
      %get3A_278 = vector.shape_cast %get3A_277 : vector<1x16xf32> to vector<16xf32>
      %mul3A_279 = arith.mulf %get3A_30, %get3A_278 : vector<16xf32>
      %add3A_280 = arith.addf %mul3A_274, %mul3A_279 : vector<16xf32>
      %swap3A_281 = arith.index_cast %scan3A_22 : i32 to index
      %swap3A_282 = arith.constant 240 : index
      %swap3A_283 = tpu.vector_load %arg6[%swap3A_281, %swap3A_282] {strides = array<i32>} : memref<64x768xf32, #tpu.memory_space<vmem>>, vector<1x16xf32>,
      %swap3A_284 = vector.shape_cast %swap3A_283 : vector<1x16xf32> to vector<16xf32>
      %swap3A_285 = vector.shape_cast %add3A_280 : vector<16xf32> to vector<1x16xf32>
      tpu.vector_store %arg6[%swap3A_281, %swap3A_282], %swap3A_285 {strides = array<i32>} : memref<64x768xf32, #tpu.memory_space<vmem>>, vector<1x16xf32>,
      %get3A_286 = arith.index_cast %scan3A_22 : i32 to index
      %get3A_287 = arith.constant 256 : index
      %get3A_288 = tpu.vector_load %arg6[%get3A_286, %get3A_287] {strides = array<i32>} : memref<64x768xf32, #tpu.memory_space<vmem>>, vector<1x16xf32>,
      %get3A_289 = vector.shape_cast %get3A_288 : vector<1x16xf32> to vector<16xf32>
      %mul3A_290 = arith.mulf %get3A_26, %get3A_289 : vector<16xf32>
      %get3A_291 = arith.index_cast %scan3A_22 : i32 to index
      %get3A_292 = arith.constant 256 : index
      %get3A_293 = tpu.vector_load %arg7[%get3A_291, %get3A_292] {strides = array<i32>} : memref<64x768xf32, #tpu.memory_space<vmem>>, vector<1x16xf32>,
      %get3A_294 = vector.shape_cast %get3A_293 : vector<1x16xf32> to vector<16xf32>
      %mul3A_295 = arith.mulf %get3A_30, %get3A_294 : vector<16xf32>
      %add3A_296 = arith.addf %mul3A_290, %mul3A_295 : vector<16xf32>
      %swap3A_297 = arith.index_cast %scan3A_22 : i32 to index
      %swap3A_298 = arith.constant 256 : index
      %swap3A_299 = tpu.vector_load %arg6[%swap3A_297, %swap3A_298] {strides = array<i32>} : memref<64x768xf32, #tpu.memory_space<vmem>>, vector<1x16xf32>,
      %swap3A_300 = vector.shape_cast %swap3A_299 : vector<1x16xf32> to vector<16xf32>
      %swap3A_301 = vector.shape_cast %add3A_296 : vector<16xf32> to vector<1x16xf32>
      tpu.vector_store %arg6[%swap3A_297, %swap3A_298], %swap3A_301 {strides = array<i32>} : memref<64x768xf32, #tpu.memory_space<vmem>>, vector<1x16xf32>,
      %get3A_302 = arith.index_cast %scan3A_22 : i32 to index
      %get3A_303 = arith.constant 272 : index
      %get3A_304 = tpu.vector_load %arg6[%get3A_302, %get3A_303] {strides = array<i32>} : memref<64x768xf32, #tpu.memory_space<vmem>>, vector<1x16xf32>,
      %get3A_305 = vector.shape_cast %get3A_304 : vector<1x16xf32> to vector<16xf32>
      %mul3A_306 = arith.mulf %get3A_26, %get3A_305 : vector<16xf32>
      %get3A_307 = arith.index_cast %scan3A_22 : i32 to index
      %get3A_308 = arith.constant 272 : index
      %get3A_309 = tpu.vector_load %arg7[%get3A_307, %get3A_308] {strides = array<i32>} : memref<64x768xf32, #tpu.memory_space<vmem>>, vector<1x16xf32>,
      %get3A_310 = vector.shape_cast %get3A_309 : vector<1x16xf32> to vector<16xf32>
      %mul3A_311 = arith.mulf %get3A_30, %get3A_310 : vector<16xf32>
      %add3A_312 = arith.addf %mul3A_306, %mul3A_311 : vector<16xf32>
      %swap3A_313 = arith.index_cast %scan3A_22 : i32 to index
      %swap3A_314 = arith.constant 272 : index
      %swap3A_315 = tpu.vector_load %arg6[%swap3A_313, %swap3A_314] {strides = array<i32>} : memref<64x768xf32, #tpu.memory_space<vmem>>, vector<1x16xf32>,
      %swap3A_316 = vector.shape_cast %swap3A_315 : vector<1x16xf32> to vector<16xf32>
      %swap3A_317 = vector.shape_cast %add3A_312 : vector<16xf32> to vector<1x16xf32>
      tpu.vector_store %arg6[%swap3A_313, %swap3A_314], %swap3A_317 {strides = array<i32>} : memref<64x768xf32, #tpu.memory_space<vmem>>, vector<1x16xf32>,
      %get3A_318 = arith.index_cast %scan3A_22 : i32 to index
      %get3A_319 = arith.constant 288 : index
      %get3A_320 = tpu.vector_load %arg6[%get3A_318, %get3A_319] {strides = array<i32>} : memref<64x768xf32, #tpu.memory_space<vmem>>, vector<1x16xf32>,
      %get3A_321 = vector.shape_cast %get3A_320 : vector<1x16xf32> to vector<16xf32>
      %mul3A_322 = arith.mulf %get3A_26, %get3A_321 : vector<16xf32>
      %get3A_323 = arith.index_cast %scan3A_22 : i32 to index
      %get3A_324 = arith.constant 288 : index
      %get3A_325 = tpu.vector_load %arg7[%get3A_323, %get3A_324] {strides = array<i32>} : memref<64x768xf32, #tpu.memory_space<vmem>>, vector<1x16xf32>,
      %get3A_326 = vector.shape_cast %get3A_325 : vector<1x16xf32> to vector<16xf32>
      %mul3A_327 = arith.mulf %get3A_30, %get3A_326 : vector<16xf32>
      %add3A_328 = arith.addf %mul3A_322, %mul3A_327 : vector<16xf32>
      %swap3A_329 = arith.index_cast %scan3A_22 : i32 to index
      %swap3A_330 = arith.constant 288 : index
      %swap3A_331 = tpu.vector_load %arg6[%swap3A_329, %swap3A_330] {strides = array<i32>} : memref<64x768xf32, #tpu.memory_space<vmem>>, vector<1x16xf32>,
      %swap3A_332 = vector.shape_cast %swap3A_331 : vector<1x16xf32> to vector<16xf32>
      %swap3A_333 = vector.shape_cast %add3A_328 : vector<16xf32> to vector<1x16xf32>
      tpu.vector_store %arg6[%swap3A_329, %swap3A_330], %swap3A_333 {strides = array<i32>} : memref<64x768xf32, #tpu.memory_space<vmem>>, vector<1x16xf32>,
      %get3A_334 = arith.index_cast %scan3A_22 : i32 to index
      %get3A_335 = arith.constant 304 : index
      %get3A_336 = tpu.vector_load %arg6[%get3A_334, %get3A_335] {strides = array<i32>} : memref<64x768xf32, #tpu.memory_space<vmem>>, vector<1x16xf32>,
      %get3A_337 = vector.shape_cast %get3A_336 : vector<1x16xf32> to vector<16xf32>
      %mul3A_338 = arith.mulf %get3A_26, %get3A_337 : vector<16xf32>
      %get3A_339 = arith.index_cast %scan3A_22 : i32 to index
      %get3A_340 = arith.constant 304 : index
      %get3A_341 = tpu.vector_load %arg7[%get3A_339, %get3A_340] {strides = array<i32>} : memref<64x768xf32, #tpu.memory_space<vmem>>, vector<1x16xf32>,
      %get3A_342 = vector.shape_cast %get3A_341 : vector<1x16xf32> to vector<16xf32>
      %mul3A_343 = arith.mulf %get3A_30, %get3A_342 : vector<16xf32>
      %add3A_344 = arith.addf %mul3A_338, %mul3A_343 : vector<16xf32>
      %swap3A_345 = arith.index_cast %scan3A_22 : i32 to index
      %swap3A_346 = arith.constant 304 : index
      %swap3A_347 = tpu.vector_load %arg6[%swap3A_345, %swap3A_346] {strides = array<i32>} : memref<64x768xf32, #tpu.memory_space<vmem>>, vector<1x16xf32>,
      %swap3A_348 = vector.shape_cast %swap3A_347 : vector<1x16xf32> to vector<16xf32>
      %swap3A_349 = vector.shape_cast %add3A_344 : vector<16xf32> to vector<1x16xf32>
      tpu.vector_store %arg6[%swap3A_345, %swap3A_346], %swap3A_349 {strides = array<i32>} : memref<64x768xf32, #tpu.memory_space<vmem>>, vector<1x16xf32>,
      %get3A_350 = arith.index_cast %scan3A_22 : i32 to index
      %get3A_351 = arith.constant 320 : index
      %get3A_352 = tpu.vector_load %arg6[%get3A_350, %get3A_351] {strides = array<i32>} : memref<64x768xf32, #tpu.memory_space<vmem>>, vector<1x16xf32>,
      %get3A_353 = vector.shape_cast %get3A_352 : vector<1x16xf32> to vector<16xf32>
      %mul3A_354 = arith.mulf %get3A_26, %get3A_353 : vector<16xf32>
      %get3A_355 = arith.index_cast %scan3A_22 : i32 to index
      %get3A_356 = arith.constant 320 : index
      %get3A_357 = tpu.vector_load %arg7[%get3A_355, %get3A_356] {strides = array<i32>} : memref<64x768xf32, #tpu.memory_space<vmem>>, vector<1x16xf32>,
      %get3A_358 = vector.shape_cast %get3A_357 : vector<1x16xf32> to vector<16xf32>
      %mul3A_359 = arith.mulf %get3A_30, %get3A_358 : vector<16xf32>
      %add3A_360 = arith.addf %mul3A_354, %mul3A_359 : vector<16xf32>
      %swap3A_361 = arith.index_cast %scan3A_22 : i32 to index
      %swap3A_362 = arith.constant 320 : index
      %swap3A_363 = tpu.vector_load %arg6[%swap3A_361, %swap3A_362] {strides = array<i32>} : memref<64x768xf32, #tpu.memory_space<vmem>>, vector<1x16xf32>,
      %swap3A_364 = vector.shape_cast %swap3A_363 : vector<1x16xf32> to vector<16xf32>
      %swap3A_365 = vector.shape_cast %add3A_360 : vector<16xf32> to vector<1x16xf32>
      tpu.vector_store %arg6[%swap3A_361, %swap3A_362], %swap3A_365 {strides = array<i32>} : memref<64x768xf32, #tpu.memory_space<vmem>>, vector<1x16xf32>,
      %get3A_366 = arith.index_cast %scan3A_22 : i32 to index
      %get3A_367 = arith.constant 336 : index
      %get3A_368 = tpu.vector_load %arg6[%get3A_366, %get3A_367] {strides = array<i32>} : memref<64x768xf32, #tpu.memory_space<vmem>>, vector<1x16xf32>,
      %get3A_369 = vector.shape_cast %get3A_368 : vector<1x16xf32> to vector<16xf32>
      %mul3A_370 = arith.mulf %get3A_26, %get3A_369 : vector<16xf32>
      %get3A_371 = arith.index_cast %scan3A_22 : i32 to index
      %get3A_372 = arith.constant 336 : index
      %get3A_373 = tpu.vector_load %arg7[%get3A_371, %get3A_372] {strides = array<i32>} : memref<64x768xf32, #tpu.memory_space<vmem>>, vector<1x16xf32>,
      %get3A_374 = vector.shape_cast %get3A_373 : vector<1x16xf32> to vector<16xf32>
      %mul3A_375 = arith.mulf %get3A_30, %get3A_374 : vector<16xf32>
      %add3A_376 = arith.addf %mul3A_370, %mul3A_375 : vector<16xf32>
      %swap3A_377 = arith.index_cast %scan3A_22 : i32 to index
      %swap3A_378 = arith.constant 336 : index
      %swap3A_379 = tpu.vector_load %arg6[%swap3A_377, %swap3A_378] {strides = array<i32>} : memref<64x768xf32, #tpu.memory_space<vmem>>, vector<1x16xf32>,
      %swap3A_380 = vector.shape_cast %swap3A_379 : vector<1x16xf32> to vector<16xf32>
      %swap3A_381 = vector.shape_cast %add3A_376 : vector<16xf32> to vector<1x16xf32>
      tpu.vector_store %arg6[%swap3A_377, %swap3A_378], %swap3A_381 {strides = array<i32>} : memref<64x768xf32, #tpu.memory_space<vmem>>, vector<1x16xf32>,
      %get3A_382 = arith.index_cast %scan3A_22 : i32 to index
      %get3A_383 = arith.constant 352 : index
      %get3A_384 = tpu.vector_load %arg6[%get3A_382, %get3A_383] {strides = array<i32>} : memref<64x768xf32, #tpu.memory_space<vmem>>, vector<1x16xf32>,
      %get3A_385 = vector.shape_cast %get3A_384 : vector<1x16xf32> to vector<16xf32>
      %mul3A_386 = arith.mulf %get3A_26, %get3A_385 : vector<16xf32>
      %get3A_387 = arith.index_cast %scan3A_22 : i32 to index
      %get3A_388 = arith.constant 352 : index
      %get3A_389 = tpu.vector_load %arg7[%get3A_387, %get3A_388] {strides = array<i32>} : memref<64x768xf32, #tpu.memory_space<vmem>>, vector<1x16xf32>,
      %get3A_390 = vector.shape_cast %get3A_389 : vector<1x16xf32> to vector<16xf32>
      %mul3A_391 = arith.mulf %get3A_30, %get3A_390 : vector<16xf32>
      %add3A_392 = arith.addf %mul3A_386, %mul3A_391 : vector<16xf32>
      %swap3A_393 = arith.index_cast %scan3A_22 : i32 to index
      %swap3A_394 = arith.constant 352 : index
      %swap3A_395 = tpu.vector_load %arg6[%swap3A_393, %swap3A_394] {strides = array<i32>} : memref<64x768xf32, #tpu.memory_space<vmem>>, vector<1x16xf32>,
      %swap3A_396 = vector.shape_cast %swap3A_395 : vector<1x16xf32> to vector<16xf32>
      %swap3A_397 = vector.shape_cast %add3A_392 : vector<16xf32> to vector<1x16xf32>
      tpu.vector_store %arg6[%swap3A_393, %swap3A_394], %swap3A_397 {strides = array<i32>} : memref<64x768xf32, #tpu.memory_space<vmem>>, vector<1x16xf32>,
      %get3A_398 = arith.index_cast %scan3A_22 : i32 to index
      %get3A_399 = arith.constant 368 : index
      %get3A_400 = tpu.vector_load %arg6[%get3A_398, %get3A_399] {strides = array<i32>} : memref<64x768xf32, #tpu.memory_space<vmem>>, vector<1x16xf32>,
      %get3A_401 = vector.shape_cast %get3A_400 : vector<1x16xf32> to vector<16xf32>
      %mul3A_402 = arith.mulf %get3A_26, %get3A_401 : vector<16xf32>
      %get3A_403 = arith.index_cast %scan3A_22 : i32 to index
      %get3A_404 = arith.constant 368 : index
      %get3A_405 = tpu.vector_load %arg7[%get3A_403, %get3A_404] {strides = array<i32>} : memref<64x768xf32, #tpu.memory_space<vmem>>, vector<1x16xf32>,
      %get3A_406 = vector.shape_cast %get3A_405 : vector<1x16xf32> to vector<16xf32>
      %mul3A_407 = arith.mulf %get3A_30, %get3A_406 : vector<16xf32>
      %add3A_408 = arith.addf %mul3A_402, %mul3A_407 : vector<16xf32>
      %swap3A_409 = arith.index_cast %scan3A_22 : i32 to index
      %swap3A_410 = arith.constant 368 : index
      %swap3A_411 = tpu.vector_load %arg6[%swap3A_409, %swap3A_410] {strides = array<i32>} : memref<64x768xf32, #tpu.memory_space<vmem>>, vector<1x16xf32>,
      %swap3A_412 = vector.shape_cast %swap3A_411 : vector<1x16xf32> to vector<16xf32>
      %swap3A_413 = vector.shape_cast %add3A_408 : vector<16xf32> to vector<1x16xf32>
      tpu.vector_store %arg6[%swap3A_409, %swap3A_410], %swap3A_413 {strides = array<i32>} : memref<64x768xf32, #tpu.memory_space<vmem>>, vector<1x16xf32>,
      %get3A_414 = arith.index_cast %scan3A_22 : i32 to index
      %get3A_415 = arith.constant 384 : index
      %get3A_416 = tpu.vector_load %arg6[%get3A_414, %get3A_415] {strides = array<i32>} : memref<64x768xf32, #tpu.memory_space<vmem>>, vector<1x16xf32>,
      %get3A_417 = vector.shape_cast %get3A_416 : vector<1x16xf32> to vector<16xf32>
      %mul3A_418 = arith.mulf %get3A_26, %get3A_417 : vector<16xf32>
      %get3A_419 = arith.index_cast %scan3A_22 : i32 to index
      %get3A_420 = arith.constant 384 : index
      %get3A_421 = tpu.vector_load %arg7[%get3A_419, %get3A_420] {strides = array<i32>} : memref<64x768xf32, #tpu.memory_space<vmem>>, vector<1x16xf32>,
      %get3A_422 = vector.shape_cast %get3A_421 : vector<1x16xf32> to vector<16xf32>
      %mul3A_423 = arith.mulf %get3A_30, %get3A_422 : vector<16xf32>
      %add3A_424 = arith.addf %mul3A_418, %mul3A_423 : vector<16xf32>
      %swap3A_425 = arith.index_cast %scan3A_22 : i32 to index
      %swap3A_426 = arith.constant 384 : index
      %swap3A_427 = tpu.vector_load %arg6[%swap3A_425, %swap3A_426] {strides = array<i32>} : memref<64x768xf32, #tpu.memory_space<vmem>>, vector<1x16xf32>,
      %swap3A_428 = vector.shape_cast %swap3A_427 : vector<1x16xf32> to vector<16xf32>
      %swap3A_429 = vector.shape_cast %add3A_424 : vector<16xf32> to vector<1x16xf32>
      tpu.vector_store %arg6[%swap3A_425, %swap3A_426], %swap3A_429 {strides = array<i32>} : memref<64x768xf32, #tpu.memory_space<vmem>>, vector<1x16xf32>,
      %get3A_430 = arith.index_cast %scan3A_22 : i32 to index
      %get3A_431 = arith.constant 400 : index
      %get3A_432 = tpu.vector_load %arg6[%get3A_430, %get3A_431] {strides = array<i32>} : memref<64x768xf32, #tpu.memory_space<vmem>>, vector<1x16xf32>,
      %get3A_433 = vector.shape_cast %get3A_432 : vector<1x16xf32> to vector<16xf32>
      %mul3A_434 = arith.mulf %get3A_26, %get3A_433 : vector<16xf32>
      %get3A_435 = arith.index_cast %scan3A_22 : i32 to index
      %get3A_436 = arith.constant 400 : index
      %get3A_437 = tpu.vector_load %arg7[%get3A_435, %get3A_436] {strides = array<i32>} : memref<64x768xf32, #tpu.memory_space<vmem>>, vector<1x16xf32>,
      %get3A_438 = vector.shape_cast %get3A_437 : vector<1x16xf32> to vector<16xf32>
      %mul3A_439 = arith.mulf %get3A_30, %get3A_438 : vector<16xf32>
      %add3A_440 = arith.addf %mul3A_434, %mul3A_439 : vector<16xf32>
      %swap3A_441 = arith.index_cast %scan3A_22 : i32 to index
      %swap3A_442 = arith.constant 400 : index
      %swap3A_443 = tpu.vector_load %arg6[%swap3A_441, %swap3A_442] {strides = array<i32>} : memref<64x768xf32, #tpu.memory_space<vmem>>, vector<1x16xf32>,
      %swap3A_444 = vector.shape_cast %swap3A_443 : vector<1x16xf32> to vector<16xf32>
      %swap3A_445 = vector.shape_cast %add3A_440 : vector<16xf32> to vector<1x16xf32>
      tpu.vector_store %arg6[%swap3A_441, %swap3A_442], %swap3A_445 {strides = array<i32>} : memref<64x768xf32, #tpu.memory_space<vmem>>, vector<1x16xf32>,
      %get3A_446 = arith.index_cast %scan3A_22 : i32 to index
      %get3A_447 = arith.constant 416 : index
      %get3A_448 = tpu.vector_load %arg6[%get3A_446, %get3A_447] {strides = array<i32>} : memref<64x768xf32, #tpu.memory_space<vmem>>, vector<1x16xf32>,
      %get3A_449 = vector.shape_cast %get3A_448 : vector<1x16xf32> to vector<16xf32>
      %mul3A_450 = arith.mulf %get3A_26, %get3A_449 : vector<16xf32>
      %get3A_451 = arith.index_cast %scan3A_22 : i32 to index
      %get3A_452 = arith.constant 416 : index
      %get3A_453 = tpu.vector_load %arg7[%get3A_451, %get3A_452] {strides = array<i32>} : memref<64x768xf32, #tpu.memory_space<vmem>>, vector<1x16xf32>,
      %get3A_454 = vector.shape_cast %get3A_453 : vector<1x16xf32> to vector<16xf32>
      %mul3A_455 = arith.mulf %get3A_30, %get3A_454 : vector<16xf32>
      %add3A_456 = arith.addf %mul3A_450, %mul3A_455 : vector<16xf32>
      %swap3A_457 = arith.index_cast %scan3A_22 : i32 to index
      %swap3A_458 = arith.constant 416 : index
      %swap3A_459 = tpu.vector_load %arg6[%swap3A_457, %swap3A_458] {strides = array<i32>} : memref<64x768xf32, #tpu.memory_space<vmem>>, vector<1x16xf32>,
      %swap3A_460 = vector.shape_cast %swap3A_459 : vector<1x16xf32> to vector<16xf32>
      %swap3A_461 = vector.shape_cast %add3A_456 : vector<16xf32> to vector<1x16xf32>
      tpu.vector_store %arg6[%swap3A_457, %swap3A_458], %swap3A_461 {strides = array<i32>} : memref<64x768xf32, #tpu.memory_space<vmem>>, vector<1x16xf32>,
      %get3A_462 = arith.index_cast %scan3A_22 : i32 to index
      %get3A_463 = arith.constant 432 : index
      %get3A_464 = tpu.vector_load %arg6[%get3A_462, %get3A_463] {strides = array<i32>} : memref<64x768xf32, #tpu.memory_space<vmem>>, vector<1x16xf32>,
      %get3A_465 = vector.shape_cast %get3A_464 : vector<1x16xf32> to vector<16xf32>
      %mul3A_466 = arith.mulf %get3A_26, %get3A_465 : vector<16xf32>
      %get3A_467 = arith.index_cast %scan3A_22 : i32 to index
      %get3A_468 = arith.constant 432 : index
      %get3A_469 = tpu.vector_load %arg7[%get3A_467, %get3A_468] {strides = array<i32>} : memref<64x768xf32, #tpu.memory_space<vmem>>, vector<1x16xf32>,
      %get3A_470 = vector.shape_cast %get3A_469 : vector<1x16xf32> to vector<16xf32>
      %mul3A_471 = arith.mulf %get3A_30, %get3A_470 : vector<16xf32>
      %add3A_472 = arith.addf %mul3A_466, %mul3A_471 : vector<16xf32>
      %swap3A_473 = arith.index_cast %scan3A_22 : i32 to index
      %swap3A_474 = arith.constant 432 : index
      %swap3A_475 = tpu.vector_load %arg6[%swap3A_473, %swap3A_474] {strides = array<i32>} : memref<64x768xf32, #tpu.memory_space<vmem>>, vector<1x16xf32>,
      %swap3A_476 = vector.shape_cast %swap3A_475 : vector<1x16xf32> to vector<16xf32>
      %swap3A_477 = vector.shape_cast %add3A_472 : vector<16xf32> to vector<1x16xf32>
      tpu.vector_store %arg6[%swap3A_473, %swap3A_474], %swap3A_477 {strides = array<i32>} : memref<64x768xf32, #tpu.memory_space<vmem>>, vector<1x16xf32>,
      %get3A_478 = arith.index_cast %scan3A_22 : i32 to index
      %get3A_479 = arith.constant 448 : index
      %get3A_480 = tpu.vector_load %arg6[%get3A_478, %get3A_479] {strides = array<i32>} : memref<64x768xf32, #tpu.memory_space<vmem>>, vector<1x16xf32>,
      %get3A_481 = vector.shape_cast %get3A_480 : vector<1x16xf32> to vector<16xf32>
      %mul3A_482 = arith.mulf %get3A_26, %get3A_481 : vector<16xf32>
      %get3A_483 = arith.index_cast %scan3A_22 : i32 to index
      %get3A_484 = arith.constant 448 : index
      %get3A_485 = tpu.vector_load %arg7[%get3A_483, %get3A_484] {strides = array<i32>} : memref<64x768xf32, #tpu.memory_space<vmem>>, vector<1x16xf32>,
      %get3A_486 = vector.shape_cast %get3A_485 : vector<1x16xf32> to vector<16xf32>
      %mul3A_487 = arith.mulf %get3A_30, %get3A_486 : vector<16xf32>
      %add3A_488 = arith.addf %mul3A_482, %mul3A_487 : vector<16xf32>
      %swap3A_489 = arith.index_cast %scan3A_22 : i32 to index
      %swap3A_490 = arith.constant 448 : index
      %swap3A_491 = tpu.vector_load %arg6[%swap3A_489, %swap3A_490] {strides = array<i32>} : memref<64x768xf32, #tpu.memory_space<vmem>>, vector<1x16xf32>,
      %swap3A_492 = vector.shape_cast %swap3A_491 : vector<1x16xf32> to vector<16xf32>
      %swap3A_493 = vector.shape_cast %add3A_488 : vector<16xf32> to vector<1x16xf32>
      tpu.vector_store %arg6[%swap3A_489, %swap3A_490], %swap3A_493 {strides = array<i32>} : memref<64x768xf32, #tpu.memory_space<vmem>>, vector<1x16xf32>,
      %get3A_494 = arith.index_cast %scan3A_22 : i32 to index
      %get3A_495 = arith.constant 464 : index
      %get3A_496 = tpu.vector_load %arg6[%get3A_494, %get3A_495] {strides = array<i32>} : memref<64x768xf32, #tpu.memory_space<vmem>>, vector<1x16xf32>,
      %get3A_497 = vector.shape_cast %get3A_496 : vector<1x16xf32> to vector<16xf32>
      %mul3A_498 = arith.mulf %get3A_26, %get3A_497 : vector<16xf32>
      %get3A_499 = arith.index_cast %scan3A_22 : i32 to index
      %get3A_500 = arith.constant 464 : index
      %get3A_501 = tpu.vector_load %arg7[%get3A_499, %get3A_500] {strides = array<i32>} : memref<64x768xf32, #tpu.memory_space<vmem>>, vector<1x16xf32>,
      %get3A_502 = vector.shape_cast %get3A_501 : vector<1x16xf32> to vector<16xf32>
      %mul3A_503 = arith.mulf %get3A_30, %get3A_502 : vector<16xf32>
      %add3A_504 = arith.addf %mul3A_498, %mul3A_503 : vector<16xf32>
      %swap3A_505 = arith.index_cast %scan3A_22 : i32 to index
      %swap3A_506 = arith.constant 464 : index
      %swap3A_507 = tpu.vector_load %arg6[%swap3A_505, %swap3A_506] {strides = array<i32>} : memref<64x768xf32, #tpu.memory_space<vmem>>, vector<1x16xf32>,
      %swap3A_508 = vector.shape_cast %swap3A_507 : vector<1x16xf32> to vector<16xf32>
      %swap3A_509 = vector.shape_cast %add3A_504 : vector<16xf32> to vector<1x16xf32>
      tpu.vector_store %arg6[%swap3A_505, %swap3A_506], %swap3A_509 {strides = array<i32>} : memref<64x768xf32, #tpu.memory_space<vmem>>, vector<1x16xf32>,
      %get3A_510 = arith.index_cast %scan3A_22 : i32 to index
      %get3A_511 = arith.constant 480 : index
      %get3A_512 = tpu.vector_load %arg6[%get3A_510, %get3A_511] {strides = array<i32>} : memref<64x768xf32, #tpu.memory_space<vmem>>, vector<1x16xf32>,
      %get3A_513 = vector.shape_cast %get3A_512 : vector<1x16xf32> to vector<16xf32>
      %mul3A_514 = arith.mulf %get3A_26, %get3A_513 : vector<16xf32>
      %get3A_515 = arith.index_cast %scan3A_22 : i32 to index
      %get3A_516 = arith.constant 480 : index
      %get3A_517 = tpu.vector_load %arg7[%get3A_515, %get3A_516] {strides = array<i32>} : memref<64x768xf32, #tpu.memory_space<vmem>>, vector<1x16xf32>,
      %get3A_518 = vector.shape_cast %get3A_517 : vector<1x16xf32> to vector<16xf32>
      %mul3A_519 = arith.mulf %get3A_30, %get3A_518 : vector<16xf32>
      %add3A_520 = arith.addf %mul3A_514, %mul3A_519 : vector<16xf32>
      %swap3A_521 = arith.index_cast %scan3A_22 : i32 to index
      %swap3A_522 = arith.constant 480 : index
      %swap3A_523 = tpu.vector_load %arg6[%swap3A_521, %swap3A_522] {strides = array<i32>} : memref<64x768xf32, #tpu.memory_space<vmem>>, vector<1x16xf32>,
      %swap3A_524 = vector.shape_cast %swap3A_523 : vector<1x16xf32> to vector<16xf32>
      %swap3A_525 = vector.shape_cast %add3A_520 : vector<16xf32> to vector<1x16xf32>
      tpu.vector_store %arg6[%swap3A_521, %swap3A_522], %swap3A_525 {strides = array<i32>} : memref<64x768xf32, #tpu.memory_space<vmem>>, vector<1x16xf32>,
      %get3A_526 = arith.index_cast %scan3A_22 : i32 to index
      %get3A_527 = arith.constant 496 : index
      %get3A_528 = tpu.vector_load %arg6[%get3A_526, %get3A_527] {strides = array<i32>} : memref<64x768xf32, #tpu.memory_space<vmem>>, vector<1x16xf32>,
      %get3A_529 = vector.shape_cast %get3A_528 : vector<1x16xf32> to vector<16xf32>
      %mul3A_530 = arith.mulf %get3A_26, %get3A_529 : vector<16xf32>
      %get3A_531 = arith.index_cast %scan3A_22 : i32 to index
      %get3A_532 = arith.constant 496 : index
      %get3A_533 = tpu.vector_load %arg7[%get3A_531, %get3A_532] {strides = array<i32>} : memref<64x768xf32, #tpu.memory_space<vmem>>, vector<1x16xf32>,
      %get3A_534 = vector.shape_cast %get3A_533 : vector<1x16xf32> to vector<16xf32>
      %mul3A_535 = arith.mulf %get3A_30, %get3A_534 : vector<16xf32>
      %add3A_536 = arith.addf %mul3A_530, %mul3A_535 : vector<16xf32>
      %swap3A_537 = arith.index_cast %scan3A_22 : i32 to index
      %swap3A_538 = arith.constant 496 : index
      %swap3A_539 = tpu.vector_load %arg6[%swap3A_537, %swap3A_538] {strides = array<i32>} : memref<64x768xf32, #tpu.memory_space<vmem>>, vector<1x16xf32>,
      %swap3A_540 = vector.shape_cast %swap3A_539 : vector<1x16xf32> to vector<16xf32>
      %swap3A_541 = vector.shape_cast %add3A_536 : vector<16xf32> to vector<1x16xf32>
      tpu.vector_store %arg6[%swap3A_537, %swap3A_538], %swap3A_541 {strides = array<i32>} : memref<64x768xf32, #tpu.memory_space<vmem>>, vector<1x16xf32>,
      %get3A_542 = arith.index_cast %scan3A_22 : i32 to index
      %get3A_543 = arith.constant 512 : index
      %get3A_544 = tpu.vector_load %arg6[%get3A_542, %get3A_543] {strides = array<i32>} : memref<64x768xf32, #tpu.memory_space<vmem>>, vector<1x16xf32>,
      %get3A_545 = vector.shape_cast %get3A_544 : vector<1x16xf32> to vector<16xf32>
      %mul3A_546 = arith.mulf %get3A_26, %get3A_545 : vector<16xf32>
      %get3A_547 = arith.index_cast %scan3A_22 : i32 to index
      %get3A_548 = arith.constant 512 : index
      %get3A_549 = tpu.vector_load %arg7[%get3A_547, %get3A_548] {strides = array<i32>} : memref<64x768xf32, #tpu.memory_space<vmem>>, vector<1x16xf32>,
      %get3A_550 = vector.shape_cast %get3A_549 : vector<1x16xf32> to vector<16xf32>
      %mul3A_551 = arith.mulf %get3A_30, %get3A_550 : vector<16xf32>
      %add3A_552 = arith.addf %mul3A_546, %mul3A_551 : vector<16xf32>
      %swap3A_553 = arith.index_cast %scan3A_22 : i32 to index
      %swap3A_554 = arith.constant 512 : index
      %swap3A_555 = tpu.vector_load %arg6[%swap3A_553, %swap3A_554] {strides = array<i32>} : memref<64x768xf32, #tpu.memory_space<vmem>>, vector<1x16xf32>,
      %swap3A_556 = vector.shape_cast %swap3A_555 : vector<1x16xf32> to vector<16xf32>
      %swap3A_557 = vector.shape_cast %add3A_552 : vector<16xf32> to vector<1x16xf32>
      tpu.vector_store %arg6[%swap3A_553, %swap3A_554], %swap3A_557 {strides = array<i32>} : memref<64x768xf32, #tpu.memory_space<vmem>>, vector<1x16xf32>,
      %get3A_558 = arith.index_cast %scan3A_22 : i32 to index
      %get3A_559 = arith.constant 528 : index
      %get3A_560 = tpu.vector_load %arg6[%get3A_558, %get3A_559] {strides = array<i32>} : memref<64x768xf32, #tpu.memory_space<vmem>>, vector<1x16xf32>,
      %get3A_561 = vector.shape_cast %get3A_560 : vector<1x16xf32> to vector<16xf32>
      %mul3A_562 = arith.mulf %get3A_26, %get3A_561 : vector<16xf32>
      %get3A_563 = arith.index_cast %scan3A_22 : i32 to index
      %get3A_564 = arith.constant 528 : index
      %get3A_565 = tpu.vector_load %arg7[%get3A_563, %get3A_564] {strides = array<i32>} : memref<64x768xf32, #tpu.memory_space<vmem>>, vector<1x16xf32>,
      %get3A_566 = vector.shape_cast %get3A_565 : vector<1x16xf32> to vector<16xf32>
      %mul3A_567 = arith.mulf %get3A_30, %get3A_566 : vector<16xf32>
      %add3A_568 = arith.addf %mul3A_562, %mul3A_567 : vector<16xf32>
      %swap3A_569 = arith.index_cast %scan3A_22 : i32 to index
      %swap3A_570 = arith.constant 528 : index
      %swap3A_571 = tpu.vector_load %arg6[%swap3A_569, %swap3A_570] {strides = array<i32>} : memref<64x768xf32, #tpu.memory_space<vmem>>, vector<1x16xf32>,
      %swap3A_572 = vector.shape_cast %swap3A_571 : vector<1x16xf32> to vector<16xf32>
      %swap3A_573 = vector.shape_cast %add3A_568 : vector<16xf32> to vector<1x16xf32>
      tpu.vector_store %arg6[%swap3A_569, %swap3A_570], %swap3A_573 {strides = array<i32>} : memref<64x768xf32, #tpu.memory_space<vmem>>, vector<1x16xf32>,
      %get3A_574 = arith.index_cast %scan3A_22 : i32 to index
      %get3A_575 = arith.constant 544 : index
      %get3A_576 = tpu.vector_load %arg6[%get3A_574, %get3A_575] {strides = array<i32>} : memref<64x768xf32, #tpu.memory_space<vmem>>, vector<1x16xf32>,
      %get3A_577 = vector.shape_cast %get3A_576 : vector<1x16xf32> to vector<16xf32>
      %mul3A_578 = arith.mulf %get3A_26, %get3A_577 : vector<16xf32>
      %get3A_579 = arith.index_cast %scan3A_22 : i32 to index
      %get3A_580 = arith.constant 544 : index
      %get3A_581 = tpu.vector_load %arg7[%get3A_579, %get3A_580] {strides = array<i32>} : memref<64x768xf32, #tpu.memory_space<vmem>>, vector<1x16xf32>,
      %get3A_582 = vector.shape_cast %get3A_581 : vector<1x16xf32> to vector<16xf32>
      %mul3A_583 = arith.mulf %get3A_30, %get3A_582 : vector<16xf32>
      %add3A_584 = arith.addf %mul3A_578, %mul3A_583 : vector<16xf32>
      %swap3A_585 = arith.index_cast %scan3A_22 : i32 to index
      %swap3A_586 = arith.constant 544 : index
      %swap3A_587 = tpu.vector_load %arg6[%swap3A_585, %swap3A_586] {strides = array<i32>} : memref<64x768xf32, #tpu.memory_space<vmem>>, vector<1x16xf32>,
      %swap3A_588 = vector.shape_cast %swap3A_587 : vector<1x16xf32> to vector<16xf32>
      %swap3A_589 = vector.shape_cast %add3A_584 : vector<16xf32> to vector<1x16xf32>
      tpu.vector_store %arg6[%swap3A_585, %swap3A_586], %swap3A_589 {strides = array<i32>} : memref<64x768xf32, #tpu.memory_space<vmem>>, vector<1x16xf32>,
      %get3A_590 = arith.index_cast %scan3A_22 : i32 to index
      %get3A_591 = arith.constant 560 : index
      %get3A_592 = tpu.vector_load %arg6[%get3A_590, %get3A_591] {strides = array<i32>} : memref<64x768xf32, #tpu.memory_space<vmem>>, vector<1x16xf32>,
      %get3A_593 = vector.shape_cast %get3A_592 : vector<1x16xf32> to vector<16xf32>
      %mul3A_594 = arith.mulf %get3A_26, %get3A_593 : vector<16xf32>
      %get3A_595 = arith.index_cast %scan3A_22 : i32 to index
      %get3A_596 = arith.constant 560 : index
      %get3A_597 = tpu.vector_load %arg7[%get3A_595, %get3A_596] {strides = array<i32>} : memref<64x768xf32, #tpu.memory_space<vmem>>, vector<1x16xf32>,
      %get3A_598 = vector.shape_cast %get3A_597 : vector<1x16xf32> to vector<16xf32>
      %mul3A_599 = arith.mulf %get3A_30, %get3A_598 : vector<16xf32>
      %add3A_600 = arith.addf %mul3A_594, %mul3A_599 : vector<16xf32>
      %swap3A_601 = arith.index_cast %scan3A_22 : i32 to index
      %swap3A_602 = arith.constant 560 : index
      %swap3A_603 = tpu.vector_load %arg6[%swap3A_601, %swap3A_602] {strides = array<i32>} : memref<64x768xf32, #tpu.memory_space<vmem>>, vector<1x16xf32>,
      %swap3A_604 = vector.shape_cast %swap3A_603 : vector<1x16xf32> to vector<16xf32>
      %swap3A_605 = vector.shape_cast %add3A_600 : vector<16xf32> to vector<1x16xf32>
      tpu.vector_store %arg6[%swap3A_601, %swap3A_602], %swap3A_605 {strides = array<i32>} : memref<64x768xf32, #tpu.memory_space<vmem>>, vector<1x16xf32>,
      %get3A_606 = arith.index_cast %scan3A_22 : i32 to index
      %get3A_607 = arith.constant 576 : index
      %get3A_608 = tpu.vector_load %arg6[%get3A_606, %get3A_607] {strides = array<i32>} : memref<64x768xf32, #tpu.memory_space<vmem>>, vector<1x16xf32>,
      %get3A_609 = vector.shape_cast %get3A_608 : vector<1x16xf32> to vector<16xf32>
      %mul3A_610 = arith.mulf %get3A_26, %get3A_609 : vector<16xf32>
      %get3A_611 = arith.index_cast %scan3A_22 : i32 to index
      %get3A_612 = arith.constant 576 : index
      %get3A_613 = tpu.vector_load %arg7[%get3A_611, %get3A_612] {strides = array<i32>} : memref<64x768xf32, #tpu.memory_space<vmem>>, vector<1x16xf32>,
      %get3A_614 = vector.shape_cast %get3A_613 : vector<1x16xf32> to vector<16xf32>
      %mul3A_615 = arith.mulf %get3A_30, %get3A_614 : vector<16xf32>
      %add3A_616 = arith.addf %mul3A_610, %mul3A_615 : vector<16xf32>
      %swap3A_617 = arith.index_cast %scan3A_22 : i32 to index
      %swap3A_618 = arith.constant 576 : index
      %swap3A_619 = tpu.vector_load %arg6[%swap3A_617, %swap3A_618] {strides = array<i32>} : memref<64x768xf32, #tpu.memory_space<vmem>>, vector<1x16xf32>,
      %swap3A_620 = vector.shape_cast %swap3A_619 : vector<1x16xf32> to vector<16xf32>
      %swap3A_621 = vector.shape_cast %add3A_616 : vector<16xf32> to vector<1x16xf32>
      tpu.vector_store %arg6[%swap3A_617, %swap3A_618], %swap3A_621 {strides = array<i32>} : memref<64x768xf32, #tpu.memory_space<vmem>>, vector<1x16xf32>,
      %get3A_622 = arith.index_cast %scan3A_22 : i32 to index
      %get3A_623 = arith.constant 592 : index
      %get3A_624 = tpu.vector_load %arg6[%get3A_622, %get3A_623] {strides = array<i32>} : memref<64x768xf32, #tpu.memory_space<vmem>>, vector<1x16xf32>,
      %get3A_625 = vector.shape_cast %get3A_624 : vector<1x16xf32> to vector<16xf32>
      %mul3A_626 = arith.mulf %get3A_26, %get3A_625 : vector<16xf32>
      %get3A_627 = arith.index_cast %scan3A_22 : i32 to index
      %get3A_628 = arith.constant 592 : index
      %get3A_629 = tpu.vector_load %arg7[%get3A_627, %get3A_628] {strides = array<i32>} : memref<64x768xf32, #tpu.memory_space<vmem>>, vector<1x16xf32>,
      %get3A_630 = vector.shape_cast %get3A_629 : vector<1x16xf32> to vector<16xf32>
      %mul3A_631 = arith.mulf %get3A_30, %get3A_630 : vector<16xf32>
      %add3A_632 = arith.addf %mul3A_626, %mul3A_631 : vector<16xf32>
      %swap3A_633 = arith.index_cast %scan3A_22 : i32 to index
      %swap3A_634 = arith.constant 592 : index
      %swap3A_635 = tpu.vector_load %arg6[%swap3A_633, %swap3A_634] {strides = array<i32>} : memref<64x768xf32, #tpu.memory_space<vmem>>, vector<1x16xf32>,
      %swap3A_636 = vector.shape_cast %swap3A_635 : vector<1x16xf32> to vector<16xf32>
      %swap3A_637 = vector.shape_cast %add3A_632 : vector<16xf32> to vector<1x16xf32>
      tpu.vector_store %arg6[%swap3A_633, %swap3A_634], %swap3A_637 {strides = array<i32>} : memref<64x768xf32, #tpu.memory_space<vmem>>, vector<1x16xf32>,
      %get3A_638 = arith.index_cast %scan3A_22 : i32 to index
      %get3A_639 = arith.constant 608 : index
      %get3A_640 = tpu.vector_load %arg6[%get3A_638, %get3A_639] {strides = array<i32>} : memref<64x768xf32, #tpu.memory_space<vmem>>, vector<1x16xf32>,
      %get3A_641 = vector.shape_cast %get3A_640 : vector<1x16xf32> to vector<16xf32>
      %mul3A_642 = arith.mulf %get3A_26, %get3A_641 : vector<16xf32>
      %get3A_643 = arith.index_cast %scan3A_22 : i32 to index
      %get3A_644 = arith.constant 608 : index
      %get3A_645 = tpu.vector_load %arg7[%get3A_643, %get3A_644] {strides = array<i32>} : memref<64x768xf32, #tpu.memory_space<vmem>>, vector<1x16xf32>,
      %get3A_646 = vector.shape_cast %get3A_645 : vector<1x16xf32> to vector<16xf32>
      %mul3A_647 = arith.mulf %get3A_30, %get3A_646 : vector<16xf32>
      %add3A_648 = arith.addf %mul3A_642, %mul3A_647 : vector<16xf32>
      %swap3A_649 = arith.index_cast %scan3A_22 : i32 to index
      %swap3A_650 = arith.constant 608 : index
      %swap3A_651 = tpu.vector_load %arg6[%swap3A_649, %swap3A_650] {strides = array<i32>} : memref<64x768xf32, #tpu.memory_space<vmem>>, vector<1x16xf32>,
      %swap3A_652 = vector.shape_cast %swap3A_651 : vector<1x16xf32> to vector<16xf32>
      %swap3A_653 = vector.shape_cast %add3A_648 : vector<16xf32> to vector<1x16xf32>
      tpu.vector_store %arg6[%swap3A_649, %swap3A_650], %swap3A_653 {strides = array<i32>} : memref<64x768xf32, #tpu.memory_space<vmem>>, vector<1x16xf32>,
      %get3A_654 = arith.index_cast %scan3A_22 : i32 to index
      %get3A_655 = arith.constant 624 : index
      %get3A_656 = tpu.vector_load %arg6[%get3A_654, %get3A_655] {strides = array<i32>} : memref<64x768xf32, #tpu.memory_space<vmem>>, vector<1x16xf32>,
      %get3A_657 = vector.shape_cast %get3A_656 : vector<1x16xf32> to vector<16xf32>
      %mul3A_658 = arith.mulf %get3A_26, %get3A_657 : vector<16xf32>
      %get3A_659 = arith.index_cast %scan3A_22 : i32 to index
      %get3A_660 = arith.constant 624 : index
      %get3A_661 = tpu.vector_load %arg7[%get3A_659, %get3A_660] {strides = array<i32>} : memref<64x768xf32, #tpu.memory_space<vmem>>, vector<1x16xf32>,
      %get3A_662 = vector.shape_cast %get3A_661 : vector<1x16xf32> to vector<16xf32>
      %mul3A_663 = arith.mulf %get3A_30, %get3A_662 : vector<16xf32>
      %add3A_664 = arith.addf %mul3A_658, %mul3A_663 : vector<16xf32>
      %swap3A_665 = arith.index_cast %scan3A_22 : i32 to index
      %swap3A_666 = arith.constant 624 : index
      %swap3A_667 = tpu.vector_load %arg6[%swap3A_665, %swap3A_666] {strides = array<i32>} : memref<64x768xf32, #tpu.memory_space<vmem>>, vector<1x16xf32>,
      %swap3A_668 = vector.shape_cast %swap3A_667 : vector<1x16xf32> to vector<16xf32>
      %swap3A_669 = vector.shape_cast %add3A_664 : vector<16xf32> to vector<1x16xf32>
      tpu.vector_store %arg6[%swap3A_665, %swap3A_666], %swap3A_669 {strides = array<i32>} : memref<64x768xf32, #tpu.memory_space<vmem>>, vector<1x16xf32>,
      %get3A_670 = arith.index_cast %scan3A_22 : i32 to index
      %get3A_671 = arith.constant 640 : index
      %get3A_672 = tpu.vector_load %arg6[%get3A_670, %get3A_671] {strides = array<i32>} : memref<64x768xf32, #tpu.memory_space<vmem>>, vector<1x16xf32>,
      %get3A_673 = vector.shape_cast %get3A_672 : vector<1x16xf32> to vector<16xf32>
      %mul3A_674 = arith.mulf %get3A_26, %get3A_673 : vector<16xf32>
      %get3A_675 = arith.index_cast %scan3A_22 : i32 to index
      %get3A_676 = arith.constant 640 : index
      %get3A_677 = tpu.vector_load %arg7[%get3A_675, %get3A_676] {strides = array<i32>} : memref<64x768xf32, #tpu.memory_space<vmem>>, vector<1x16xf32>,
      %get3A_678 = vector.shape_cast %get3A_677 : vector<1x16xf32> to vector<16xf32>
      %mul3A_679 = arith.mulf %get3A_30, %get3A_678 : vector<16xf32>
      %add3A_680 = arith.addf %mul3A_674, %mul3A_679 : vector<16xf32>
      %swap3A_681 = arith.index_cast %scan3A_22 : i32 to index
      %swap3A_682 = arith.constant 640 : index
      %swap3A_683 = tpu.vector_load %arg6[%swap3A_681, %swap3A_682] {strides = array<i32>} : memref<64x768xf32, #tpu.memory_space<vmem>>, vector<1x16xf32>,
      %swap3A_684 = vector.shape_cast %swap3A_683 : vector<1x16xf32> to vector<16xf32>
      %swap3A_685 = vector.shape_cast %add3A_680 : vector<16xf32> to vector<1x16xf32>
      tpu.vector_store %arg6[%swap3A_681, %swap3A_682], %swap3A_685 {strides = array<i32>} : memref<64x768xf32, #tpu.memory_space<vmem>>, vector<1x16xf32>,
      %get3A_686 = arith.index_cast %scan3A_22 : i32 to index
      %get3A_687 = arith.constant 656 : index
      %get3A_688 = tpu.vector_load %arg6[%get3A_686, %get3A_687] {strides = array<i32>} : memref<64x768xf32, #tpu.memory_space<vmem>>, vector<1x16xf32>,
      %get3A_689 = vector.shape_cast %get3A_688 : vector<1x16xf32> to vector<16xf32>
      %mul3A_690 = arith.mulf %get3A_26, %get3A_689 : vector<16xf32>
      %get3A_691 = arith.index_cast %scan3A_22 : i32 to index
      %get3A_692 = arith.constant 656 : index
      %get3A_693 = tpu.vector_load %arg7[%get3A_691, %get3A_692] {strides = array<i32>} : memref<64x768xf32, #tpu.memory_space<vmem>>, vector<1x16xf32>,
      %get3A_694 = vector.shape_cast %get3A_693 : vector<1x16xf32> to vector<16xf32>
      %mul3A_695 = arith.mulf %get3A_30, %get3A_694 : vector<16xf32>
      %add3A_696 = arith.addf %mul3A_690, %mul3A_695 : vector<16xf32>
      %swap3A_697 = arith.index_cast %scan3A_22 : i32 to index
      %swap3A_698 = arith.constant 656 : index
      %swap3A_699 = tpu.vector_load %arg6[%swap3A_697, %swap3A_698] {strides = array<i32>} : memref<64x768xf32, #tpu.memory_space<vmem>>, vector<1x16xf32>,
      %swap3A_700 = vector.shape_cast %swap3A_699 : vector<1x16xf32> to vector<16xf32>
      %swap3A_701 = vector.shape_cast %add3A_696 : vector<16xf32> to vector<1x16xf32>
      tpu.vector_store %arg6[%swap3A_697, %swap3A_698], %swap3A_701 {strides = array<i32>} : memref<64x768xf32, #tpu.memory_space<vmem>>, vector<1x16xf32>,
      %get3A_702 = arith.index_cast %scan3A_22 : i32 to index
      %get3A_703 = arith.constant 672 : index
      %get3A_704 = tpu.vector_load %arg6[%get3A_702, %get3A_703] {strides = array<i32>} : memref<64x768xf32, #tpu.memory_space<vmem>>, vector<1x16xf32>,
      %get3A_705 = vector.shape_cast %get3A_704 : vector<1x16xf32> to vector<16xf32>
      %mul3A_706 = arith.mulf %get3A_26, %get3A_705 : vector<16xf32>
      %get3A_707 = arith.index_cast %scan3A_22 : i32 to index
      %get3A_708 = arith.constant 672 : index
      %get3A_709 = tpu.vector_load %arg7[%get3A_707, %get3A_708] {strides = array<i32>} : memref<64x768xf32, #tpu.memory_space<vmem>>, vector<1x16xf32>,
      %get3A_710 = vector.shape_cast %get3A_709 : vector<1x16xf32> to vector<16xf32>
      %mul3A_711 = arith.mulf %get3A_30, %get3A_710 : vector<16xf32>
      %add3A_712 = arith.addf %mul3A_706, %mul3A_711 : vector<16xf32>
      %swap3A_713 = arith.index_cast %scan3A_22 : i32 to index
      %swap3A_714 = arith.constant 672 : index
      %swap3A_715 = tpu.vector_load %arg6[%swap3A_713, %swap3A_714] {strides = array<i32>} : memref<64x768xf32, #tpu.memory_space<vmem>>, vector<1x16xf32>,
      %swap3A_716 = vector.shape_cast %swap3A_715 : vector<1x16xf32> to vector<16xf32>
      %swap3A_717 = vector.shape_cast %add3A_712 : vector<16xf32> to vector<1x16xf32>
      tpu.vector_store %arg6[%swap3A_713, %swap3A_714], %swap3A_717 {strides = array<i32>} : memref<64x768xf32, #tpu.memory_space<vmem>>, vector<1x16xf32>,
      %get3A_718 = arith.index_cast %scan3A_22 : i32 to index
      %get3A_719 = arith.constant 688 : index
      %get3A_720 = tpu.vector_load %arg6[%get3A_718, %get3A_719] {strides = array<i32>} : memref<64x768xf32, #tpu.memory_space<vmem>>, vector<1x16xf32>,
      %get3A_721 = vector.shape_cast %get3A_720 : vector<1x16xf32> to vector<16xf32>
      %mul3A_722 = arith.mulf %get3A_26, %get3A_721 : vector<16xf32>
      %get3A_723 = arith.index_cast %scan3A_22 : i32 to index
      %get3A_724 = arith.constant 688 : index
      %get3A_725 = tpu.vector_load %arg7[%get3A_723, %get3A_724] {strides = array<i32>} : memref<64x768xf32, #tpu.memory_space<vmem>>, vector<1x16xf32>,
      %get3A_726 = vector.shape_cast %get3A_725 : vector<1x16xf32> to vector<16xf32>
      %mul3A_727 = arith.mulf %get3A_30, %get3A_726 : vector<16xf32>
      %add3A_728 = arith.addf %mul3A_722, %mul3A_727 : vector<16xf32>
      %swap3A_729 = arith.index_cast %scan3A_22 : i32 to index
      %swap3A_730 = arith.constant 688 : index
      %swap3A_731 = tpu.vector_load %arg6[%swap3A_729, %swap3A_730] {strides = array<i32>} : memref<64x768xf32, #tpu.memory_space<vmem>>, vector<1x16xf32>,
      %swap3A_732 = vector.shape_cast %swap3A_731 : vector<1x16xf32> to vector<16xf32>
      %swap3A_733 = vector.shape_cast %add3A_728 : vector<16xf32> to vector<1x16xf32>
      tpu.vector_store %arg6[%swap3A_729, %swap3A_730], %swap3A_733 {strides = array<i32>} : memref<64x768xf32, #tpu.memory_space<vmem>>, vector<1x16xf32>,
      %get3A_734 = arith.index_cast %scan3A_22 : i32 to index
      %get3A_735 = arith.constant 704 : index
      %get3A_736 = tpu.vector_load %arg6[%get3A_734, %get3A_735] {strides = array<i32>} : memref<64x768xf32, #tpu.memory_space<vmem>>, vector<1x16xf32>,
      %get3A_737 = vector.shape_cast %get3A_736 : vector<1x16xf32> to vector<16xf32>
      %mul3A_738 = arith.mulf %get3A_26, %get3A_737 : vector<16xf32>
      %get3A_739 = arith.index_cast %scan3A_22 : i32 to index
      %get3A_740 = arith.constant 704 : index
      %get3A_741 = tpu.vector_load %arg7[%get3A_739, %get3A_740] {strides = array<i32>} : memref<64x768xf32, #tpu.memory_space<vmem>>, vector<1x16xf32>,
      %get3A_742 = vector.shape_cast %get3A_741 : vector<1x16xf32> to vector<16xf32>
      %mul3A_743 = arith.mulf %get3A_30, %get3A_742 : vector<16xf32>
      %add3A_744 = arith.addf %mul3A_738, %mul3A_743 : vector<16xf32>
      %swap3A_745 = arith.index_cast %scan3A_22 : i32 to index
      %swap3A_746 = arith.constant 704 : index
      %swap3A_747 = tpu.vector_load %arg6[%swap3A_745, %swap3A_746] {strides = array<i32>} : memref<64x768xf32, #tpu.memory_space<vmem>>, vector<1x16xf32>,
      %swap3A_748 = vector.shape_cast %swap3A_747 : vector<1x16xf32> to vector<16xf32>
      %swap3A_749 = vector.shape_cast %add3A_744 : vector<16xf32> to vector<1x16xf32>
      tpu.vector_store %arg6[%swap3A_745, %swap3A_746], %swap3A_749 {strides = array<i32>} : memref<64x768xf32, #tpu.memory_space<vmem>>, vector<1x16xf32>,
      %get3A_750 = arith.index_cast %scan3A_22 : i32 to index
      %get3A_751 = arith.constant 720 : index
      %get3A_752 = tpu.vector_load %arg6[%get3A_750, %get3A_751] {strides = array<i32>} : memref<64x768xf32, #tpu.memory_space<vmem>>, vector<1x16xf32>,
      %get3A_753 = vector.shape_cast %get3A_752 : vector<1x16xf32> to vector<16xf32>
      %mul3A_754 = arith.mulf %get3A_26, %get3A_753 : vector<16xf32>
      %get3A_755 = arith.index_cast %scan3A_22 : i32 to index
      %get3A_756 = arith.constant 720 : index
      %get3A_757 = tpu.vector_load %arg7[%get3A_755, %get3A_756] {strides = array<i32>} : memref<64x768xf32, #tpu.memory_space<vmem>>, vector<1x16xf32>,
      %get3A_758 = vector.shape_cast %get3A_757 : vector<1x16xf32> to vector<16xf32>
      %mul3A_759 = arith.mulf %get3A_30, %get3A_758 : vector<16xf32>
      %add3A_760 = arith.addf %mul3A_754, %mul3A_759 : vector<16xf32>
      %swap3A_761 = arith.index_cast %scan3A_22 : i32 to index
      %swap3A_762 = arith.constant 720 : index
      %swap3A_763 = tpu.vector_load %arg6[%swap3A_761, %swap3A_762] {strides = array<i32>} : memref<64x768xf32, #tpu.memory_space<vmem>>, vector<1x16xf32>,
      %swap3A_764 = vector.shape_cast %swap3A_763 : vector<1x16xf32> to vector<16xf32>
      %swap3A_765 = vector.shape_cast %add3A_760 : vector<16xf32> to vector<1x16xf32>
      tpu.vector_store %arg6[%swap3A_761, %swap3A_762], %swap3A_765 {strides = array<i32>} : memref<64x768xf32, #tpu.memory_space<vmem>>, vector<1x16xf32>,
      %get3A_766 = arith.index_cast %scan3A_22 : i32 to index
      %get3A_767 = arith.constant 736 : index
      %get3A_768 = tpu.vector_load %arg6[%get3A_766, %get3A_767] {strides = array<i32>} : memref<64x768xf32, #tpu.memory_space<vmem>>, vector<1x16xf32>,
      %get3A_769 = vector.shape_cast %get3A_768 : vector<1x16xf32> to vector<16xf32>
      %mul3A_770 = arith.mulf %get3A_26, %get3A_769 : vector<16xf32>
      %get3A_771 = arith.index_cast %scan3A_22 : i32 to index
      %get3A_772 = arith.constant 736 : index
      %get3A_773 = tpu.vector_load %arg7[%get3A_771, %get3A_772] {strides = array<i32>} : memref<64x768xf32, #tpu.memory_space<vmem>>, vector<1x16xf32>,
      %get3A_774 = vector.shape_cast %get3A_773 : vector<1x16xf32> to vector<16xf32>
      %mul3A_775 = arith.mulf %get3A_30, %get3A_774 : vector<16xf32>
      %add3A_776 = arith.addf %mul3A_770, %mul3A_775 : vector<16xf32>
      %swap3A_777 = arith.index_cast %scan3A_22 : i32 to index
      %swap3A_778 = arith.constant 736 : index
      %swap3A_779 = tpu.vector_load %arg6[%swap3A_777, %swap3A_778] {strides = array<i32>} : memref<64x768xf32, #tpu.memory_space<vmem>>, vector<1x16xf32>,
      %swap3A_780 = vector.shape_cast %swap3A_779 : vector<1x16xf32> to vector<16xf32>
      %swap3A_781 = vector.shape_cast %add3A_776 : vector<16xf32> to vector<1x16xf32>
      tpu.vector_store %arg6[%swap3A_777, %swap3A_778], %swap3A_781 {strides = array<i32>} : memref<64x768xf32, #tpu.memory_space<vmem>>, vector<1x16xf32>,
      %get3A_782 = arith.index_cast %scan3A_22 : i32 to index
      %get3A_783 = arith.constant 752 : index
      %get3A_784 = tpu.vector_load %arg6[%get3A_782, %get3A_783] {strides = array<i32>} : memref<64x768xf32, #tpu.memory_space<vmem>>, vector<1x16xf32>,
      %get3A_785 = vector.shape_cast %get3A_784 : vector<1x16xf32> to vector<16xf32>
      %mul3A_786 = arith.mulf %get3A_26, %get3A_785 : vector<16xf32>
      %get3A_787 = arith.index_cast %scan3A_22 : i32 to index
      %get3A_788 = arith.constant 752 : index
      %get3A_789 = tpu.vector_load %arg7[%get3A_787, %get3A_788] {strides = array<i32>} : memref<64x768xf32, #tpu.memory_space<vmem>>, vector<1x16xf32>,
      %get3A_790 = vector.shape_cast %get3A_789 : vector<1x16xf32> to vector<16xf32>
      %mul3A_791 = arith.mulf %get3A_30, %get3A_790 : vector<16xf32>
      %add3A_792 = arith.addf %mul3A_786, %mul3A_791 : vector<16xf32>
      %swap3A_793 = arith.index_cast %scan3A_22 : i32 to index
      %swap3A_794 = arith.constant 752 : index
      %swap3A_795 = tpu.vector_load %arg6[%swap3A_793, %swap3A_794] {strides = array<i32>} : memref<64x768xf32, #tpu.memory_space<vmem>>, vector<1x16xf32>,
      %swap3A_796 = vector.shape_cast %swap3A_795 : vector<1x16xf32> to vector<16xf32>
      %swap3A_797 = vector.shape_cast %add3A_792 : vector<16xf32> to vector<1x16xf32>
      tpu.vector_store %arg6[%swap3A_793, %swap3A_794], %swap3A_797 {strides = array<i32>} : memref<64x768xf32, #tpu.memory_space<vmem>>, vector<1x16xf32>,
      %scan3A_798 = arith.constant 0 : i32
      scf.yield %scan3A_798 : i32
    }
    %scan3A_21 = arith.constant 64 : i32
    "tpu.region"() ({
      %run_scoped3A_22 = tpu.sem_alloc : memref<!tpu.dma_semaphore, #tpu.memory_space<semaphore_mem>>
      %dma_start3A_23 = arith.constant 0 : i32
      %dma_start3A_24 = tpu.memref_slice %arg5[%mul3A_2, %dma_start3A_23] : memref<2048x768xf32, #tpu.memory_space<hbm>> -> memref<64x768xf32, #tpu.memory_space<hbm>>
      %dma_start3A_25 = arith.constant 0 : i32
      %dma_start3A_26 = tpu.memref_slice %arg5[%mul3A_2, %dma_start3A_25] : memref<2048x768xf32, #tpu.memory_space<hbm>> -> memref<64x768xf32, #tpu.memory_space<hbm>>
      tpu.enqueue_dma source(%arg6 : memref<64x768xf32, #tpu.memory_space<vmem>>) target(%dma_start3A_26 : memref<64x768xf32, #tpu.memory_space<hbm>>) target_semaphore(%run_scoped3A_22 : memref<!tpu.dma_semaphore, #tpu.memory_space<semaphore_mem>>)
      %dma_wait3A_27 = arith.constant 0 : i32
      %dma_wait3A_28 = tpu.memref_slice %arg5[%mul3A_2, %dma_wait3A_27] : memref<2048x768xf32, #tpu.memory_space<hbm>> -> memref<64x768xf32, #tpu.memory_space<hbm>>
      %dma_wait3A_29 = arith.constant 0 : i32
      %dma_wait3A_30 = tpu.memref_slice %arg5[%mul3A_2, %dma_wait3A_29] : memref<2048x768xf32, #tpu.memory_space<hbm>> -> memref<64x768xf32, #tpu.memory_space<hbm>>
      tpu.wait_dma2 semaphore(%run_scoped3A_22 : memref<!tpu.dma_semaphore, #tpu.memory_space<semaphore_mem>>) src(%arg6 : memref<64x768xf32, #tpu.memory_space<vmem>>) dst(%dma_wait3A_30 : memref<64x768xf32, #tpu.memory_space<hbm>>)
      tpu.yield
    }) : () -> ()
    return
  }
}

#map = affine_map<(d0, d1) -> (0, 0)>
module attributes {stable_mosaic.version = 14 : i64} {
  func.func @scatter_x(%arg0: i32, %arg1: i32, %arg2: memref<2048x768xf32, #tpu.memory_space<hbm>>, %arg3: memref<2x2048xi32, #tpu.memory_space<hbm>>, %arg4: memref<8192x768xf32, #tpu.memory_space<hbm>>, %arg5: memref<64x768xf32, #tpu.memory_space<vmem>>, %arg6: memref<64xi32, #tpu.memory_space<vmem>>, %arg7: memref<64xi32, #tpu.memory_space<vmem>>, %arg8: memref<!tpu.dma_semaphore, #tpu.memory_space<semaphore_mem>>) attributes {dimension_semantics = [#tpu.dimension_semantics<core_parallel>, #tpu.dimension_semantics<subcore_parallel>], iteration_bounds = array<i64: 2, 16>, scalar_prefetch = 0 : i64, scratch_operands = 4 : i64, tpu.core_type = #tpu.core_type<sc_vector_subcore>, window_params = [{transform_indices = #map}, {transform_indices = #map}, {transform_indices = #map}]} {
    %mul3A = arith.constant 2 : i32
    %mul3A_0 = arith.muli %arg1, %mul3A : i32
    %add3A = arith.addi %mul3A_0, %arg0 : i32
    %mul3A_1 = arith.constant 64 : i32
    %mul3A_2 = arith.muli %add3A, %mul3A_1 : i32
    "tpu.region"() ({
      %run_scoped3A_14 = tpu.sem_alloc : memref<!tpu.dma_semaphore, #tpu.memory_space<semaphore_mem>>
      %dma_start3A_15 = arith.constant 0 : i32
      %dma_start3A_16 = tpu.memref_slice %arg2[%mul3A_2, %dma_start3A_15] : memref<2048x768xf32, #tpu.memory_space<hbm>> -> memref<64x768xf32, #tpu.memory_space<hbm>>
      %dma_start3A_17 = arith.constant 0 : i32
      %dma_start3A_18 = tpu.memref_slice %arg2[%mul3A_2, %dma_start3A_17] : memref<2048x768xf32, #tpu.memory_space<hbm>> -> memref<64x768xf32, #tpu.memory_space<hbm>>
      tpu.enqueue_dma source(%dma_start3A_18 : memref<64x768xf32, #tpu.memory_space<hbm>>) target(%arg5 : memref<64x768xf32, #tpu.memory_space<vmem>>) target_semaphore(%run_scoped3A_14 : memref<!tpu.dma_semaphore, #tpu.memory_space<semaphore_mem>>)
      %dma_wait3A_19 = arith.constant 0 : i32
      %dma_wait3A_20 = tpu.memref_slice %arg2[%mul3A_2, %dma_wait3A_19] : memref<2048x768xf32, #tpu.memory_space<hbm>> -> memref<64x768xf32, #tpu.memory_space<hbm>>
      %dma_wait3A_21 = arith.constant 0 : i32
      %dma_wait3A_22 = tpu.memref_slice %arg2[%mul3A_2, %dma_wait3A_21] : memref<2048x768xf32, #tpu.memory_space<hbm>> -> memref<64x768xf32, #tpu.memory_space<hbm>>
      tpu.wait_dma2 semaphore(%run_scoped3A_14 : memref<!tpu.dma_semaphore, #tpu.memory_space<semaphore_mem>>) src(%dma_wait3A_22 : memref<64x768xf32, #tpu.memory_space<hbm>>) dst(%arg5 : memref<64x768xf32, #tpu.memory_space<vmem>>)
      tpu.yield
    }) : () -> ()
    %run_scoped3A = arith.constant 0 : i32
    "tpu.region"() ({
      %run_scoped3A_14 = tpu.sem_alloc : memref<!tpu.dma_semaphore, #tpu.memory_space<semaphore_mem>>
      %dma_start3A_15 = tpu.memref_slice %arg3[%run_scoped3A, %mul3A_2] : memref<2x2048xi32, #tpu.memory_space<hbm>> -> memref<1x64xi32, #tpu.memory_space<hbm>>
      %dma_start3A_16 = tpu.memref_squeeze %dma_start3A_15 : memref<1x64xi32, #tpu.memory_space<hbm>> -> memref<64xi32, #tpu.memory_space<hbm>>
      %dma_start3A_17 = tpu.memref_slice %arg3[%run_scoped3A, %mul3A_2] : memref<2x2048xi32, #tpu.memory_space<hbm>> -> memref<1x64xi32, #tpu.memory_space<hbm>>
      %dma_start3A_18 = tpu.memref_squeeze %dma_start3A_17 : memref<1x64xi32, #tpu.memory_space<hbm>> -> memref<64xi32, #tpu.memory_space<hbm>>
      tpu.enqueue_dma source(%dma_start3A_18 : memref<64xi32, #tpu.memory_space<hbm>>) target(%arg6 : memref<64xi32, #tpu.memory_space<vmem>>) target_semaphore(%run_scoped3A_14 : memref<!tpu.dma_semaphore, #tpu.memory_space<semaphore_mem>>)
      %dma_wait3A_19 = tpu.memref_slice %arg3[%run_scoped3A, %mul3A_2] : memref<2x2048xi32, #tpu.memory_space<hbm>> -> memref<1x64xi32, #tpu.memory_space<hbm>>
      %dma_wait3A_20 = tpu.memref_squeeze %dma_wait3A_19 : memref<1x64xi32, #tpu.memory_space<hbm>> -> memref<64xi32, #tpu.memory_space<hbm>>
      %dma_wait3A_21 = tpu.memref_slice %arg3[%run_scoped3A, %mul3A_2] : memref<2x2048xi32, #tpu.memory_space<hbm>> -> memref<1x64xi32, #tpu.memory_space<hbm>>
      %dma_wait3A_22 = tpu.memref_squeeze %dma_wait3A_21 : memref<1x64xi32, #tpu.memory_space<hbm>> -> memref<64xi32, #tpu.memory_space<hbm>>
      tpu.wait_dma2 semaphore(%run_scoped3A_14 : memref<!tpu.dma_semaphore, #tpu.memory_space<semaphore_mem>>) src(%dma_wait3A_22 : memref<64xi32, #tpu.memory_space<hbm>>) dst(%arg6 : memref<64xi32, #tpu.memory_space<vmem>>)
      tpu.yield
    }) : () -> ()
    %run_scoped3A_3 = arith.constant 1 : i32
    "tpu.region"() ({
      %run_scoped3A_14 = tpu.sem_alloc : memref<!tpu.dma_semaphore, #tpu.memory_space<semaphore_mem>>
      %dma_start3A_15 = tpu.memref_slice %arg3[%run_scoped3A_3, %mul3A_2] : memref<2x2048xi32, #tpu.memory_space<hbm>> -> memref<1x64xi32, #tpu.memory_space<hbm>>
      %dma_start3A_16 = tpu.memref_squeeze %dma_start3A_15 : memref<1x64xi32, #tpu.memory_space<hbm>> -> memref<64xi32, #tpu.memory_space<hbm>>
      %dma_start3A_17 = tpu.memref_slice %arg3[%run_scoped3A_3, %mul3A_2] : memref<2x2048xi32, #tpu.memory_space<hbm>> -> memref<1x64xi32, #tpu.memory_space<hbm>>
      %dma_start3A_18 = tpu.memref_squeeze %dma_start3A_17 : memref<1x64xi32, #tpu.memory_space<hbm>> -> memref<64xi32, #tpu.memory_space<hbm>>
      tpu.enqueue_dma source(%dma_start3A_18 : memref<64xi32, #tpu.memory_space<hbm>>) target(%arg7 : memref<64xi32, #tpu.memory_space<vmem>>) target_semaphore(%run_scoped3A_14 : memref<!tpu.dma_semaphore, #tpu.memory_space<semaphore_mem>>)
      %dma_wait3A_19 = tpu.memref_slice %arg3[%run_scoped3A_3, %mul3A_2] : memref<2x2048xi32, #tpu.memory_space<hbm>> -> memref<1x64xi32, #tpu.memory_space<hbm>>
      %dma_wait3A_20 = tpu.memref_squeeze %dma_wait3A_19 : memref<1x64xi32, #tpu.memory_space<hbm>> -> memref<64xi32, #tpu.memory_space<hbm>>
      %dma_wait3A_21 = tpu.memref_slice %arg3[%run_scoped3A_3, %mul3A_2] : memref<2x2048xi32, #tpu.memory_space<hbm>> -> memref<1x64xi32, #tpu.memory_space<hbm>>
      %dma_wait3A_22 = tpu.memref_squeeze %dma_wait3A_21 : memref<1x64xi32, #tpu.memory_space<hbm>> -> memref<64xi32, #tpu.memory_space<hbm>>
      tpu.wait_dma2 semaphore(%run_scoped3A_14 : memref<!tpu.dma_semaphore, #tpu.memory_space<semaphore_mem>>) src(%dma_wait3A_22 : memref<64xi32, #tpu.memory_space<hbm>>) dst(%arg7 : memref<64xi32, #tpu.memory_space<vmem>>)
      tpu.yield
    }) : () -> ()
    %dma_start3A = arith.constant 0 : i32
    %dma_start3A_4 = arith.constant 0 : i32
    %dma_start3A_5 = tpu.memref_slice %arg4[%dma_start3A, %dma_start3A_4] : memref<8192x768xf32, #tpu.memory_space<hbm>> -> memref<8192x768xf32, #tpu.memory_space<hbm>>
    tpu.enqueue_indirect_dma source(%arg5 : memref<64x768xf32, #tpu.memory_space<vmem>>) target(%dma_start3A_5 : memref<8192x768xf32, #tpu.memory_space<hbm>>) offsets(%arg6 : memref<64xi32, #tpu.memory_space<vmem>>) semaphore(%arg8 : memref<!tpu.dma_semaphore, #tpu.memory_space<semaphore_mem>>)
    %dma_start3A_6 = arith.constant 0 : i32
    %dma_start3A_7 = arith.constant 0 : i32
    %dma_start3A_8 = tpu.memref_slice %arg4[%dma_start3A_6, %dma_start3A_7] : memref<8192x768xf32, #tpu.memory_space<hbm>> -> memref<8192x768xf32, #tpu.memory_space<hbm>>
    tpu.enqueue_indirect_dma source(%arg5 : memref<64x768xf32, #tpu.memory_space<vmem>>) target(%dma_start3A_8 : memref<8192x768xf32, #tpu.memory_space<hbm>>) offsets(%arg7 : memref<64xi32, #tpu.memory_space<vmem>>) semaphore(%arg8 : memref<!tpu.dma_semaphore, #tpu.memory_space<semaphore_mem>>)
    %dma_wait3A = arith.constant 0 : i32
    %dma_wait3A_9 = arith.constant 0 : i32
    %dma_wait3A_10 = tpu.memref_slice %arg4[%dma_wait3A, %dma_wait3A_9] : memref<8192x768xf32, #tpu.memory_space<hbm>> -> memref<8192x768xf32, #tpu.memory_space<hbm>>
    tpu.wait_indirect_dma semaphore(%arg8 : memref<!tpu.dma_semaphore, #tpu.memory_space<semaphore_mem>>) src(%arg5 : memref<64x768xf32, #tpu.memory_space<vmem>>) dst(%dma_wait3A_10 : memref<8192x768xf32, #tpu.memory_space<hbm>>)
    %dma_wait3A_11 = arith.constant 0 : i32
    %dma_wait3A_12 = arith.constant 0 : i32
    %dma_wait3A_13 = tpu.memref_slice %arg4[%dma_wait3A_11, %dma_wait3A_12] : memref<8192x768xf32, #tpu.memory_space<hbm>> -> memref<8192x768xf32, #tpu.memory_space<hbm>>
    tpu.wait_indirect_dma semaphore(%arg8 : memref<!tpu.dma_semaphore, #tpu.memory_space<semaphore_mem>>) src(%arg5 : memref<64x768xf32, #tpu.memory_space<vmem>>) dst(%dma_wait3A_13 : memref<8192x768xf32, #tpu.memory_space<hbm>>)
    return
  }
}

module attributes {stable_mosaic.version = 14 : i64} {
  func.func @_expert_kernel(%arg0: i32, %arg1: i32, %arg2: memref<1x16xi32, #tpu.memory_space<smem>>, %arg3: memref<1x1xi32, #tpu.memory_space<smem>>, %arg4: memref<512x768xf32, #tpu.memory_space<vmem>>, %arg5: memref<1x1536x768xf32, #tpu.memory_space<vmem>>, %arg6: memref<1x1x1536xf32, #tpu.memory_space<vmem>>, %arg7: memref<1x768x1536xf32, #tpu.memory_space<vmem>>, %arg8: memref<1x1x768xf32, #tpu.memory_space<vmem>>, %arg9: memref<512x768xf32, #tpu.memory_space<vmem>>) attributes {dimension_semantics = [#tpu.dimension_semantics<arbitrary>, #tpu.dimension_semantics<arbitrary>], iteration_bounds = array<i64: 16, 1>, scalar_prefetch = 2 : i64, scratch_operands = 0 : i64, tpu.core_type = #tpu.core_type<tc>, window_params = [{transform_indices = @transform_0, window_bounds = array<i64: 512, 768>}, {transform_indices = @transform_1, window_bounds = array<i64: 1, 1536, 768>}, {transform_indices = @transform_2, window_bounds = array<i64: 1, 1, 1536>}, {transform_indices = @transform_3, window_bounds = array<i64: 1, 768, 1536>}, {transform_indices = @transform_4, window_bounds = array<i64: 1, 1, 768>}, {transform_indices = @transform_5, window_bounds = array<i64: 512, 768>}]} {
    %get3A = arith.constant 0 : index
    %get3A_0 = arith.constant 0 : index
    %get3A_1 = memref.load %arg3[%get3A, %get3A_0] : memref<1x1xi32, #tpu.memory_space<smem>>
    %lt3A = arith.cmpi slt, %arg0, %get3A_1 : i32
    %convert_element_type3A = arith.extui %lt3A : i1 to i32
    %cond3A = arith.constant 0 : i32
    %cond3A_2 = arith.cmpi ne, %convert_element_type3A, %cond3A : i32
    scf.if %cond3A_2 {
      %get3A_3 = arith.constant 0 : index
      %get3A_4 = arith.constant 0 : index
      %get3A_5 = vector.load %arg4[%get3A_3, %get3A_4] : memref<512x768xf32, #tpu.memory_space<vmem>>, vector<512x768xf32>
      %get3A_6 = arith.constant 0 : index
      %get3A_7 = arith.constant 0 : index
      %get3A_8 = arith.constant 0 : index
      %get3A_9 = vector.load %arg5[%get3A_6, %get3A_7, %get3A_8] : memref<1x1536x768xf32, #tpu.memory_space<vmem>>, vector<1x1536x768xf32>
      %get3A_10 = vector.shape_cast %get3A_9 : vector<1x1536x768xf32> to vector<1536x768xf32>
      %convert_element_type3A_11 = arith.truncf %get3A_10 : vector<1536x768xf32> to vector<1536x768xbf16>
      %dot_general3A = arith.constant dense<0.000000e+00> : vector<512x1536xf32>
      %dot_general3A_12 = tpu.matmul %get3A_5, %convert_element_type3A_11, %dot_general3A {dimension_numbers = #tpu.dot_dimension_numbers<[1], [1], [0], [0], [0, 0, 1, 0], [], []>, transpose_lhs_hint = false} : vector<512x768xf32>, vector<1536x768xbf16>, vector<512x1536xf32> -> vector<512x1536xf32>
      %get3A_13 = arith.constant 0 : index
      %get3A_14 = arith.constant 0 : index
      %get3A_15 = arith.constant 0 : index
      %get3A_16 = vector.load %arg6[%get3A_13, %get3A_14, %get3A_15] : memref<1x1x1536xf32, #tpu.memory_space<vmem>>, vector<1x1x1536xf32>
      %get3A_17 = vector.shape_cast %get3A_16 : vector<1x1x1536xf32> to vector<1x1536xf32>
      %add3A = vector.broadcast %get3A_17 : vector<1x1536xf32> to vector<512x1536xf32>
      %add3A_18 = arith.addf %dot_general3A_12, %add3A : vector<512x1536xf32>
      %logistic3A = arith.negf %add3A_18 : vector<512x1536xf32>
      %logistic3A_19 = math.exp %logistic3A : vector<512x1536xf32>
      %logistic3A_20 = arith.constant 1.000000e+00 : f32
      %logistic3A_21 = vector.broadcast %logistic3A_20 : f32 to vector<512x1536xf32>
      %logistic3A_22 = arith.addf %logistic3A_21, %logistic3A_19 : vector<512x1536xf32>
      %logistic3A_23 = arith.divf %logistic3A_21, %logistic3A_22 : vector<512x1536xf32>
      %mul3A = arith.mulf %add3A_18, %logistic3A_23 : vector<512x1536xf32>
      %get3A_24 = arith.constant 0 : index
      %get3A_25 = arith.constant 0 : index
      %get3A_26 = arith.constant 0 : index
      %get3A_27 = vector.load %arg7[%get3A_24, %get3A_25, %get3A_26] : memref<1x768x1536xf32, #tpu.memory_space<vmem>>, vector<1x768x1536xf32>
      %get3A_28 = vector.shape_cast %get3A_27 : vector<1x768x1536xf32> to vector<768x1536xf32>
      %convert_element_type3A_29 = arith.truncf %get3A_28 : vector<768x1536xf32> to vector<768x1536xbf16>
      %convert_element_type3A_30 = arith.truncf %mul3A : vector<512x1536xf32> to vector<512x1536xbf16>
      %dot_general3A_31 = arith.constant dense<0.000000e+00> : vector<512x768xf32>
      %dot_general3A_32 = tpu.matmul %convert_element_type3A_30, %convert_element_type3A_29, %dot_general3A_31 {dimension_numbers = #tpu.dot_dimension_numbers<[1], [1], [0], [0], [0, 0, 1, 0], [], []>, transpose_lhs_hint = false} : vector<512x1536xbf16>, vector<768x1536xbf16>, vector<512x768xf32> -> vector<512x768xf32>
      %eq3A = arith.constant 0 : i32
      %eq3A_33 = arith.cmpi eq, %arg1, %eq3A : i32
      %convert_element_type3A_34 = arith.extui %eq3A_33 : i1 to i32
      %cond3A_35 = arith.constant 0 : i32
      %cond3A_36 = arith.cmpi ne, %convert_element_type3A_34, %cond3A_35 : i32
      scf.if %cond3A_36 {
        %get3A_41 = arith.constant 0 : index
        %get3A_42 = arith.constant 0 : index
        %get3A_43 = arith.constant 0 : index
        %get3A_44 = vector.load %arg8[%get3A_41, %get3A_42, %get3A_43] : memref<1x1x768xf32, #tpu.memory_space<vmem>>, vector<1x1x768xf32>
        %get3A_45 = vector.shape_cast %get3A_44 : vector<1x1x768xf32> to vector<1x768xf32>
        %add3A_46 = vector.broadcast %get3A_45 : vector<1x768xf32> to vector<512x768xf32>
        %add3A_47 = arith.addf %dot_general3A_32, %add3A_46 : vector<512x768xf32>
        %swap3A = arith.constant 0 : index
        %swap3A_48 = arith.constant 0 : index
        %swap3A_49 = vector.load %arg9[%swap3A, %swap3A_48] : memref<512x768xf32, #tpu.memory_space<vmem>>, vector<512x768xf32>
        tpu.vector_store %arg9[%swap3A, %swap3A_48], %add3A_47 {strides = array<i32>} : memref<512x768xf32, #tpu.memory_space<vmem>>, vector<512x768xf32>,
      } else {
      }
      %gt3A = arith.constant 0 : i32
      %gt3A_37 = arith.cmpi sgt, %arg1, %gt3A : i32
      %convert_element_type3A_38 = arith.extui %gt3A_37 : i1 to i32
      %cond3A_39 = arith.constant 0 : i32
      %cond3A_40 = arith.cmpi ne, %convert_element_type3A_38, %cond3A_39 : i32
      scf.if %cond3A_40 {
        %get3A_41 = arith.constant 0 : index
        %get3A_42 = arith.constant 0 : index
        %get3A_43 = vector.load %arg9[%get3A_41, %get3A_42] : memref<512x768xf32, #tpu.memory_space<vmem>>, vector<512x768xf32>
        %add3A_44 = arith.addf %get3A_43, %dot_general3A_32 : vector<512x768xf32>
        %swap3A = arith.constant 0 : index
        %swap3A_45 = arith.constant 0 : index
        %swap3A_46 = vector.load %arg9[%swap3A, %swap3A_45] : memref<512x768xf32, #tpu.memory_space<vmem>>, vector<512x768xf32>
        tpu.vector_store %arg9[%swap3A, %swap3A_45], %add3A_44 {strides = array<i32>} : memref<512x768xf32, #tpu.memory_space<vmem>>, vector<512x768xf32>,
      } else {
      }
    } else {
    }
    return
  }
  func.func @transform_0(%arg0: i32, %arg1: i32, %arg2: memref<1x16xi32, #tpu.memory_space<smem>>, %arg3: memref<1x1xi32, #tpu.memory_space<smem>>) -> (i32, i32) {
    %get3A = arith.constant 0 : index
    %get3A_0 = arith.constant 0 : index
    %get3A_1 = memref.load %arg3[%get3A, %get3A_0] : memref<1x1xi32, #tpu.memory_space<smem>>
    %sub3A = arith.constant 1 : i32
    %sub3A_2 = arith.subi %get3A_1, %sub3A : i32
    %min3A = arith.minsi %arg0, %sub3A_2 : i32
    %c0_i32 = arith.constant 0 : i32
    %c0_i32_3 = arith.constant 0 : i32
    return %min3A, %c0_i32 : i32, i32
  }
  func.func @transform_1(%arg0: i32, %arg1: i32, %arg2: memref<1x16xi32, #tpu.memory_space<smem>>, %arg3: memref<1x1xi32, #tpu.memory_space<smem>>) -> (i32, i32, i32) {
    %get3A = arith.constant 0 : index
    %get3A_0 = arith.index_cast %arg0 : i32 to index
    %get3A_1 = memref.load %arg2[%get3A, %get3A_0] : memref<1x16xi32, #tpu.memory_space<smem>>
    %c0_i32 = arith.constant 0 : i32
    %c0_i32_2 = arith.constant 0 : i32
    return %get3A_1, %arg1, %c0_i32 : i32, i32, i32
  }
  func.func @transform_2(%arg0: i32, %arg1: i32, %arg2: memref<1x16xi32, #tpu.memory_space<smem>>, %arg3: memref<1x1xi32, #tpu.memory_space<smem>>) -> (i32, i32, i32) {
    %get3A = arith.constant 0 : index
    %get3A_0 = arith.index_cast %arg0 : i32 to index
    %get3A_1 = memref.load %arg2[%get3A, %get3A_0] : memref<1x16xi32, #tpu.memory_space<smem>>
    %c0_i32 = arith.constant 0 : i32
    %c0_i32_2 = arith.constant 0 : i32
    return %get3A_1, %c0_i32, %arg1 : i32, i32, i32
  }
  func.func @transform_3(%arg0: i32, %arg1: i32, %arg2: memref<1x16xi32, #tpu.memory_space<smem>>, %arg3: memref<1x1xi32, #tpu.memory_space<smem>>) -> (i32, i32, i32) {
    %get3A = arith.constant 0 : index
    %get3A_0 = arith.index_cast %arg0 : i32 to index
    %get3A_1 = memref.load %arg2[%get3A, %get3A_0] : memref<1x16xi32, #tpu.memory_space<smem>>
    %c0_i32 = arith.constant 0 : i32
    %c0_i32_2 = arith.constant 0 : i32
    return %get3A_1, %c0_i32, %arg1 : i32, i32, i32
  }
  func.func @transform_4(%arg0: i32, %arg1: i32, %arg2: memref<1x16xi32, #tpu.memory_space<smem>>, %arg3: memref<1x1xi32, #tpu.memory_space<smem>>) -> (i32, i32, i32) {
    %get3A = arith.constant 0 : index
    %get3A_0 = arith.index_cast %arg0 : i32 to index
    %get3A_1 = memref.load %arg2[%get3A, %get3A_0] : memref<1x16xi32, #tpu.memory_space<smem>>
    %c0_i32 = arith.constant 0 : i32
    %c0_i32_2 = arith.constant 0 : i32
    %c0_i32_3 = arith.constant 0 : i32
    return %get3A_1, %c0_i32, %c0_i32_2 : i32, i32, i32
  }
  func.func @transform_5(%arg0: i32, %arg1: i32, %arg2: memref<1x16xi32, #tpu.memory_space<smem>>, %arg3: memref<1x1xi32, #tpu.memory_space<smem>>) -> (i32, i32) {
    %get3A = arith.constant 0 : index
    %get3A_0 = arith.constant 0 : index
    %get3A_1 = memref.load %arg3[%get3A, %get3A_0] : memref<1x1xi32, #tpu.memory_space<smem>>
    %sub3A = arith.constant 1 : i32
    %sub3A_2 = arith.subi %get3A_1, %sub3A : i32
    %min3A = arith.minsi %arg0, %sub3A_2 : i32
    %c0_i32 = arith.constant 0 : i32
    %c0_i32_3 = arith.constant 0 : i32
    return %min3A, %c0_i32 : i32, i32
  }
}

module attributes {stable_mosaic.version = 14 : i64} {
  func.func @_router_kernel(%arg0: memref<2048x768xf32, #tpu.memory_space<vmem>>, %arg1: memref<8x768xf32, #tpu.memory_space<vmem>>, %arg2: memref<2048x2xi32, #tpu.memory_space<vmem>>, %arg3: memref<2x2048x16xf32, #tpu.memory_space<vmem>>, %arg4: memref<1x16xi32, #tpu.memory_space<vmem>>, %arg5: memref<1x1xi32, #tpu.memory_space<vmem>>, %arg6: memref<1x1xf32, #tpu.memory_space<vmem>>) attributes {dimension_semantics = [], scalar_prefetch = 0 : i64, scratch_operands = 0 : i64, tpu.core_type = #tpu.core_type<tc>} {
    %get3A = arith.constant 0 : index
    %get3A_0 = arith.constant 0 : index
    %get3A_1 = vector.load %arg0[%get3A, %get3A_0] : memref<2048x768xf32, #tpu.memory_space<vmem>>, vector<2048x768xf32>
    %get3A_2 = arith.constant 0 : index
    %get3A_3 = arith.constant 0 : index
    %get3A_4 = vector.load %arg1[%get3A_2, %get3A_3] : memref<8x768xf32, #tpu.memory_space<vmem>>, vector<8x768xf32>
    %dot_general3A = arith.constant dense<0.000000e+00> : vector<2048x8xf32>
    %dot_general3A_5 = tpu.matmul %get3A_1, %get3A_4, %dot_general3A {dimension_numbers = #tpu.dot_dimension_numbers<[1], [1], [0], [0], [0, 0, 1, 0], [], []>, transpose_lhs_hint = false} : vector<2048x768xf32>, vector<8x768xf32>, vector<2048x8xf32> -> vector<2048x8xf32>
    %reduce_max3A = arith.constant dense<0xFF800000> : vector<2048xf32>
    %reduce_max3A_6 = vector.multi_reduction <maximumf>, %dot_general3A_5, %reduce_max3A [1] : vector<2048x8xf32> to vector<2048xf32>
    %broadcast_in_dim3A = vector.shape_cast %reduce_max3A_6 : vector<2048xf32> to vector<2048x1xf32>
    %sub3A = vector.broadcast %broadcast_in_dim3A : vector<2048x1xf32> to vector<2048x8xf32>
    %sub3A_7 = arith.subf %dot_general3A_5, %sub3A : vector<2048x8xf32>
    %exp3A = math.exp %sub3A_7 : vector<2048x8xf32>
    %reduce_sum3A = arith.constant dense<0.000000e+00> : vector<2048xf32>
    %reduce_sum3A_8 = vector.multi_reduction <add>, %exp3A, %reduce_sum3A [1] : vector<2048x8xf32> to vector<2048xf32>
    %broadcast_in_dim3A_9 = vector.shape_cast %reduce_sum3A_8 : vector<2048xf32> to vector<2048x1xf32>
    %div3A = vector.broadcast %broadcast_in_dim3A_9 : vector<2048x1xf32> to vector<2048x8xf32>
    %div3A_10 = arith.divf %exp3A, %div3A : vector<2048x8xf32>
    %iota3A = tpu.iota {dimensions = array<i32: 1>} : vector<2048x8xi32>
    %reduce_max3A_11 = arith.constant dense<0xFF800000> : vector<2048xf32>
    %reduce_max3A_12 = vector.multi_reduction <maximumf>, %div3A_10, %reduce_max3A_11 [1] : vector<2048x8xf32> to vector<2048xf32>
    %broadcast_in_dim3A_13 = vector.shape_cast %reduce_max3A_12 : vector<2048xf32> to vector<2048x1xf32>
    %eq3A = vector.broadcast %broadcast_in_dim3A_13 : vector<2048x1xf32> to vector<2048x8xf32>
    %eq3A_14 = arith.cmpf oeq, %div3A_10, %eq3A : vector<2048x8xf32>
    %jit3A = arith.constant 8 : i32
    %broadcast_in_dim3A_15 = vector.broadcast %jit3A : i32 to vector<2048x8xi32>
    %select_n3A = arith.select %eq3A_14, %iota3A, %broadcast_in_dim3A_15 : vector<2048x8xi1>, vector<2048x8xi32>
    %reduce_min3A = arith.constant dense<2147483647> : vector<2048xi32>
    %reduce_min3A_16 = vector.multi_reduction <minsi>, %select_n3A, %reduce_min3A [1] : vector<2048x8xi32> to vector<2048xi32>
    %broadcast_in_dim3A_17 = vector.shape_cast %reduce_min3A_16 : vector<2048xi32> to vector<2048x1xi32>
    %eq3A_18 = vector.broadcast %broadcast_in_dim3A_17 : vector<2048x1xi32> to vector<2048x8xi32>
    %eq3A_19 = arith.cmpi eq, %iota3A, %eq3A_18 : vector<2048x8xi32>
    %jit3A_20 = arith.constant 0xFF800000 : f32
    %broadcast_in_dim3A_21 = vector.broadcast %jit3A_20 : f32 to vector<2048x8xf32>
    %select_n3A_22 = arith.select %eq3A_19, %broadcast_in_dim3A_21, %div3A_10 : vector<2048x8xi1>, vector<2048x8xf32>
    %reduce_max3A_23 = arith.constant dense<0xFF800000> : vector<2048xf32>
    %reduce_max3A_24 = vector.multi_reduction <maximumf>, %select_n3A_22, %reduce_max3A_23 [1] : vector<2048x8xf32> to vector<2048xf32>
    %broadcast_in_dim3A_25 = vector.shape_cast %reduce_max3A_24 : vector<2048xf32> to vector<2048x1xf32>
    %eq3A_26 = vector.broadcast %broadcast_in_dim3A_25 : vector<2048x1xf32> to vector<2048x8xf32>
    %eq3A_27 = arith.cmpf oeq, %select_n3A_22, %eq3A_26 : vector<2048x8xf32>
    %jit3A_28 = arith.constant 8 : i32
    %broadcast_in_dim3A_29 = vector.broadcast %jit3A_28 : i32 to vector<2048x8xi32>
    %select_n3A_30 = arith.select %eq3A_27, %iota3A, %broadcast_in_dim3A_29 : vector<2048x8xi1>, vector<2048x8xi32>
    %reduce_min3A_31 = arith.constant dense<2147483647> : vector<2048xi32>
    %reduce_min3A_32 = vector.multi_reduction <minsi>, %select_n3A_30, %reduce_min3A_31 [1] : vector<2048x8xi32> to vector<2048xi32>
    %broadcast_in_dim3A_33 = vector.shape_cast %reduce_min3A_32 : vector<2048xi32> to vector<2048x1xi32>
    %eq3A_34 = vector.broadcast %broadcast_in_dim3A_33 : vector<2048x1xi32> to vector<2048x8xi32>
    %eq3A_35 = arith.cmpi eq, %iota3A, %eq3A_34 : vector<2048x8xi32>
    %add3A = arith.addf %broadcast_in_dim3A_13, %broadcast_in_dim3A_25 : vector<2048x1xf32>
    %add3A_36 = arith.constant 9.99999971E-10 : f32
    %add3A_37 = vector.broadcast %add3A_36 : f32 to vector<2048x1xf32>
    %add3A_38 = arith.addf %add3A, %add3A_37 : vector<2048x1xf32>
    %div3A_39 = arith.divf %broadcast_in_dim3A_13, %add3A_38 : vector<2048x1xf32>
    %broadcast_in_dim3A_40 = vector.shape_cast %div3A_39 : vector<2048x1xf32> to vector<2048x1xf32>
    %broadcast_in_dim3A_41 = vector.broadcast %broadcast_in_dim3A_40 : vector<2048x1xf32> to vector<2048x16xf32>
    %swap3A = arith.constant 0 : index
    %swap3A_42 = arith.constant 0 : index
    %swap3A_43 = arith.constant 0 : index
    %swap3A_44 = vector.load %arg3[%swap3A, %swap3A_42, %swap3A_43] : memref<2x2048x16xf32, #tpu.memory_space<vmem>>, vector<1x2048x16xf32>
    %swap3A_45 = vector.shape_cast %swap3A_44 : vector<1x2048x16xf32> to vector<2048x16xf32>
    %swap3A_46 = vector.shape_cast %broadcast_in_dim3A_41 : vector<2048x16xf32> to vector<1x2048x16xf32>
    tpu.vector_store %arg3[%swap3A, %swap3A_42, %swap3A_43], %swap3A_46 {strides = array<i32>} : memref<2x2048x16xf32, #tpu.memory_space<vmem>>, vector<1x2048x16xf32>,
    %div3A_47 = arith.divf %broadcast_in_dim3A_25, %add3A_38 : vector<2048x1xf32>
    %broadcast_in_dim3A_48 = vector.shape_cast %div3A_47 : vector<2048x1xf32> to vector<2048x1xf32>
    %broadcast_in_dim3A_49 = vector.broadcast %broadcast_in_dim3A_48 : vector<2048x1xf32> to vector<2048x16xf32>
    %swap3A_50 = arith.constant 1 : index
    %swap3A_51 = arith.constant 0 : index
    %swap3A_52 = arith.constant 0 : index
    %swap3A_53 = vector.load %arg3[%swap3A_50, %swap3A_51, %swap3A_52] : memref<2x2048x16xf32, #tpu.memory_space<vmem>>, vector<1x2048x16xf32>
    %swap3A_54 = vector.shape_cast %swap3A_53 : vector<1x2048x16xf32> to vector<2048x16xf32>
    %swap3A_55 = vector.shape_cast %broadcast_in_dim3A_49 : vector<2048x16xf32> to vector<1x2048x16xf32>
    tpu.vector_store %arg3[%swap3A_50, %swap3A_51, %swap3A_52], %swap3A_55 {strides = array<i32>} : memref<2x2048x16xf32, #tpu.memory_space<vmem>>, vector<1x2048x16xf32>,
    %convert_element_type3A = arith.extui %eq3A_19 : vector<2048x8xi1> to vector<2048x8xi32>
    %convert_element_type3A_56 = arith.sitofp %convert_element_type3A : vector<2048x8xi32> to vector<2048x8xf32>
    %convert_element_type3A_57 = arith.extui %eq3A_35 : vector<2048x8xi1> to vector<2048x8xi32>
    %convert_element_type3A_58 = arith.sitofp %convert_element_type3A_57 : vector<2048x8xi32> to vector<2048x8xf32>
    %add3A_59 = arith.addf %convert_element_type3A_56, %convert_element_type3A_58 : vector<2048x8xf32>
    %reduce_sum3A_60 = arith.constant dense<0.000000e+00> : vector<8xf32>
    %reduce_sum3A_61 = vector.multi_reduction <add>, %add3A_59, %reduce_sum3A_60 [0] : vector<2048x8xf32> to vector<8xf32>
    %broadcast_in_dim3A_62 = vector.shape_cast %reduce_sum3A_61 : vector<8xf32> to vector<1x8xf32>
    %add3A_63 = arith.constant 5.110000e+02 : f32
    %add3A_64 = vector.broadcast %add3A_63 : f32 to vector<1x8xf32>
    %add3A_65 = arith.addf %broadcast_in_dim3A_62, %add3A_64 : vector<1x8xf32>
    %mul3A = arith.constant 0.001953125 : f32
    %mul3A_66 = vector.broadcast %mul3A : f32 to vector<1x8xf32>
    %mul3A_67 = arith.mulf %add3A_65, %mul3A_66 : vector<1x8xf32>
    %floor3A = math.floor %mul3A_67 : vector<1x8xf32>
    %iota3A_68 = tpu.iota {dimensions = array<i32: 0>} : vector<8x8xi32>
    %iota3A_69 = tpu.iota {dimensions = array<i32: 1>} : vector<8x8xi32>
    %lt3A = arith.cmpi slt, %iota3A_68, %iota3A_69 : vector<8x8xi32>
    %convert_element_type3A_70 = arith.extui %lt3A : vector<8x8xi1> to vector<8x8xi32>
    %convert_element_type3A_71 = arith.sitofp %convert_element_type3A_70 : vector<8x8xi32> to vector<8x8xf32>
    %dot_general3A_72 = arith.constant dense<0.000000e+00> : vector<1x8xf32>
    %dot_general3A_73 = tpu.matmul %floor3A, %convert_element_type3A_71, %dot_general3A_72 {dimension_numbers = #tpu.dot_dimension_numbers<[1], [0], [0], [1], [0, 0, 1, 1], [], []>, transpose_lhs_hint = false} : vector<1x8xf32>, vector<8x8xf32>, vector<1x8xf32> -> vector<1x8xf32>
    %mul3A_74 = arith.constant 5.120000e+02 : f32
    %mul3A_75 = vector.broadcast %mul3A_74 : f32 to vector<1x8xf32>
    %mul3A_76 = arith.mulf %dot_general3A_73, %mul3A_75 : vector<1x8xf32>
    %broadcast_in_dim3A_77 = arith.constant 1.000000e+00 : f32
    %broadcast_in_dim3A_78 = vector.broadcast %broadcast_in_dim3A_77 : f32 to vector<2048x1xf32>
    %dot_general3A_79 = arith.constant dense<0.000000e+00> : vector<8x1xf32>
    %dot_general3A_80 = tpu.matmul %add3A_59, %broadcast_in_dim3A_78, %dot_general3A_79 {dimension_numbers = #tpu.dot_dimension_numbers<[0], [0], [1], [1], [0, 1, 1, 1], [], []>, transpose_lhs_hint = false} : vector<2048x8xf32>, vector<2048x1xf32>, vector<8x1xf32> -> vector<8x1xf32>
    %add3A_81 = arith.constant 5.110000e+02 : f32
    %add3A_82 = vector.broadcast %add3A_81 : f32 to vector<8x1xf32>
    %add3A_83 = arith.addf %dot_general3A_80, %add3A_82 : vector<8x1xf32>
    %mul3A_84 = arith.constant 0.001953125 : f32
    %mul3A_85 = vector.broadcast %mul3A_84 : f32 to vector<8x1xf32>
    %mul3A_86 = arith.mulf %add3A_83, %mul3A_85 : vector<8x1xf32>
    %floor3A_87 = math.floor %mul3A_86 : vector<8x1xf32>
    %le3A = arith.cmpi sle, %iota3A_69, %iota3A_68 : vector<8x8xi32>
    %convert_element_type3A_88 = arith.extui %le3A : vector<8x8xi1> to vector<8x8xi32>
    %convert_element_type3A_89 = arith.sitofp %convert_element_type3A_88 : vector<8x8xi32> to vector<8x8xf32>
    %dot_general3A_90 = arith.constant dense<0.000000e+00> : vector<8x1xf32>
    %dot_general3A_91 = tpu.matmul %convert_element_type3A_89, %floor3A_87, %dot_general3A_90 {dimension_numbers = #tpu.dot_dimension_numbers<[1], [0], [0], [1], [0, 0, 1, 1], [], []>, transpose_lhs_hint = false} : vector<8x8xf32>, vector<8x1xf32>, vector<8x1xf32> -> vector<8x1xf32>
    %iota3A_92 = tpu.iota {dimensions = array<i32: 1>} : vector<8x16xi32>
    %convert_element_type3A_93 = arith.fptosi %dot_general3A_91 : vector<8x1xf32> to vector<8x1xi32>
    %ge3A = vector.broadcast %convert_element_type3A_93 : vector<8x1xi32> to vector<8x16xi32>
    %ge3A_94 = arith.cmpi sge, %iota3A_92, %ge3A : vector<8x16xi32>
    %convert_element_type3A_95 = arith.extui %ge3A_94 : vector<8x16xi1> to vector<8x16xi32>
    %reduce_sum3A_96 = arith.constant dense<0> : vector<16xi32>
    %reduce_sum3A_97 = vector.multi_reduction <add>, %convert_element_type3A_95, %reduce_sum3A_96 [0] : vector<8x16xi32> to vector<16xi32>
    %broadcast_in_dim3A_98 = vector.shape_cast %reduce_sum3A_97 : vector<16xi32> to vector<1x16xi32>
    %min3A = arith.constant 7 : i32
    %min3A_99 = vector.broadcast %min3A : i32 to vector<1x16xi32>
    %min3A_100 = arith.minsi %broadcast_in_dim3A_98, %min3A_99 : vector<1x16xi32>
    %swap3A_101 = arith.constant 0 : index
    %swap3A_102 = arith.constant 0 : index
    %swap3A_103 = vector.load %arg4[%swap3A_101, %swap3A_102] : memref<1x16xi32, #tpu.memory_space<vmem>>, vector<1x16xi32>
    tpu.vector_store %arg4[%swap3A_101, %swap3A_102], %min3A_100 {strides = array<i32>} : memref<1x16xi32, #tpu.memory_space<vmem>>, vector<1x16xi32>,
    %reduce_max3A_104 = vector.shape_cast %dot_general3A_91 : vector<8x1xf32> to vector<1x8x1xf32>
    %reduce_max3A_105 = arith.constant dense<0xFF800000> : vector<1xf32>
    %reduce_max3A_106 = vector.multi_reduction <maximumf>, %reduce_max3A_104, %reduce_max3A_105 [1, 2] : vector<1x8x1xf32> to vector<1xf32>
    %reduce_max3A_107 = vector.shape_cast %reduce_max3A_106 : vector<1xf32> to vector<1x1x1xf32>
    %reduce_max3A_108 = vector.extract %reduce_max3A_107[0, 0, 0] : f32 from vector<1x1x1xf32>
    %reshape3A = vector.broadcast %reduce_max3A_108 : f32 to vector<1x1xf32>
    %convert_element_type3A_109 = arith.fptosi %reshape3A : vector<1x1xf32> to vector<1x1xi32>
    %swap3A_110 = arith.constant 0 : index
    %swap3A_111 = arith.constant 0 : index
    %swap3A_112 = vector.load %arg5[%swap3A_110, %swap3A_111] : memref<1x1xi32, #tpu.memory_space<vmem>>, vector<1x1xi32>
    tpu.vector_store %arg5[%swap3A_110, %swap3A_111], %convert_element_type3A_109 {strides = array<i32>} : memref<1x1xi32, #tpu.memory_space<vmem>>, vector<1x1xi32>,
    %iota3A_113 = tpu.iota {dimensions = array<i32: 0>} : vector<256x256xi32>
    %iota3A_114 = tpu.iota {dimensions = array<i32: 1>} : vector<256x256xi32>
    %lt3A_115 = arith.cmpi slt, %iota3A_114, %iota3A_113 : vector<256x256xi32>
    %convert_element_type3A_116 = arith.extui %lt3A_115 : vector<256x256xi1> to vector<256x256xi32>
    %convert_element_type3A_117 = arith.sitofp %convert_element_type3A_116 : vector<256x256xi32> to vector<256x256xf32>
    %broadcast_in_dim3A_118 = arith.constant 0.000000e+00 : f32
    %broadcast_in_dim3A_119 = vector.broadcast %broadcast_in_dim3A_118 : f32 to vector<1x8xf32>
    %slice3A = vector.extract_strided_slice %add3A_59 {offsets = [0, 0], sizes = [256, 8], strides = [1, 1]} : vector<2048x8xf32> to vector<256x8xf32>
    %dot_general3A_120 = arith.constant dense<0.000000e+00> : vector<256x8xf32>
    %dot_general3A_121 = tpu.matmul %convert_element_type3A_117, %slice3A, %dot_general3A_120 {dimension_numbers = #tpu.dot_dimension_numbers<[1], [0], [0], [1], [0, 0, 1, 1], [], []>, transpose_lhs_hint = false} : vector<256x256xf32>, vector<256x8xf32>, vector<256x8xf32> -> vector<256x8xf32>
    %add3A_122 = vector.broadcast %broadcast_in_dim3A_119 : vector<1x8xf32> to vector<256x8xf32>
    %add3A_123 = arith.addf %add3A_122, %dot_general3A_121 : vector<256x8xf32>
    %reduce_sum3A_124 = arith.constant dense<0.000000e+00> : vector<8xf32>
    %reduce_sum3A_125 = vector.multi_reduction <add>, %slice3A, %reduce_sum3A_124 [0] : vector<256x8xf32> to vector<8xf32>
    %broadcast_in_dim3A_126 = vector.shape_cast %reduce_sum3A_125 : vector<8xf32> to vector<1x8xf32>
    %add3A_127 = arith.addf %broadcast_in_dim3A_119, %broadcast_in_dim3A_126 : vector<1x8xf32>
    %add3A_128 = vector.broadcast %mul3A_76 : vector<1x8xf32> to vector<256x8xf32>
    %add3A_129 = arith.addf %add3A_128, %add3A_123 : vector<256x8xf32>
    %slice3A_130 = vector.extract_strided_slice %eq3A_19 {offsets = [0, 0], sizes = [256, 8], strides = [1, 1]} : vector<2048x8xi1> to vector<256x8xi1>
    %jit3A_131 = arith.constant 0.000000e+00 : f32
    %broadcast_in_dim3A_132 = vector.broadcast %jit3A_131 : f32 to vector<256x8xf32>
    %select_n3A_133 = arith.select %slice3A_130, %add3A_129, %broadcast_in_dim3A_132 : vector<256x8xi1>, vector<256x8xf32>
    %reduce_sum3A_134 = arith.constant dense<0.000000e+00> : vector<256xf32>
    %reduce_sum3A_135 = vector.multi_reduction <add>, %select_n3A_133, %reduce_sum3A_134 [1] : vector<256x8xf32> to vector<256xf32>
    %broadcast_in_dim3A_136 = vector.shape_cast %reduce_sum3A_135 : vector<256xf32> to vector<256x1xf32>
    %slice3A_137 = vector.extract_strided_slice %eq3A_35 {offsets = [0, 0], sizes = [256, 8], strides = [1, 1]} : vector<2048x8xi1> to vector<256x8xi1>
    %jit3A_138 = arith.constant 0.000000e+00 : f32
    %broadcast_in_dim3A_139 = vector.broadcast %jit3A_138 : f32 to vector<256x8xf32>
    %select_n3A_140 = arith.select %slice3A_137, %add3A_129, %broadcast_in_dim3A_139 : vector<256x8xi1>, vector<256x8xf32>
    %reduce_sum3A_141 = arith.constant dense<0.000000e+00> : vector<256xf32>
    %reduce_sum3A_142 = vector.multi_reduction <add>, %select_n3A_140, %reduce_sum3A_141 [1] : vector<256x8xf32> to vector<256xf32>
    %broadcast_in_dim3A_143 = vector.shape_cast %reduce_sum3A_142 : vector<256xf32> to vector<256x1xf32>
    %concatenate3A = tpu.concatenate %broadcast_in_dim3A_136, %broadcast_in_dim3A_143 in 1 : vector<256x1xf32>, vector<256x1xf32> -> vector<256x2xf32>
    %convert_element_type3A_144 = arith.fptosi %concatenate3A : vector<256x2xf32> to vector<256x2xi32>
    %swap3A_145 = arith.constant 0 : index
    %swap3A_146 = arith.constant 0 : index
    %swap3A_147 = vector.load %arg2[%swap3A_145, %swap3A_146] : memref<2048x2xi32, #tpu.memory_space<vmem>>, vector<256x2xi32>
    tpu.vector_store %arg2[%swap3A_145, %swap3A_146], %convert_element_type3A_144 {strides = array<i32>} : memref<2048x2xi32, #tpu.memory_space<vmem>>, vector<256x2xi32>,
    %slice3A_148 = vector.extract_strided_slice %add3A_59 {offsets = [256, 0], sizes = [256, 8], strides = [1, 1]} : vector<2048x8xf32> to vector<256x8xf32>
    %dot_general3A_149 = arith.constant dense<0.000000e+00> : vector<256x8xf32>
    %dot_general3A_150 = tpu.matmul %convert_element_type3A_117, %slice3A_148, %dot_general3A_149 {dimension_numbers = #tpu.dot_dimension_numbers<[1], [0], [0], [1], [0, 0, 1, 1], [], []>, transpose_lhs_hint = false} : vector<256x256xf32>, vector<256x8xf32>, vector<256x8xf32> -> vector<256x8xf32>
    %add3A_151 = vector.broadcast %add3A_127 : vector<1x8xf32> to vector<256x8xf32>
    %add3A_152 = arith.addf %add3A_151, %dot_general3A_150 : vector<256x8xf32>
    %reduce_sum3A_153 = arith.constant dense<0.000000e+00> : vector<8xf32>
    %reduce_sum3A_154 = vector.multi_reduction <add>, %slice3A_148, %reduce_sum3A_153 [0] : vector<256x8xf32> to vector<8xf32>
    %broadcast_in_dim3A_155 = vector.shape_cast %reduce_sum3A_154 : vector<8xf32> to vector<1x8xf32>
    %add3A_156 = arith.addf %add3A_127, %broadcast_in_dim3A_155 : vector<1x8xf32>
    %add3A_157 = vector.broadcast %mul3A_76 : vector<1x8xf32> to vector<256x8xf32>
    %add3A_158 = arith.addf %add3A_157, %add3A_152 : vector<256x8xf32>
    %slice3A_159 = vector.extract_strided_slice %eq3A_19 {offsets = [256, 0], sizes = [256, 8], strides = [1, 1]} : vector<2048x8xi1> to vector<256x8xi1>
    %jit3A_160 = arith.constant 0.000000e+00 : f32
    %broadcast_in_dim3A_161 = vector.broadcast %jit3A_160 : f32 to vector<256x8xf32>
    %select_n3A_162 = arith.select %slice3A_159, %add3A_158, %broadcast_in_dim3A_161 : vector<256x8xi1>, vector<256x8xf32>
    %reduce_sum3A_163 = arith.constant dense<0.000000e+00> : vector<256xf32>
    %reduce_sum3A_164 = vector.multi_reduction <add>, %select_n3A_162, %reduce_sum3A_163 [1] : vector<256x8xf32> to vector<256xf32>
    %broadcast_in_dim3A_165 = vector.shape_cast %reduce_sum3A_164 : vector<256xf32> to vector<256x1xf32>
    %slice3A_166 = vector.extract_strided_slice %eq3A_35 {offsets = [256, 0], sizes = [256, 8], strides = [1, 1]} : vector<2048x8xi1> to vector<256x8xi1>
    %jit3A_167 = arith.constant 0.000000e+00 : f32
    %broadcast_in_dim3A_168 = vector.broadcast %jit3A_167 : f32 to vector<256x8xf32>
    %select_n3A_169 = arith.select %slice3A_166, %add3A_158, %broadcast_in_dim3A_168 : vector<256x8xi1>, vector<256x8xf32>
    %reduce_sum3A_170 = arith.constant dense<0.000000e+00> : vector<256xf32>
    %reduce_sum3A_171 = vector.multi_reduction <add>, %select_n3A_169, %reduce_sum3A_170 [1] : vector<256x8xf32> to vector<256xf32>
    %broadcast_in_dim3A_172 = vector.shape_cast %reduce_sum3A_171 : vector<256xf32> to vector<256x1xf32>
    %concatenate3A_173 = tpu.concatenate %broadcast_in_dim3A_165, %broadcast_in_dim3A_172 in 1 : vector<256x1xf32>, vector<256x1xf32> -> vector<256x2xf32>
    %convert_element_type3A_174 = arith.fptosi %concatenate3A_173 : vector<256x2xf32> to vector<256x2xi32>
    %swap3A_175 = arith.constant 256 : index
    %swap3A_176 = arith.constant 0 : index
    %swap3A_177 = vector.load %arg2[%swap3A_175, %swap3A_176] : memref<2048x2xi32, #tpu.memory_space<vmem>>, vector<256x2xi32>
    tpu.vector_store %arg2[%swap3A_175, %swap3A_176], %convert_element_type3A_174 {strides = array<i32>} : memref<2048x2xi32, #tpu.memory_space<vmem>>, vector<256x2xi32>,
    %slice3A_178 = vector.extract_strided_slice %add3A_59 {offsets = [512, 0], sizes = [256, 8], strides = [1, 1]} : vector<2048x8xf32> to vector<256x8xf32>
    %dot_general3A_179 = arith.constant dense<0.000000e+00> : vector<256x8xf32>
    %dot_general3A_180 = tpu.matmul %convert_element_type3A_117, %slice3A_178, %dot_general3A_179 {dimension_numbers = #tpu.dot_dimension_numbers<[1], [0], [0], [1], [0, 0, 1, 1], [], []>, transpose_lhs_hint = false} : vector<256x256xf32>, vector<256x8xf32>, vector<256x8xf32> -> vector<256x8xf32>
    %add3A_181 = vector.broadcast %add3A_156 : vector<1x8xf32> to vector<256x8xf32>
    %add3A_182 = arith.addf %add3A_181, %dot_general3A_180 : vector<256x8xf32>
    %reduce_sum3A_183 = arith.constant dense<0.000000e+00> : vector<8xf32>
    %reduce_sum3A_184 = vector.multi_reduction <add>, %slice3A_178, %reduce_sum3A_183 [0] : vector<256x8xf32> to vector<8xf32>
    %broadcast_in_dim3A_185 = vector.shape_cast %reduce_sum3A_184 : vector<8xf32> to vector<1x8xf32>
    %add3A_186 = arith.addf %add3A_156, %broadcast_in_dim3A_185 : vector<1x8xf32>
    %add3A_187 = vector.broadcast %mul3A_76 : vector<1x8xf32> to vector<256x8xf32>
    %add3A_188 = arith.addf %add3A_187, %add3A_182 : vector<256x8xf32>
    %slice3A_189 = vector.extract_strided_slice %eq3A_19 {offsets = [512, 0], sizes = [256, 8], strides = [1, 1]} : vector<2048x8xi1> to vector<256x8xi1>
    %jit3A_190 = arith.constant 0.000000e+00 : f32
    %broadcast_in_dim3A_191 = vector.broadcast %jit3A_190 : f32 to vector<256x8xf32>
    %select_n3A_192 = arith.select %slice3A_189, %add3A_188, %broadcast_in_dim3A_191 : vector<256x8xi1>, vector<256x8xf32>
    %reduce_sum3A_193 = arith.constant dense<0.000000e+00> : vector<256xf32>
    %reduce_sum3A_194 = vector.multi_reduction <add>, %select_n3A_192, %reduce_sum3A_193 [1] : vector<256x8xf32> to vector<256xf32>
    %broadcast_in_dim3A_195 = vector.shape_cast %reduce_sum3A_194 : vector<256xf32> to vector<256x1xf32>
    %slice3A_196 = vector.extract_strided_slice %eq3A_35 {offsets = [512, 0], sizes = [256, 8], strides = [1, 1]} : vector<2048x8xi1> to vector<256x8xi1>
    %jit3A_197 = arith.constant 0.000000e+00 : f32
    %broadcast_in_dim3A_198 = vector.broadcast %jit3A_197 : f32 to vector<256x8xf32>
    %select_n3A_199 = arith.select %slice3A_196, %add3A_188, %broadcast_in_dim3A_198 : vector<256x8xi1>, vector<256x8xf32>
    %reduce_sum3A_200 = arith.constant dense<0.000000e+00> : vector<256xf32>
    %reduce_sum3A_201 = vector.multi_reduction <add>, %select_n3A_199, %reduce_sum3A_200 [1] : vector<256x8xf32> to vector<256xf32>
    %broadcast_in_dim3A_202 = vector.shape_cast %reduce_sum3A_201 : vector<256xf32> to vector<256x1xf32>
    %concatenate3A_203 = tpu.concatenate %broadcast_in_dim3A_195, %broadcast_in_dim3A_202 in 1 : vector<256x1xf32>, vector<256x1xf32> -> vector<256x2xf32>
    %convert_element_type3A_204 = arith.fptosi %concatenate3A_203 : vector<256x2xf32> to vector<256x2xi32>
    %swap3A_205 = arith.constant 512 : index
    %swap3A_206 = arith.constant 0 : index
    %swap3A_207 = vector.load %arg2[%swap3A_205, %swap3A_206] : memref<2048x2xi32, #tpu.memory_space<vmem>>, vector<256x2xi32>
    tpu.vector_store %arg2[%swap3A_205, %swap3A_206], %convert_element_type3A_204 {strides = array<i32>} : memref<2048x2xi32, #tpu.memory_space<vmem>>, vector<256x2xi32>,
    %slice3A_208 = vector.extract_strided_slice %add3A_59 {offsets = [768, 0], sizes = [256, 8], strides = [1, 1]} : vector<2048x8xf32> to vector<256x8xf32>
    %dot_general3A_209 = arith.constant dense<0.000000e+00> : vector<256x8xf32>
    %dot_general3A_210 = tpu.matmul %convert_element_type3A_117, %slice3A_208, %dot_general3A_209 {dimension_numbers = #tpu.dot_dimension_numbers<[1], [0], [0], [1], [0, 0, 1, 1], [], []>, transpose_lhs_hint = false} : vector<256x256xf32>, vector<256x8xf32>, vector<256x8xf32> -> vector<256x8xf32>
    %add3A_211 = vector.broadcast %add3A_186 : vector<1x8xf32> to vector<256x8xf32>
    %add3A_212 = arith.addf %add3A_211, %dot_general3A_210 : vector<256x8xf32>
    %reduce_sum3A_213 = arith.constant dense<0.000000e+00> : vector<8xf32>
    %reduce_sum3A_214 = vector.multi_reduction <add>, %slice3A_208, %reduce_sum3A_213 [0] : vector<256x8xf32> to vector<8xf32>
    %broadcast_in_dim3A_215 = vector.shape_cast %reduce_sum3A_214 : vector<8xf32> to vector<1x8xf32>
    %add3A_216 = arith.addf %add3A_186, %broadcast_in_dim3A_215 : vector<1x8xf32>
    %add3A_217 = vector.broadcast %mul3A_76 : vector<1x8xf32> to vector<256x8xf32>
    %add3A_218 = arith.addf %add3A_217, %add3A_212 : vector<256x8xf32>
    %slice3A_219 = vector.extract_strided_slice %eq3A_19 {offsets = [768, 0], sizes = [256, 8], strides = [1, 1]} : vector<2048x8xi1> to vector<256x8xi1>
    %jit3A_220 = arith.constant 0.000000e+00 : f32
    %broadcast_in_dim3A_221 = vector.broadcast %jit3A_220 : f32 to vector<256x8xf32>
    %select_n3A_222 = arith.select %slice3A_219, %add3A_218, %broadcast_in_dim3A_221 : vector<256x8xi1>, vector<256x8xf32>
    %reduce_sum3A_223 = arith.constant dense<0.000000e+00> : vector<256xf32>
    %reduce_sum3A_224 = vector.multi_reduction <add>, %select_n3A_222, %reduce_sum3A_223 [1] : vector<256x8xf32> to vector<256xf32>
    %broadcast_in_dim3A_225 = vector.shape_cast %reduce_sum3A_224 : vector<256xf32> to vector<256x1xf32>
    %slice3A_226 = vector.extract_strided_slice %eq3A_35 {offsets = [768, 0], sizes = [256, 8], strides = [1, 1]} : vector<2048x8xi1> to vector<256x8xi1>
    %jit3A_227 = arith.constant 0.000000e+00 : f32
    %broadcast_in_dim3A_228 = vector.broadcast %jit3A_227 : f32 to vector<256x8xf32>
    %select_n3A_229 = arith.select %slice3A_226, %add3A_218, %broadcast_in_dim3A_228 : vector<256x8xi1>, vector<256x8xf32>
    %reduce_sum3A_230 = arith.constant dense<0.000000e+00> : vector<256xf32>
    %reduce_sum3A_231 = vector.multi_reduction <add>, %select_n3A_229, %reduce_sum3A_230 [1] : vector<256x8xf32> to vector<256xf32>
    %broadcast_in_dim3A_232 = vector.shape_cast %reduce_sum3A_231 : vector<256xf32> to vector<256x1xf32>
    %concatenate3A_233 = tpu.concatenate %broadcast_in_dim3A_225, %broadcast_in_dim3A_232 in 1 : vector<256x1xf32>, vector<256x1xf32> -> vector<256x2xf32>
    %convert_element_type3A_234 = arith.fptosi %concatenate3A_233 : vector<256x2xf32> to vector<256x2xi32>
    %swap3A_235 = arith.constant 768 : index
    %swap3A_236 = arith.constant 0 : index
    %swap3A_237 = vector.load %arg2[%swap3A_235, %swap3A_236] : memref<2048x2xi32, #tpu.memory_space<vmem>>, vector<256x2xi32>
    tpu.vector_store %arg2[%swap3A_235, %swap3A_236], %convert_element_type3A_234 {strides = array<i32>} : memref<2048x2xi32, #tpu.memory_space<vmem>>, vector<256x2xi32>,
    %slice3A_238 = vector.extract_strided_slice %add3A_59 {offsets = [1024, 0], sizes = [256, 8], strides = [1, 1]} : vector<2048x8xf32> to vector<256x8xf32>
    %dot_general3A_239 = arith.constant dense<0.000000e+00> : vector<256x8xf32>
    %dot_general3A_240 = tpu.matmul %convert_element_type3A_117, %slice3A_238, %dot_general3A_239 {dimension_numbers = #tpu.dot_dimension_numbers<[1], [0], [0], [1], [0, 0, 1, 1], [], []>, transpose_lhs_hint = false} : vector<256x256xf32>, vector<256x8xf32>, vector<256x8xf32> -> vector<256x8xf32>
    %add3A_241 = vector.broadcast %add3A_216 : vector<1x8xf32> to vector<256x8xf32>
    %add3A_242 = arith.addf %add3A_241, %dot_general3A_240 : vector<256x8xf32>
    %reduce_sum3A_243 = arith.constant dense<0.000000e+00> : vector<8xf32>
    %reduce_sum3A_244 = vector.multi_reduction <add>, %slice3A_238, %reduce_sum3A_243 [0] : vector<256x8xf32> to vector<8xf32>
    %broadcast_in_dim3A_245 = vector.shape_cast %reduce_sum3A_244 : vector<8xf32> to vector<1x8xf32>
    %add3A_246 = arith.addf %add3A_216, %broadcast_in_dim3A_245 : vector<1x8xf32>
    %add3A_247 = vector.broadcast %mul3A_76 : vector<1x8xf32> to vector<256x8xf32>
    %add3A_248 = arith.addf %add3A_247, %add3A_242 : vector<256x8xf32>
    %slice3A_249 = vector.extract_strided_slice %eq3A_19 {offsets = [1024, 0], sizes = [256, 8], strides = [1, 1]} : vector<2048x8xi1> to vector<256x8xi1>
    %jit3A_250 = arith.constant 0.000000e+00 : f32
    %broadcast_in_dim3A_251 = vector.broadcast %jit3A_250 : f32 to vector<256x8xf32>
    %select_n3A_252 = arith.select %slice3A_249, %add3A_248, %broadcast_in_dim3A_251 : vector<256x8xi1>, vector<256x8xf32>
    %reduce_sum3A_253 = arith.constant dense<0.000000e+00> : vector<256xf32>
    %reduce_sum3A_254 = vector.multi_reduction <add>, %select_n3A_252, %reduce_sum3A_253 [1] : vector<256x8xf32> to vector<256xf32>
    %broadcast_in_dim3A_255 = vector.shape_cast %reduce_sum3A_254 : vector<256xf32> to vector<256x1xf32>
    %slice3A_256 = vector.extract_strided_slice %eq3A_35 {offsets = [1024, 0], sizes = [256, 8], strides = [1, 1]} : vector<2048x8xi1> to vector<256x8xi1>
    %jit3A_257 = arith.constant 0.000000e+00 : f32
    %broadcast_in_dim3A_258 = vector.broadcast %jit3A_257 : f32 to vector<256x8xf32>
    %select_n3A_259 = arith.select %slice3A_256, %add3A_248, %broadcast_in_dim3A_258 : vector<256x8xi1>, vector<256x8xf32>
    %reduce_sum3A_260 = arith.constant dense<0.000000e+00> : vector<256xf32>
    %reduce_sum3A_261 = vector.multi_reduction <add>, %select_n3A_259, %reduce_sum3A_260 [1] : vector<256x8xf32> to vector<256xf32>
    %broadcast_in_dim3A_262 = vector.shape_cast %reduce_sum3A_261 : vector<256xf32> to vector<256x1xf32>
    %concatenate3A_263 = tpu.concatenate %broadcast_in_dim3A_255, %broadcast_in_dim3A_262 in 1 : vector<256x1xf32>, vector<256x1xf32> -> vector<256x2xf32>
    %convert_element_type3A_264 = arith.fptosi %concatenate3A_263 : vector<256x2xf32> to vector<256x2xi32>
    %swap3A_265 = arith.constant 1024 : index
    %swap3A_266 = arith.constant 0 : index
    %swap3A_267 = vector.load %arg2[%swap3A_265, %swap3A_266] : memref<2048x2xi32, #tpu.memory_space<vmem>>, vector<256x2xi32>
    tpu.vector_store %arg2[%swap3A_265, %swap3A_266], %convert_element_type3A_264 {strides = array<i32>} : memref<2048x2xi32, #tpu.memory_space<vmem>>, vector<256x2xi32>,
    %slice3A_268 = vector.extract_strided_slice %add3A_59 {offsets = [1280, 0], sizes = [256, 8], strides = [1, 1]} : vector<2048x8xf32> to vector<256x8xf32>
    %dot_general3A_269 = arith.constant dense<0.000000e+00> : vector<256x8xf32>
    %dot_general3A_270 = tpu.matmul %convert_element_type3A_117, %slice3A_268, %dot_general3A_269 {dimension_numbers = #tpu.dot_dimension_numbers<[1], [0], [0], [1], [0, 0, 1, 1], [], []>, transpose_lhs_hint = false} : vector<256x256xf32>, vector<256x8xf32>, vector<256x8xf32> -> vector<256x8xf32>
    %add3A_271 = vector.broadcast %add3A_246 : vector<1x8xf32> to vector<256x8xf32>
    %add3A_272 = arith.addf %add3A_271, %dot_general3A_270 : vector<256x8xf32>
    %reduce_sum3A_273 = arith.constant dense<0.000000e+00> : vector<8xf32>
    %reduce_sum3A_274 = vector.multi_reduction <add>, %slice3A_268, %reduce_sum3A_273 [0] : vector<256x8xf32> to vector<8xf32>
    %broadcast_in_dim3A_275 = vector.shape_cast %reduce_sum3A_274 : vector<8xf32> to vector<1x8xf32>
    %add3A_276 = arith.addf %add3A_246, %broadcast_in_dim3A_275 : vector<1x8xf32>
    %add3A_277 = vector.broadcast %mul3A_76 : vector<1x8xf32> to vector<256x8xf32>
    %add3A_278 = arith.addf %add3A_277, %add3A_272 : vector<256x8xf32>
    %slice3A_279 = vector.extract_strided_slice %eq3A_19 {offsets = [1280, 0], sizes = [256, 8], strides = [1, 1]} : vector<2048x8xi1> to vector<256x8xi1>
    %jit3A_280 = arith.constant 0.000000e+00 : f32
    %broadcast_in_dim3A_281 = vector.broadcast %jit3A_280 : f32 to vector<256x8xf32>
    %select_n3A_282 = arith.select %slice3A_279, %add3A_278, %broadcast_in_dim3A_281 : vector<256x8xi1>, vector<256x8xf32>
    %reduce_sum3A_283 = arith.constant dense<0.000000e+00> : vector<256xf32>
    %reduce_sum3A_284 = vector.multi_reduction <add>, %select_n3A_282, %reduce_sum3A_283 [1] : vector<256x8xf32> to vector<256xf32>
    %broadcast_in_dim3A_285 = vector.shape_cast %reduce_sum3A_284 : vector<256xf32> to vector<256x1xf32>
    %slice3A_286 = vector.extract_strided_slice %eq3A_35 {offsets = [1280, 0], sizes = [256, 8], strides = [1, 1]} : vector<2048x8xi1> to vector<256x8xi1>
    %jit3A_287 = arith.constant 0.000000e+00 : f32
    %broadcast_in_dim3A_288 = vector.broadcast %jit3A_287 : f32 to vector<256x8xf32>
    %select_n3A_289 = arith.select %slice3A_286, %add3A_278, %broadcast_in_dim3A_288 : vector<256x8xi1>, vector<256x8xf32>
    %reduce_sum3A_290 = arith.constant dense<0.000000e+00> : vector<256xf32>
    %reduce_sum3A_291 = vector.multi_reduction <add>, %select_n3A_289, %reduce_sum3A_290 [1] : vector<256x8xf32> to vector<256xf32>
    %broadcast_in_dim3A_292 = vector.shape_cast %reduce_sum3A_291 : vector<256xf32> to vector<256x1xf32>
    %concatenate3A_293 = tpu.concatenate %broadcast_in_dim3A_285, %broadcast_in_dim3A_292 in 1 : vector<256x1xf32>, vector<256x1xf32> -> vector<256x2xf32>
    %convert_element_type3A_294 = arith.fptosi %concatenate3A_293 : vector<256x2xf32> to vector<256x2xi32>
    %swap3A_295 = arith.constant 1280 : index
    %swap3A_296 = arith.constant 0 : index
    %swap3A_297 = vector.load %arg2[%swap3A_295, %swap3A_296] : memref<2048x2xi32, #tpu.memory_space<vmem>>, vector<256x2xi32>
    tpu.vector_store %arg2[%swap3A_295, %swap3A_296], %convert_element_type3A_294 {strides = array<i32>} : memref<2048x2xi32, #tpu.memory_space<vmem>>, vector<256x2xi32>,
    %slice3A_298 = vector.extract_strided_slice %add3A_59 {offsets = [1536, 0], sizes = [256, 8], strides = [1, 1]} : vector<2048x8xf32> to vector<256x8xf32>
    %dot_general3A_299 = arith.constant dense<0.000000e+00> : vector<256x8xf32>
    %dot_general3A_300 = tpu.matmul %convert_element_type3A_117, %slice3A_298, %dot_general3A_299 {dimension_numbers = #tpu.dot_dimension_numbers<[1], [0], [0], [1], [0, 0, 1, 1], [], []>, transpose_lhs_hint = false} : vector<256x256xf32>, vector<256x8xf32>, vector<256x8xf32> -> vector<256x8xf32>
    %add3A_301 = vector.broadcast %add3A_276 : vector<1x8xf32> to vector<256x8xf32>
    %add3A_302 = arith.addf %add3A_301, %dot_general3A_300 : vector<256x8xf32>
    %reduce_sum3A_303 = arith.constant dense<0.000000e+00> : vector<8xf32>
    %reduce_sum3A_304 = vector.multi_reduction <add>, %slice3A_298, %reduce_sum3A_303 [0] : vector<256x8xf32> to vector<8xf32>
    %broadcast_in_dim3A_305 = vector.shape_cast %reduce_sum3A_304 : vector<8xf32> to vector<1x8xf32>
    %add3A_306 = arith.addf %add3A_276, %broadcast_in_dim3A_305 : vector<1x8xf32>
    %add3A_307 = vector.broadcast %mul3A_76 : vector<1x8xf32> to vector<256x8xf32>
    %add3A_308 = arith.addf %add3A_307, %add3A_302 : vector<256x8xf32>
    %slice3A_309 = vector.extract_strided_slice %eq3A_19 {offsets = [1536, 0], sizes = [256, 8], strides = [1, 1]} : vector<2048x8xi1> to vector<256x8xi1>
    %jit3A_310 = arith.constant 0.000000e+00 : f32
    %broadcast_in_dim3A_311 = vector.broadcast %jit3A_310 : f32 to vector<256x8xf32>
    %select_n3A_312 = arith.select %slice3A_309, %add3A_308, %broadcast_in_dim3A_311 : vector<256x8xi1>, vector<256x8xf32>
    %reduce_sum3A_313 = arith.constant dense<0.000000e+00> : vector<256xf32>
    %reduce_sum3A_314 = vector.multi_reduction <add>, %select_n3A_312, %reduce_sum3A_313 [1] : vector<256x8xf32> to vector<256xf32>
    %broadcast_in_dim3A_315 = vector.shape_cast %reduce_sum3A_314 : vector<256xf32> to vector<256x1xf32>
    %slice3A_316 = vector.extract_strided_slice %eq3A_35 {offsets = [1536, 0], sizes = [256, 8], strides = [1, 1]} : vector<2048x8xi1> to vector<256x8xi1>
    %jit3A_317 = arith.constant 0.000000e+00 : f32
    %broadcast_in_dim3A_318 = vector.broadcast %jit3A_317 : f32 to vector<256x8xf32>
    %select_n3A_319 = arith.select %slice3A_316, %add3A_308, %broadcast_in_dim3A_318 : vector<256x8xi1>, vector<256x8xf32>
    %reduce_sum3A_320 = arith.constant dense<0.000000e+00> : vector<256xf32>
    %reduce_sum3A_321 = vector.multi_reduction <add>, %select_n3A_319, %reduce_sum3A_320 [1] : vector<256x8xf32> to vector<256xf32>
    %broadcast_in_dim3A_322 = vector.shape_cast %reduce_sum3A_321 : vector<256xf32> to vector<256x1xf32>
    %concatenate3A_323 = tpu.concatenate %broadcast_in_dim3A_315, %broadcast_in_dim3A_322 in 1 : vector<256x1xf32>, vector<256x1xf32> -> vector<256x2xf32>
    %convert_element_type3A_324 = arith.fptosi %concatenate3A_323 : vector<256x2xf32> to vector<256x2xi32>
    %swap3A_325 = arith.constant 1536 : index
    %swap3A_326 = arith.constant 0 : index
    %swap3A_327 = vector.load %arg2[%swap3A_325, %swap3A_326] : memref<2048x2xi32, #tpu.memory_space<vmem>>, vector<256x2xi32>
    tpu.vector_store %arg2[%swap3A_325, %swap3A_326], %convert_element_type3A_324 {strides = array<i32>} : memref<2048x2xi32, #tpu.memory_space<vmem>>, vector<256x2xi32>,
    %slice3A_328 = vector.extract_strided_slice %add3A_59 {offsets = [1792, 0], sizes = [256, 8], strides = [1, 1]} : vector<2048x8xf32> to vector<256x8xf32>
    %dot_general3A_329 = arith.constant dense<0.000000e+00> : vector<256x8xf32>
    %dot_general3A_330 = tpu.matmul %convert_element_type3A_117, %slice3A_328, %dot_general3A_329 {dimension_numbers = #tpu.dot_dimension_numbers<[1], [0], [0], [1], [0, 0, 1, 1], [], []>, transpose_lhs_hint = false} : vector<256x256xf32>, vector<256x8xf32>, vector<256x8xf32> -> vector<256x8xf32>
    %add3A_331 = vector.broadcast %add3A_306 : vector<1x8xf32> to vector<256x8xf32>
    %add3A_332 = arith.addf %add3A_331, %dot_general3A_330 : vector<256x8xf32>
    %add3A_333 = vector.broadcast %mul3A_76 : vector<1x8xf32> to vector<256x8xf32>
    %add3A_334 = arith.addf %add3A_333, %add3A_332 : vector<256x8xf32>
    %slice3A_335 = vector.extract_strided_slice %eq3A_19 {offsets = [1792, 0], sizes = [256, 8], strides = [1, 1]} : vector<2048x8xi1> to vector<256x8xi1>
    %jit3A_336 = arith.constant 0.000000e+00 : f32
    %broadcast_in_dim3A_337 = vector.broadcast %jit3A_336 : f32 to vector<256x8xf32>
    %select_n3A_338 = arith.select %slice3A_335, %add3A_334, %broadcast_in_dim3A_337 : vector<256x8xi1>, vector<256x8xf32>
    %reduce_sum3A_339 = arith.constant dense<0.000000e+00> : vector<256xf32>
    %reduce_sum3A_340 = vector.multi_reduction <add>, %select_n3A_338, %reduce_sum3A_339 [1] : vector<256x8xf32> to vector<256xf32>
    %broadcast_in_dim3A_341 = vector.shape_cast %reduce_sum3A_340 : vector<256xf32> to vector<256x1xf32>
    %slice3A_342 = vector.extract_strided_slice %eq3A_35 {offsets = [1792, 0], sizes = [256, 8], strides = [1, 1]} : vector<2048x8xi1> to vector<256x8xi1>
    %jit3A_343 = arith.constant 0.000000e+00 : f32
    %broadcast_in_dim3A_344 = vector.broadcast %jit3A_343 : f32 to vector<256x8xf32>
    %select_n3A_345 = arith.select %slice3A_342, %add3A_334, %broadcast_in_dim3A_344 : vector<256x8xi1>, vector<256x8xf32>
    %reduce_sum3A_346 = arith.constant dense<0.000000e+00> : vector<256xf32>
    %reduce_sum3A_347 = vector.multi_reduction <add>, %select_n3A_345, %reduce_sum3A_346 [1] : vector<256x8xf32> to vector<256xf32>
    %broadcast_in_dim3A_348 = vector.shape_cast %reduce_sum3A_347 : vector<256xf32> to vector<256x1xf32>
    %concatenate3A_349 = tpu.concatenate %broadcast_in_dim3A_341, %broadcast_in_dim3A_348 in 1 : vector<256x1xf32>, vector<256x1xf32> -> vector<256x2xf32>
    %convert_element_type3A_350 = arith.fptosi %concatenate3A_349 : vector<256x2xf32> to vector<256x2xi32>
    %swap3A_351 = arith.constant 1792 : index
    %swap3A_352 = arith.constant 0 : index
    %swap3A_353 = vector.load %arg2[%swap3A_351, %swap3A_352] : memref<2048x2xi32, #tpu.memory_space<vmem>>, vector<256x2xi32>
    tpu.vector_store %arg2[%swap3A_351, %swap3A_352], %convert_element_type3A_350 {strides = array<i32>} : memref<2048x2xi32, #tpu.memory_space<vmem>>, vector<256x2xi32>,
    %reduce_sum3A_354 = arith.constant dense<0.000000e+00> : vector<8xf32>
    %reduce_sum3A_355 = vector.multi_reduction <add>, %div3A_10, %reduce_sum3A_354 [0] : vector<2048x8xf32> to vector<8xf32>
    %div3A_356 = arith.constant 2.048000e+03 : f32
    %div3A_357 = vector.broadcast %div3A_356 : f32 to vector<8xf32>
    %div3A_358 = arith.divf %reduce_sum3A_355, %div3A_357 : vector<8xf32>
    %reduce_sum3A_359 = arith.constant dense<0.000000e+00> : vector<8xf32>
    %reduce_sum3A_360 = vector.multi_reduction <add>, %convert_element_type3A_56, %reduce_sum3A_359 [0] : vector<2048x8xf32> to vector<8xf32>
    %div3A_361 = arith.constant 2.048000e+03 : f32
    %div3A_362 = vector.broadcast %div3A_361 : f32 to vector<8xf32>
    %div3A_363 = arith.divf %reduce_sum3A_360, %div3A_362 : vector<8xf32>
    %mul3A_364 = arith.mulf %div3A_358, %div3A_363 : vector<8xf32>
    %reduce_sum3A_365 = vector.shape_cast %mul3A_364 : vector<8xf32> to vector<1x8xf32>
    %reduce_sum3A_366 = arith.constant dense<0.000000e+00> : vector<1xf32>
    %reduce_sum3A_367 = vector.multi_reduction <add>, %reduce_sum3A_365, %reduce_sum3A_366 [1] : vector<1x8xf32> to vector<1xf32>
    %reduce_sum3A_368 = vector.shape_cast %reduce_sum3A_367 : vector<1xf32> to vector<1x1xf32>
    %reduce_sum3A_369 = vector.extract %reduce_sum3A_368[0, 0] : f32 from vector<1x1xf32>
    %mul3A_370 = arith.constant 8.000000e+00 : f32
    %mul3A_371 = arith.mulf %reduce_sum3A_369, %mul3A_370 : f32
    %reshape3A_372 = vector.broadcast %mul3A_371 : f32 to vector<1x1xf32>
    %swap3A_373 = arith.constant 0 : index
    %swap3A_374 = arith.constant 0 : index
    %swap3A_375 = vector.load %arg6[%swap3A_373, %swap3A_374] : memref<1x1xf32, #tpu.memory_space<vmem>>, vector<1x1xf32>
    tpu.vector_store %arg6[%swap3A_373, %swap3A_374], %reshape3A_372 {strides = array<i32>} : memref<1x1xf32, #tpu.memory_space<vmem>>, vector<1x1xf32>,
    return
  }
}

</mosaic_0001>

<sc_bundles>
// kernel: kernel.6.cloned.1.call-start
scs
__scs_entry_jumppad:
0x0: {  	(pc) =	sbr.rel $0x88, $3  }
0x1: {  	(tag) =	ssettag $0x0;
	lr =	simm.s32 $0x1  }
0x2: {  	[smem:$0x3F9B] =	sst lr;
	_ =	strace $0xD0000000  }
0x3: {  	_ = 	snop  }
0x4: {  	_ = 	snop  }
0x5: {  	_ = 	snop  }
0x6: {  	_ = 	snop  }
0x7: {  	_ = 	snop  }
__scs_overlays_trampoline_lowered:
0x8: {  	[smem:$0x3FAA] =	sst s0  }
0x9: {  	[smem:$0x3FAB] =	sst s1  }
0xa: {  	[smem:$0x3FAC] =	sst s2  }
0xb: {  	[smem:$0x3FAD] =	sst s3  }
0xc: {  	[smem:$0x3FAE] =	sst s4  }
0xd: {  	[smem:$0x3FAF] =	sst s5  }
0xe: {  	[smem:$0x3FB0] =	sst s6  }
0xf: {  	[smem:$0x3FB1] =	sst s7  }
0x10: {  	[smem:$0x3FB2] =	sst s8  }
0x11: {  	[smem:$0x3FB3] =	sst s9;
	s0 =	simm.s32 @!p0 $0x0  }
0x12: {  	s1 =	sld [smem:$0x3F99];
	s0 =	simm.s32 @p0 $0x1  }
0x13: {  	[smem:$0x3FB4] =	sst s0;
	s0 =	simm.s32 @!p1 $0x0  }
0x14: {  	s2 =	sld [smem:$0x3F98];
	s0 =	simm.s32 @p1 $0x1  }
0x15: {  	[smem:$0x3FB5] =	sst s0;
	s0 =	simm.s32 @!p2 $0x0  }
0x16: {  	s3 =	sld [smem:$0x3FDB];
	s0 =	simm.s32 @p2 $0x1  }
0x17: {  	s4 =	simm.s32 $0x1BF5;
	[smem:$0x3FB7] =	sst s0  }
0x18: {  	s0 =	sld [smem:$0x3F9A];
	_ =	swait.ge [sflag:s4], $0x0  }
0x19: {  	s7 =	sld [smem:$0x3F9B]  }
0x1a: {  	s8 =	sadd.s32 $0xFFFFE003, lr  }
0x1b: {  	s9 =	sadd.s32 $0xFFFFFEF7, lr;
	s5 =	simm.s32 $0xFFFFFFFF;
	p2 =	slt.u32 s8, $0xFFFFF086  }
0x1c: {  	p1 =	slt.u32 s9, $0xF7A;
	s5 =	simm.s32 @!p2 $0x0  }
0x1d: {  	s5 =	simm.s32 @p1 $0x1;
	p0 =	seq.s32 s7, s2  }
0x1e: {  	s7 =	smul.u32 @!p0 $0xF7A, s2;
	p2 =	seq.s32 @!p0 s5, $0x0  }
0x1f: {  	s9 =	smul.u32 $0xF7A, s1;
	s8 =	simm.s32 @!p0 $0x1BF5;
	p2 =	por !p2, p0  }
0x20: {  	[sflag:s8] =	ssyncset.s32 @!p0 $0xFFFFF086;
	s6 =	sadd.s32 @!p0 s3, s7;
	s7 =	simm.s32 @!p0 $0x108  }
0x21: {  	s3 =	sadd.s32 s3, s9;
	s6 =	sadd.s32 @!p0 $0x88, s6;
	s7 =	simm.s32 @p2 $0x1082  }
0x22: {  	[simem:s7], [sflag:s8] =	dma.local @!p0 [hbm:s6], $0xF7A  }
0x23: {  	s9 =	sor.u32 $0xD0000000, s2;
	s6 =	simm.s32 $0x108;
	_ =	swait.ge @!p0 [sflag:s8], $0x0  }
0x24: {  	s3 =	sadd.s32 $0x88, s3;
	s6 =	simm.s32 @!p1 $0x1082;
	[sflag:s4] =	ssyncset.s32 $0xFFFFF086  }
0x25: {  	[simem:s6], [sflag:s4] =	dma.local [hbm:s3], $0xF7A  }
0x26: {  	[smem:$0x3F9B] =	sst s1;
	(tag) =	ssettag s2;
	_ =	strace s9  }
0x27: {  	s1 =	sld [smem:$0x3FAB]  }
0x28: {  	s2 =	sld [smem:$0x3FAC]  }
0x29: {  	s4 =	sld [smem:$0x3FAE]  }
0x2a: {  	p0 =	seq.s32 s5, $0x0;
	s5 =	sld [smem:$0x3FAF]  }
0x2b: {  	s6 =	sld [smem:$0x3FB0]  }
0x2c: {  	s7 =	sld [smem:$0x3FB1]  }
0x2d: {  	s3 =	simm.s32 $0x108;
	s8 =	sld [smem:$0x3FB2]  }
0x2e: {  	s3 =	simm.s32 @!p0 $0x1082;
	s9 =	sld [smem:$0x3FB3]  }
0x2f: {  	lr =	sadd.s32 s0, s3;
	s0 =	sld [smem:$0x3FAA]  }
0x30: {  	s3 =	sld [smem:$0x3FAD]  }
0x31: {  	[smem:$0x3FB6] =	sst s10  }
0x32: {  	s10 =	sld [smem:$0x3FB4];
	_ =	sdelay $0x3  }
0x33: {  	p0 =	seq.s32 s10, $0x1;
	s10 =	sld [smem:$0x3FB6];
	_ =	sdelay $0x3  }
0x34: {  	[smem:$0x3FB6] =	sst s10  }
0x35: {  	s10 =	sld [smem:$0x3FB5];
	_ =	sdelay $0x3  }
0x36: {  	p1 =	seq.s32 s10, $0x1;
	s10 =	sld [smem:$0x3FB6];
	_ =	sdelay $0x3  }
0x37: {  	[smem:$0x3FB6] =	sst s10  }
0x38: {  	s10 =	sld [smem:$0x3FB7]  }
0x39: {  	_ = 	snop;
	(pc) =	sbr.ind lr, $3  }
0x3a: {  	_ = 	snop  }
0x3b: {  	_ = 	snop  }
0x3c: {  	p2 =	seq.s32 s10, $0x1;
	s10 =	sld [smem:$0x3FB6]  }
0x3d: {  	_ =	shalt  }
0x3e: {  	_ =	shalt  }
0x3f: {  	_ =	shalt  }
0x40: {  	_ =	shalt  }
0x41: {  	_ =	shalt  }
0x42: {  	_ =	shalt  }
0x43: {  	_ =	shalt  }
0x44: {  	_ =	shalt  }
0x45: {  	_ =	shalt  }
0x46: {  	_ =	shalt  }
0x47: {  	_ =	shalt  }
0x48: {  	_ =	shalt  }
0x49: {  	_ =	shalt  }
0x4a: {  	_ =	shalt  }
0x4b: {  	_ =	shalt  }
0x4c: {  	_ =	shalt  }
0x4d: {  	_ =	shalt  }
0x4e: {  	_ =	shalt  }
0x4f: {  	_ =	shalt  }
0x50: {  	_ =	shalt  }
0x51: {  	_ =	shalt  }
0x52: {  	_ =	shalt  }
0x53: {  	_ =	shalt  }
0x54: {  	_ =	shalt  }
0x55: {  	_ =	shalt  }
0x56: {  	_ =	shalt  }
0x57: {  	_ =	shalt  }
0x58: {  	_ =	shalt  }
0x59: {  	_ =	shalt  }
0x5a: {  	_ =	shalt  }
0x5b: {  	_ =	shalt  }
0x5c: {  	_ =	shalt  }
0x5d: {  	_ =	shalt  }
0x5e: {  	_ =	shalt  }
0x5f: {  	_ =	shalt  }
0x60: {  	_ =	shalt  }
0x61: {  	_ =	shalt  }
0x62: {  	_ =	shalt  }
0x63: {  	_ =	shalt  }
0x64: {  	_ =	shalt  }
0x65: {  	_ =	shalt  }
0x66: {  	_ =	shalt  }
0x67: {  	_ =	shalt  }
0x68: {  	_ =	shalt  }
0x69: {  	_ =	shalt  }
0x6a: {  	_ =	shalt  }
0x6b: {  	_ =	shalt  }
0x6c: {  	_ =	shalt  }
0x6d: {  	_ =	shalt  }
0x6e: {  	_ =	shalt  }
0x6f: {  	_ =	shalt  }
0x70: {  	_ =	shalt  }
0x71: {  	_ =	shalt  }
0x72: {  	_ =	shalt  }
0x73: {  	_ =	shalt  }
0x74: {  	_ =	shalt  }
0x75: {  	_ =	shalt  }
0x76: {  	_ =	shalt  }
0x77: {  	_ =	shalt  }
0x78: {  	_ =	shalt  }
0x79: {  	_ =	shalt  }
0x7a: {  	_ =	shalt  }
0x7b: {  	_ =	shalt  }
0x7c: {  	_ =	shalt  }
0x7d: {  	_ =	shalt  }
0x7e: {  	_ =	shalt  }
0x7f: {  	_ =	shalt  }
0x80: {  	_ =	shalt  }
0x81: {  	_ =	shalt  }
0x82: {  	_ =	shalt  }
0x83: {  	_ =	shalt  }
0x84: {  	_ =	shalt  }
0x85: {  	_ =	shalt  }
0x86: {  	_ =	shalt  }
0x87: {  	_ =	shalt  }
.Lfunc_end0:
.L_simem_size_0:
called_computation_lowered:
.L_overlay_start_0:
0x88: {  	s2 =	sld [smem:$0x3FD9]  }
0x89: {  	s3 =	sld [smem:$0x3FFE];
	_ =	sdelay $0x1  }
0x8a: {  	s1 =	srdreg.scid  }
0x8b: {  	s0 =	sand.u32 $0x1, s1  }
0x8c: {  	s17 =	sshll.u32 s0, $0xA;
	s2 =	sadd.s32 s3, s2  }
0x8d: {  	s2 =	sadd.s32 s2, s17  }
0x8e: {  	[smem:$0x3FC2] =	sst s2  }
0x8f: {  	_ = 	snop  }
0x90: {  	s2 =	sld [smem:$0x3FC9];
	(tm) =	ssettm $0x1  }
0x91: {  	s18 =	sld [smem:$0x3FFB];
	_ =	sdelay $0x3  }
0x92: {  	_ =	strace s18  }
0x93: {  	s3 =	sld [smem:$0x3FFC];
	_ =	sdelay $0x3  }
0x94: {  	_ =	strace s3  }
0x95: {  	s3 =	sld [smem:$0x3FFD];
	_ =	sdelay $0x3  }
0x96: {  	_ =	strace s3  }
0x97: {  	_ =	strace $0x8FFFFFFF  }
0x98: {  	s19 =	sld [smem:$0x3FDB];
	_ =	sdelay $0x1  }
0x99: {  	s4 =	simm.s32 $_scs_section_size  }
0x9a: {  	s5 =	simm.s32 $_size__tile_overlayer_lowered;
	s6 =	simm.s32 $_tile_overlayer_lowered  }
0x9b: {  	s22 =	simm.s32 $0x1BFF;
	s21 =	sshll.u32 s6, $0x1;
	s3 =	sadd.s32 s4, s19  }
0x9c: {  	s7 =	simm.s32 $0x0;
	s20 =	sshll.u32 s5, $0x1;
	s5 =	sadd.s32 s21, s3  }
0x9d: {  	[timem:s7], [sflag:s22] =	dma.local [hbm:s5], s20  }
0x9e: {  	_ =	swait.ge [sflag:s22], s20  }
0x9f: {  	s4 =	ssub.s32 $0x0, s20;
	[sflag:s22] =	ssyncset.done $0x0  }
0xa0: {  	[sflag:s22] =	ssyncadd.s32 s4;
	_ =	sdelay $0x1  }
0xa1: {  	s23 =	simm.s32 $0x1B8B  }
0xa2: {  	_ =	swait.ge [sflag:s23], $0x1  }
0xa3: {  	[sflag:s23] =	ssyncset.done $0x0  }
0xa4: {  	s25 =	simm.s32 $0x1B8E;
	s24 =	sld [smem:$0x3FFE];
	[sflag:s23] =	ssyncadd.s32 $0xFFFFFFFF  }
0xa5: {  	s26 =	simm.s32 $execute0_lowered;
	[smem:$0x3FD2] =	sst s25  }
0xa6: {  	s5 =	sshll.u32 s26, $0x1;
	_ =	strace $0x80000046;
	[dreg:$0x1] =	wrdreg $0xFFFFFFFF  }
0xa7: {  	s28 =	simm.s32 $_size_execute0_lowered;
	s3 =	sadd.s32 s3, s5;
	[dreg:$0x0] =	wrdreg $0x0  }
0xa8: {  	s5 =	sshll.u32 s28, $0x1;
	[dreg:$0x2] =	wrdreg s3  }
0xa9: {  	[dreg:$0x3] =	wrdreg s5  }
0xaa: {  	[dreg:$0x4] =	wrdreg $0xC0  }
0xab: {  	_ =	task [dreg:s7], $0x5FFFF  }
0xac: {  	[dreg:$0x1] =	wrdreg $0xFFFFFFFF  }
0xad: {  	[dreg:$0x0] =	wrdreg $0x60  }
0xae: {  	[dreg:$0x2] =	wrdreg s2  }
0xaf: {  	[dreg:$0x3] =	wrdreg s24  }
0xb0: {  	[dreg:$0x4] =	wrdreg $0x9  }
0xb1: {  	_ =	task.clear_ibuf [dreg:s7], $0x5FFFF;
	_ =	strace $0x90000046  }
0xb2: {  	s29 =	simm.s32 $0x9;
	_ =	strace $0x80000048  }
0xb3: {  	_ =	swait.ge [sflag:s29], $0x1  }
0xb4: {  	[sflag:s29] =	ssyncadd.s32 $0xFFFFFFFF  }
0xb5: {  	_ =	strace $0x90000048  }
0xb6: {  	_ =	sfence  }
0xb7: {  	s30 =	sld [smem:$0x0];
	_ =	sdelay $0x2  }
0xb8: {  	s31 =	sshll.u32 s1, $0xD;
	s1 =	sshrl.u32 s1, $0x2  }
0xb9: {  	s3 =	sand.u32 $0x4000, s31;
	s1 =	sadd.s32 s1, s30  }
0xba: {  	s0 =	sor.u32 s3, s0;
	s1 =	sshll.u32 s1, $0x11  }
0xbb: {  	s0 =	sor.u32 s1, s0  }
0xbc: {  	s0 =	sadd.s32 $0x8F2B, s0  }
0xbd: {  	[sflag:s0] =	ssyncadd.remote.s32 $0x1  }
0xbe: {  	_ =	sfence.sel $0xFFFF  }
0xbf: {  	[dreg:$0x0] =	wrdreg $0xFFFFFFFF;
	(pc) =	sbr.abs _section_cstart, $3  }
0xc0: {  	[dreg:$0x1] =	wrdreg $0xFFFFFFFF  }
0xc1: {  	_ =	task.clear_ibuf [dreg:s7], $0x2FFFF;
	_ =	strace $0x9FFFFFFF  }
0xc2: {  	(tm) =	ssettm $0x7FFFFFFF  }
0xc3: {  	_ =	shalt  }
tec
execute0_lowered:
.L_overlay_start_1:
0x0: {  	(tag) =	ssettag $0x1  }
0x1: {  	s0 =	rddreg [dreg:$0x0]  }
0x2: {  	s5 =	rddreg [dreg:$0x1]  }
0x3: {  	s3 =	srdreg.scid;
	s2 =	simm.s32 $0x0;
	s1 =	stileid.u32  }
0x4: {  	s25 =	simm.s32 $0xC000;
	s26 =	simm.s32 $0xC080;
	s12 =	simm.s32 $0x2800  }
0x5: {  	s13 =	simm.s32 $0x3000;
	s14 =	simm.s32 $0x3800;
	s15 =	simm.s32 $0x4000  }
0x6: {  	s16 =	simm.s32 $0x4800;
	s17 =	simm.s32 $0x5000;
	s18 =	simm.s32 $0x5800  }
0x7: {  	s19 =	simm.s32 $0x6000;
	s28 =	simm.s32 $0xA000;
	s29 =	simm.s32 $0xA800  }
0x8: {  	s30 =	simm.s32 $0xB000;
	s31 =	simm.s32 $0xB800;
	s4 =	sand.u32 $0x1, s3  }
0x9: {  	[smem:$0x7FF] =	sst s2;
	s20 =	sshll.u32 s1, $0x7;
	s7 =	sadd.s32 $0x11400, s5  }
0xa: {  	s3 =	sadd.s32 $0x11600, s5;
	_ =	strace $0x80000047;
	[dreg:$0x6] =	wrdreg s25  }
0xb: {  	s6 =	sshll.u32 s4, $0x6;
	s4 =	ssub.s32 $0x2, s4;
	[dreg:$0x7] =	wrdreg s26  }
0xc: {  	s25 =	simm.s32 $0x9000;
	s26 =	simm.s32 $0x9800;
	s8 =	sor.u32 s6, s20  }
0xd: {  	s11 =	sshrl.u32 s4, $0x1;
	s20 =	simm.s32 $0x6800;
	s9 =	sshrl.u32 s8, $0x3  }
0xe: {  	s8 =	sshll.u32 s8, $0x1;
	s23 =	ssub.s32 s4, s11;
	s4 =	sadd.s32 $0x11700, s5  }
0xf: {  	s5 =	sadd.s32 $0x11800, s5;
	s9 =	smul.u32 $0x300, s9;
	s10 =	sand.u32 $0xF00, s8  }
0x10: {  	s11 =	simm.s32 $0x2000;
	s10 =	sor.u32 s6, s10;
	s6 =	sor.u32 s6, s8  }
0x11: {  	s0 =	sadd.s32 s0, s9;
	s21 =	sshrl.u32 s10, $0x3;
	s6 =	sshrl.u32 s6, $0x3  }
0x12: {  	s9 =	simm.s32 $0x1000;
	s10 =	simm.s32 $0x1800;
	[dreg:$0x3] =	wrdreg s0  }
0x13: {  	s22 =	sadd.s32 s7, s21;
	s6 =	sor.u32 $0x10, s6;
	s21 =	simm.s32 $0x7000  }
0x14: {  	v2 =	vlaneseq.u32;
	s0 =	simm.s32 $0x1;
	[dreg:$0x4] =	wrdreg s22;
	s24 =	sadd.s32 s7, s6  }
0x15: {  	vm0 =	vmmov $0xffff;
	v1 =	vshrl.u32 v2, $0x3;
	s6 =	smax.u32 s23, $0x1;
	s7 =	simm.s32 $0x2;
	s22 =	simm.s32 $0x7800  }
0x16: {  	v0 =	vand.u32 $0x7, v2;
	v2 =	vor.u32 $0x8, v2;
	v1 =	vmul.u32 $0x8, v1;
	s23 =	simm.s32 $0x8000;
	[dreg:$0x5] =	wrdreg s24;
	s24 =	simm.s32 $0x8800  }
.LBB2_1:
0x17: {  	s1 =	rddreg [dreg:$0x3]  }
0x18: {  	[tilespmem:s2], [sflag:$0x2] =	stream.linear.gather [hbm4b:s1+s2], $0xC000, $0x38;
	[tilespmem:$0xC100] =	vst v63  }
0x19: {  	_ =	swait.ge [sflag:s7], $0xC000  }
0x1a: {  	s1 =	rddreg [dreg:$0x4];
	[sflag:s7] =	ssyncset.done $0x0  }
0x1b: {  	s8 =	rddreg [dreg:$0x6];
	[sflag:s7] =	ssyncadd.s32 $0xFFFF4000  }
0x1c: {  	[tilespmem:s8], [sflag:$0x2] =	stream.linear.gather [hbm4b:s1+s2], $0x40, $0x38;
	[tilespmem:$0xC100] =	vst v63  }
0x1d: {  	_ =	swait.ge [sflag:s7], $0x40  }
0x1e: {  	s1 =	rddreg [dreg:$0x5];
	[sflag:s7] =	ssyncset.done $0x0  }
0x1f: {  	s8 =	rddreg [dreg:$0x7];
	[sflag:s7] =	ssyncadd.s32 $0xFFFFFFC0  }
0x20: {  	[tilespmem:s8], [sflag:$0x2] =	stream.linear.gather [hbm4b:s1+s2], $0x40, $0x38;
	[tilespmem:$0xC100] =	vst v63  }
0x21: {  	_ =	swait.ge [sflag:s7], $0x40  }
0x22: {  	[sflag:s7] =	ssyncset.done $0x0  }
0x23: {  	[sflag:s7] =	ssyncadd.s32 $0xFFFFFFC0  }
0x24: {  	v3 =	vld [tilespmem:$0xC000];
	_ =	sdelay $0x4  }
0x25: {  	v4 =	vshrl.u32 v3, $0x3  }
0x26: {  	v4 =	vmul.u32 $0x30, v4  }
0x27: {  	v3 =	vand.u32 $0x7, v3  }
0x28: {  	v3 =	vor.u32 v3, v4  }
0x29: {  	v4 =	vperm.xlane v3, v0;
	_ =	sdelay $0x1  }
0x2a: {  	v4 =	vadd.s32 v1, v4;
	_ =	sdelay $0x3  }
0x2b: {  	v3 =	vperm.xlane v3, v2  }
0x2c: {  	[hbm4b:s3+s2] =	stream.indirect_vreg.scatter [tilespmem:s2], [sflag:$0x1], $0x80, v4, vm0, $0xb8;
	[tilespmem:$0xC100] =	vst v63  }
0x2d: {  	s8 =	simm.s32 $0x800;
	v3 =	vadd.s32 v1, v3  }
0x2e: {  	[hbm4b:s4+s2] =	stream.indirect_vreg.scatter [tilespmem:s8], [sflag:$0x1], $0x80, v4, vm0, $0xb8;
	[tilespmem:$0xC100] =	vst v63  }
0x2f: {  	_ = 	snop  }
0x30: {  	[hbm4b:s5+s2] =	stream.indirect_vreg.scatter [tilespmem:s9], [sflag:$0x1], $0x80, v4, vm0, $0xb8;
	[tilespmem:$0xC100] =	vst v63  }
0x31: {  	_ = 	snop  }
0x32: {  	[hbm4b:s3+s2] =	stream.indirect_vreg.scatter [tilespmem:s10], [sflag:$0x1], $0x80, v3, vm0, $0xb8;
	[tilespmem:$0xC100] =	vst v63  }
0x33: {  	_ = 	snop  }
0x34: {  	[hbm4b:s4+s2] =	stream.indirect_vreg.scatter [tilespmem:s11], [sflag:$0x1], $0x80, v3, vm0, $0xb8;
	[tilespmem:$0xC100] =	vst v63  }
0x35: {  	_ = 	snop  }
0x36: {  	[hbm4b:s5+s2] =	stream.indirect_vreg.scatter [tilespmem:s12], [sflag:$0x1], $0x80, v3, vm0, $0xb8;
	[tilespmem:$0xC100] =	vst v63  }
0x37: {  	v3 =	vld [tilespmem:$0xC010];
	_ =	sdelay $0x4  }
0x38: {  	v57 =	vshrl.u32 v3, $0x3  }
0x39: {  	v4 =	vmul.u32 $0x30, v57  }
0x3a: {  	v3 =	vand.u32 $0x7, v3  }
0x3b: {  	v3 =	vor.u32 v3, v4  }
0x3c: {  	v4 =	vperm.xlane v3, v0;
	_ =	sdelay $0x1  }
0x3d: {  	v4 =	vadd.s32 v1, v4;
	_ =	sdelay $0x3  }
0x3e: {  	v3 =	vperm.xlane v3, v2  }
0x3f: {  	[hbm4b:s3+s2] =	stream.indirect_vreg.scatter [tilespmem:s13], [sflag:$0x1], $0x80, v4, vm0, $0xb8;
	[tilespmem:$0xC100] =	vst v63  }
0x40: {  	v3 =	vadd.s32 v1, v3  }
0x41: {  	[hbm4b:s4+s2] =	stream.indirect_vreg.scatter [tilespmem:s14], [sflag:$0x1], $0x80, v4, vm0, $0xb8;
	[tilespmem:$0xC100] =	vst v63  }
0x42: {  	_ = 	snop  }
0x43: {  	[hbm4b:s5+s2] =	stream.indirect_vreg.scatter [tilespmem:s15], [sflag:$0x1], $0x80, v4, vm0, $0xb8;
	[tilespmem:$0xC100] =	vst v63  }
0x44: {  	_ = 	snop  }
0x45: {  	[hbm4b:s3+s2] =	stream.indirect_vreg.scatter [tilespmem:s16], [sflag:$0x1], $0x80, v3, vm0, $0xb8;
	[tilespmem:$0xC100] =	vst v63  }
0x46: {  	_ = 	snop  }
0x47: {  	[hbm4b:s4+s2] =	stream.indirect_vreg.scatter [tilespmem:s17], [sflag:$0x1], $0x80, v3, vm0, $0xb8;
	[tilespmem:$0xC100] =	vst v63  }
0x48: {  	_ = 	snop  }
0x49: {  	[hbm4b:s5+s2] =	stream.indirect_vreg.scatter [tilespmem:s18], [sflag:$0x1], $0x80, v3, vm0, $0xb8;
	[tilespmem:$0xC100] =	vst v63  }
0x4a: {  	v3 =	vld [tilespmem:$0xC020];
	_ =	sdelay $0x4  }
0x4b: {  	v58 =	vshrl.u32 v3, $0x3  }
0x4c: {  	v4 =	vmul.u32 $0x30, v58  }
0x4d: {  	v3 =	vand.u32 $0x7, v3  }
0x4e: {  	v3 =	vor.u32 v3, v4  }
0x4f: {  	v4 =	vperm.xlane v3, v0;
	_ =	sdelay $0x1  }
0x50: {  	v4 =	vadd.s32 v1, v4;
	_ =	sdelay $0x3  }
0x51: {  	v3 =	vperm.xlane v3, v2  }
0x52: {  	[hbm4b:s3+s2] =	stream.indirect_vreg.scatter [tilespmem:s19], [sflag:$0x1], $0x80, v4, vm0, $0xb8;
	[tilespmem:$0xC100] =	vst v63  }
0x53: {  	v3 =	vadd.s32 v1, v3  }
0x54: {  	[hbm4b:s4+s2] =	stream.indirect_vreg.scatter [tilespmem:s20], [sflag:$0x1], $0x80, v4, vm0, $0xb8;
	[tilespmem:$0xC100] =	vst v63  }
0x55: {  	_ = 	snop  }
0x56: {  	[hbm4b:s5+s2] =	stream.indirect_vreg.scatter [tilespmem:s21], [sflag:$0x1], $0x80, v4, vm0, $0xb8;
	[tilespmem:$0xC100] =	vst v63  }
0x57: {  	_ = 	snop  }
0x58: {  	[hbm4b:s3+s2] =	stream.indirect_vreg.scatter [tilespmem:s22], [sflag:$0x1], $0x80, v3, vm0, $0xb8;
	[tilespmem:$0xC100] =	vst v63  }
0x59: {  	_ = 	snop  }
0x5a: {  	[hbm4b:s4+s2] =	stream.indirect_vreg.scatter [tilespmem:s23], [sflag:$0x1], $0x80, v3, vm0, $0xb8;
	[tilespmem:$0xC100] =	vst v63  }
0x5b: {  	_ = 	snop  }
0x5c: {  	[hbm4b:s5+s2] =	stream.indirect_vreg.scatter [tilespmem:s24], [sflag:$0x1], $0x80, v3, vm0, $0xb8;
	[tilespmem:$0xC100] =	vst v63  }
0x5d: {  	v3 =	vld [tilespmem:$0xC030];
	_ =	sdelay $0x4  }
0x5e: {  	v59 =	vshrl.u32 v3, $0x3  }
0x5f: {  	v4 =	vmul.u32 $0x30, v59  }
0x60: {  	v3 =	vand.u32 $0x7, v3  }
0x61: {  	v3 =	vor.u32 v3, v4  }
0x62: {  	v4 =	vperm.xlane v3, v0;
	_ =	sdelay $0x1  }
0x63: {  	v4 =	vadd.s32 v1, v4;
	_ =	sdelay $0x3  }
0x64: {  	v3 =	vperm.xlane v3, v2  }
0x65: {  	[hbm4b:s3+s2] =	stream.indirect_vreg.scatter [tilespmem:s25], [sflag:$0x1], $0x80, v4, vm0, $0xb8;
	[tilespmem:$0xC100] =	vst v63  }
0x66: {  	v3 =	vadd.s32 v1, v3  }
0x67: {  	[hbm4b:s4+s2] =	stream.indirect_vreg.scatter [tilespmem:s26], [sflag:$0x1], $0x80, v4, vm0, $0xb8;
	[tilespmem:$0xC100] =	vst v63  }
0x68: {  	_ = 	snop  }
0x69: {  	[hbm4b:s5+s2] =	stream.indirect_vreg.scatter [tilespmem:s28], [sflag:$0x1], $0x80, v4, vm0, $0xb8;
	[tilespmem:$0xC100] =	vst v63  }
0x6a: {  	_ = 	snop  }
0x6b: {  	[hbm4b:s3+s2] =	stream.indirect_vreg.scatter [tilespmem:s29], [sflag:$0x1], $0x80, v3, vm0, $0xb8;
	[tilespmem:$0xC100] =	vst v63  }
0x6c: {  	_ = 	snop  }
0x6d: {  	[hbm4b:s4+s2] =	stream.indirect_vreg.scatter [tilespmem:s30], [sflag:$0x1], $0x80, v3, vm0, $0xb8;
	[tilespmem:$0xC100] =	vst v63  }
0x6e: {  	_ = 	snop  }
0x6f: {  	[hbm4b:s5+s2] =	stream.indirect_vreg.scatter [tilespmem:s31], [sflag:$0x1], $0x80, v3, vm0, $0xb8;
	[tilespmem:$0xC100] =	vst v63  }
0x70: {  	v3 =	vld [tilespmem:$0xC080];
	_ =	sdelay $0x4  }
0x71: {  	v60 =	vshrl.u32 v3, $0x3  }
0x72: {  	v4 =	vmul.u32 $0x30, v60  }
0x73: {  	v3 =	vand.u32 $0x7, v3  }
0x74: {  	v3 =	vor.u32 v3, v4  }
0x75: {  	v4 =	vperm.xlane v3, v0;
	_ =	sdelay $0x1  }
0x76: {  	v4 =	vadd.s32 v1, v4;
	_ =	sdelay $0x3  }
0x77: {  	v3 =	vperm.xlane v3, v2  }
0x78: {  	[hbm4b:s3+s2] =	stream.indirect_vreg.scatter [tilespmem:s2], [sflag:$0x1], $0x80, v4, vm0, $0xb8;
	[tilespmem:$0xC100] =	vst v63  }
0x79: {  	v3 =	vadd.s32 v1, v3  }
0x7a: {  	[hbm4b:s4+s2] =	stream.indirect_vreg.scatter [tilespmem:s8], [sflag:$0x1], $0x80, v4, vm0, $0xb8;
	[tilespmem:$0xC100] =	vst v63  }
0x7b: {  	_ = 	snop  }
0x7c: {  	[hbm4b:s5+s2] =	stream.indirect_vreg.scatter [tilespmem:s9], [sflag:$0x1], $0x80, v4, vm0, $0xb8;
	[tilespmem:$0xC100] =	vst v63  }
0x7d: {  	_ = 	snop  }
0x7e: {  	[hbm4b:s3+s2] =	stream.indirect_vreg.scatter [tilespmem:s10], [sflag:$0x1], $0x80, v3, vm0, $0xb8;
	[tilespmem:$0xC100] =	vst v63  }
0x7f: {  	_ = 	snop  }
0x80: {  	[hbm4b:s4+s2] =	stream.indirect_vreg.scatter [tilespmem:s11], [sflag:$0x1], $0x80, v3, vm0, $0xb8;
	[tilespmem:$0xC100] =	vst v63  }
0x81: {  	_ = 	snop  }
0x82: {  	[hbm4b:s5+s2] =	stream.indirect_vreg.scatter [tilespmem:s12], [sflag:$0x1], $0x80, v3, vm0, $0xb8;
	[tilespmem:$0xC100] =	vst v63  }
0x83: {  	v3 =	vld [tilespmem:$0xC090];
	_ =	sdelay $0x4  }
0x84: {  	v61 =	vshrl.u32 v3, $0x3  }
0x85: {  	v4 =	vmul.u32 $0x30, v61  }
0x86: {  	v3 =	vand.u32 $0x7, v3  }
0x87: {  	v3 =	vor.u32 v3, v4  }
0x88: {  	v4 =	vperm.xlane v3, v0;
	_ =	sdelay $0x1  }
0x89: {  	v4 =	vadd.s32 v1, v4;
	_ =	sdelay $0x3  }
0x8a: {  	v3 =	vperm.xlane v3, v2  }
0x8b: {  	[hbm4b:s3+s2] =	stream.indirect_vreg.scatter [tilespmem:s13], [sflag:$0x1], $0x80, v4, vm0, $0xb8;
	[tilespmem:$0xC100] =	vst v63  }
0x8c: {  	v3 =	vadd.s32 v1, v3  }
0x8d: {  	[hbm4b:s4+s2] =	stream.indirect_vreg.scatter [tilespmem:s14], [sflag:$0x1], $0x80, v4, vm0, $0xb8;
	[tilespmem:$0xC100] =	vst v63  }
0x8e: {  	_ = 	snop  }
0x8f: {  	[hbm4b:s5+s2] =	stream.indirect_vreg.scatter [tilespmem:s15], [sflag:$0x1], $0x80, v4, vm0, $0xb8;
	[tilespmem:$0xC100] =	vst v63  }
0x90: {  	_ = 	snop  }
0x91: {  	[hbm4b:s3+s2] =	stream.indirect_vreg.scatter [tilespmem:s16], [sflag:$0x1], $0x80, v3, vm0, $0xb8;
	[tilespmem:$0xC100] =	vst v63  }
0x92: {  	_ = 	snop  }
0x93: {  	[hbm4b:s4+s2] =	stream.indirect_vreg.scatter [tilespmem:s17], [sflag:$0x1], $0x80, v3, vm0, $0xb8;
	[tilespmem:$0xC100] =	vst v63  }
0x94: {  	_ = 	snop  }
0x95: {  	[hbm4b:s5+s2] =	stream.indirect_vreg.scatter [tilespmem:s18], [sflag:$0x1], $0x80, v3, vm0, $0xb8;
	[tilespmem:$0xC100] =	vst v63  }
0x96: {  	v3 =	vld [tilespmem:$0xC0A0];
	_ =	sdelay $0x4  }
0x97: {  	v62 =	vshrl.u32 v3, $0x3  }
0x98: {  	v4 =	vmul.u32 $0x30, v62  }
0x99: {  	v3 =	vand.u32 $0x7, v3  }
0x9a: {  	v3 =	vor.u32 v3, v4  }
0x9b: {  	v4 =	vperm.xlane v3, v0;
	_ =	sdelay $0x1  }
0x9c: {  	v4 =	vadd.s32 v1, v4;
	_ =	sdelay $0x3  }
0x9d: {  	v3 =	vperm.xlane v3, v2  }
0x9e: {  	[hbm4b:s3+s2] =	stream.indirect_vreg.scatter [tilespmem:s19], [sflag:$0x1], $0x80, v4, vm0, $0xb8;
	[tilespmem:$0xC100] =	vst v63  }
0x9f: {  	v3 =	vadd.s32 v1, v3  }
0xa0: {  	[hbm4b:s4+s2] =	stream.indirect_vreg.scatter [tilespmem:s20], [sflag:$0x1], $0x80, v4, vm0, $0xb8;
	[tilespmem:$0xC100] =	vst v63  }
0xa1: {  	_ = 	snop  }
0xa2: {  	[hbm4b:s5+s2] =	stream.indirect_vreg.scatter [tilespmem:s21], [sflag:$0x1], $0x80, v4, vm0, $0xb8;
	[tilespmem:$0xC100] =	vst v63  }
0xa3: {  	_ = 	snop  }
0xa4: {  	[hbm4b:s3+s2] =	stream.indirect_vreg.scatter [tilespmem:s22], [sflag:$0x1], $0x80, v3, vm0, $0xb8;
	[tilespmem:$0xC100] =	vst v63  }
0xa5: {  	_ = 	snop  }
0xa6: {  	[hbm4b:s4+s2] =	stream.indirect_vreg.scatter [tilespmem:s23], [sflag:$0x1], $0x80, v3, vm0, $0xb8;
	[tilespmem:$0xC100] =	vst v63  }
0xa7: {  	_ = 	snop  }
0xa8: {  	[hbm4b:s5+s2] =	stream.indirect_vreg.scatter [tilespmem:s24], [sflag:$0x1], $0x80, v3, vm0, $0xb8;
	[tilespmem:$0xC100] =	vst v63  }
0xa9: {  	v3 =	vld [tilespmem:$0xC0B0];
	_ =	sdelay $0x4  }
0xaa: {  	v63 =	vshrl.u32 v3, $0x3  }
0xab: {  	v4 =	vmul.u32 $0x30, v63  }
0xac: {  	v3 =	vand.u32 $0x7, v3  }
0xad: {  	v3 =	vor.u32 v3, v4  }
0xae: {  	v4 =	vperm.xlane v3, v0;
	_ =	sdelay $0x1  }
0xaf: {  	v4 =	vadd.s32 v1, v4;
	_ =	sdelay $0x3  }
0xb0: {  	v3 =	vperm.xlane v3, v2  }
0xb1: {  	[hbm4b:s3+s2] =	stream.indirect_vreg.scatter [tilespmem:s25], [sflag:$0x1], $0x80, v4, vm0, $0xb8;
	[tilespmem:$0xC100] =	vst v63  }
0xb2: {  	v3 =	vadd.s32 v1, v3  }
0xb3: {  	[hbm4b:s4+s2] =	stream.indirect_vreg.scatter [tilespmem:s26], [sflag:$0x1], $0x80, v4, vm0, $0xb8;
	[tilespmem:$0xC100] =	vst v63  }
0xb4: {  	_ = 	snop  }
0xb5: {  	[hbm4b:s5+s2] =	stream.indirect_vreg.scatter [tilespmem:s28], [sflag:$0x1], $0x80, v4, vm0, $0xb8;
	[tilespmem:$0xC100] =	vst v63  }
0xb6: {  	_ = 	snop  }
0xb7: {  	[hbm4b:s3+s2] =	stream.indirect_vreg.scatter [tilespmem:s29], [sflag:$0x1], $0x80, v3, vm0, $0xb8;
	[tilespmem:$0xC100] =	vst v63  }
0xb8: {  	_ = 	snop  }
0xb9: {  	[hbm4b:s4+s2] =	stream.indirect_vreg.scatter [tilespmem:s30], [sflag:$0x1], $0x80, v3, vm0, $0xb8;
	[tilespmem:$0xC100] =	vst v63  }
0xba: {  	_ = 	snop  }
0xbb: {  	[hbm4b:s5+s2] =	stream.indirect_vreg.scatter [tilespmem:s31], [sflag:$0x1], $0x80, v3, vm0, $0xb8;
	[tilespmem:$0xC100] =	vst v63  }
0xbc: {  	p0 =	sne.s32 s6, $0x1;
	_ =	swait.ge [sflag:s0], $0xC000  }
.Ltmp0:
0xbd: {  	[sflag:s0] =	ssyncset.done $0x0;
	(pc) =	sbr.rel @p0 .LBB2_1-.Ltmp0, $4  }
0xbe: {  	[sflag:s0] =	ssyncadd.s32 $0xFFFF4000  }
0xbf: {  	_ =	swait.ge [sflag:s0], $0xC000  }
0xc0: {  	[sflag:s0] =	ssyncset.done $0x0  }
0xc1: {  	s6 =	sadd.s32 $0xFFFFFFFF, s6;
	[sflag:s0] =	ssyncadd.s32 $0xFFFF4000  }
0xc2: {  	_ =	sfence.sel $0x180000  }
0xc3: {  	[bflag:$0x0] =	sbarrier.arrive $0xFFFF  }
0xc4: {  	_ =	strace $0x90000047  }
0xc5: {  	s0 =	stileid.u32;
	[bflag:$0x2] =	sbarrier.arrive $0xFFFF  }
0xc6: {  	p0 =	sne.s32 s0, $0x0;
	s0 =	rddreg [dreg:$0x2]  }
0xc7: {  	s0 =	sadd.s32 @!p0 $0x100000, s0  }
0xc8: {  	[sflag:s0] =	ssyncadd.tile.s32 @!p0 $0x1;
	_ =	shalt  }
.Lfunc_end2:
_tile_overlayer_lowered:
.L_overlay_start_2:
0xc9: {  	(tag) =	ssettag $0x2  }
0xca: {  	s0 =	rddreg [dreg:$0x0];
	s2 =	stileid.u32  }
0xcb: {  	s1 =	rddreg [dreg:$0x1];
	p0 =	sne.s32 s2, $0x0  }
0xcc: {  	s3 =	rddreg [dreg:$0x2];
	[bflag:$0x3] =	sbarrier.arrive $0xFFFF;
	s2 =	simm.s32 @!p0 $0x1C02  }
0xcd: {  	[timem:s3], [sflag:s2] =	dma.local @!p0 [hbm:s0], s1  }
0xce: {  	s0 =	simm.s32 @!p0 $0x2  }
0xcf: {  	_ =	swait.ge @!p0 [sflag:s0], s1  }
0xd0: {  	s1 =	ssub.s32 @!p0 $0x0, s1;
	[sflag:s0] =	ssyncset.done @!p0 $0x0  }
0xd1: {  	[sflag:s0] =	ssyncadd.s32 @!p0 s1  }
0xd2: {  	[bflag:$0x3] =	sbarrier.arrive $0xFFFF  }
0xd3: {  	_ =	shalt  }

// kernel: kernel.9.cloned.1.call-start
scs
__scs_entry_jumppad:
0x0: {  	(pc) =	sbr.rel $0x88, $3  }
0x1: {  	(tag) =	ssettag $0x0;
	lr =	simm.s32 $0x1  }
0x2: {  	[smem:$0x3F9B] =	sst lr;
	_ =	strace $0xD0000000  }
0x3: {  	_ = 	snop  }
0x4: {  	_ = 	snop  }
0x5: {  	_ = 	snop  }
0x6: {  	_ = 	snop  }
0x7: {  	_ = 	snop  }
__scs_overlays_trampoline_lowered:
0x8: {  	[smem:$0x3FAA] =	sst s0  }
0x9: {  	[smem:$0x3FAB] =	sst s1  }
0xa: {  	[smem:$0x3FAC] =	sst s2  }
0xb: {  	[smem:$0x3FAD] =	sst s3  }
0xc: {  	[smem:$0x3FAE] =	sst s4  }
0xd: {  	[smem:$0x3FAF] =	sst s5  }
0xe: {  	[smem:$0x3FB0] =	sst s6  }
0xf: {  	[smem:$0x3FB1] =	sst s7  }
0x10: {  	[smem:$0x3FB2] =	sst s8  }
0x11: {  	[smem:$0x3FB3] =	sst s9;
	s0 =	simm.s32 @!p0 $0x0  }
0x12: {  	s1 =	sld [smem:$0x3F99];
	s0 =	simm.s32 @p0 $0x1  }
0x13: {  	[smem:$0x3FB4] =	sst s0;
	s0 =	simm.s32 @!p1 $0x0  }
0x14: {  	s2 =	sld [smem:$0x3F98];
	s0 =	simm.s32 @p1 $0x1  }
0x15: {  	[smem:$0x3FB5] =	sst s0;
	s0 =	simm.s32 @!p2 $0x0  }
0x16: {  	s3 =	sld [smem:$0x3FDB];
	s0 =	simm.s32 @p2 $0x1  }
0x17: {  	s4 =	simm.s32 $0x1BF5;
	[smem:$0x3FB7] =	sst s0  }
0x18: {  	s0 =	sld [smem:$0x3F9A];
	_ =	swait.ge [sflag:s4], $0x0  }
0x19: {  	s7 =	sld [smem:$0x3F9B]  }
0x1a: {  	s8 =	sadd.s32 $0xFFFFE003, lr  }
0x1b: {  	s9 =	sadd.s32 $0xFFFFFEF7, lr;
	s5 =	simm.s32 $0xFFFFFFFF;
	p2 =	slt.u32 s8, $0xFFFFF086  }
0x1c: {  	p1 =	slt.u32 s9, $0xF7A;
	s5 =	simm.s32 @!p2 $0x0  }
0x1d: {  	s5 =	simm.s32 @p1 $0x1;
	p0 =	seq.s32 s7, s2  }
0x1e: {  	s7 =	smul.u32 @!p0 $0xF7A, s2;
	p2 =	seq.s32 @!p0 s5, $0x0  }
0x1f: {  	s9 =	smul.u32 $0xF7A, s1;
	s8 =	simm.s32 @!p0 $0x1BF5;
	p2 =	por !p2, p0  }
0x20: {  	[sflag:s8] =	ssyncset.s32 @!p0 $0xFFFFF086;
	s6 =	sadd.s32 @!p0 s3, s7;
	s7 =	simm.s32 @!p0 $0x108  }
0x21: {  	s3 =	sadd.s32 s3, s9;
	s6 =	sadd.s32 @!p0 $0x88, s6;
	s7 =	simm.s32 @p2 $0x1082  }
0x22: {  	[simem:s7], [sflag:s8] =	dma.local @!p0 [hbm:s6], $0xF7A  }
0x23: {  	s9 =	sor.u32 $0xD0000000, s2;
	s6 =	simm.s32 $0x108;
	_ =	swait.ge @!p0 [sflag:s8], $0x0  }
0x24: {  	s3 =	sadd.s32 $0x88, s3;
	s6 =	simm.s32 @!p1 $0x1082;
	[sflag:s4] =	ssyncset.s32 $0xFFFFF086  }
0x25: {  	[simem:s6], [sflag:s4] =	dma.local [hbm:s3], $0xF7A  }
0x26: {  	[smem:$0x3F9B] =	sst s1;
	(tag) =	ssettag s2;
	_ =	strace s9  }
0x27: {  	s1 =	sld [smem:$0x3FAB]  }
0x28: {  	s2 =	sld [smem:$0x3FAC]  }
0x29: {  	s4 =	sld [smem:$0x3FAE]  }
0x2a: {  	p0 =	seq.s32 s5, $0x0;
	s5 =	sld [smem:$0x3FAF]  }
0x2b: {  	s6 =	sld [smem:$0x3FB0]  }
0x2c: {  	s7 =	sld [smem:$0x3FB1]  }
0x2d: {  	s3 =	simm.s32 $0x108;
	s8 =	sld [smem:$0x3FB2]  }
0x2e: {  	s3 =	simm.s32 @!p0 $0x1082;
	s9 =	sld [smem:$0x3FB3]  }
0x2f: {  	lr =	sadd.s32 s0, s3;
	s0 =	sld [smem:$0x3FAA]  }
0x30: {  	s3 =	sld [smem:$0x3FAD]  }
0x31: {  	[smem:$0x3FB6] =	sst s10  }
0x32: {  	s10 =	sld [smem:$0x3FB4];
	_ =	sdelay $0x3  }
0x33: {  	p0 =	seq.s32 s10, $0x1;
	s10 =	sld [smem:$0x3FB6];
	_ =	sdelay $0x3  }
0x34: {  	[smem:$0x3FB6] =	sst s10  }
0x35: {  	s10 =	sld [smem:$0x3FB5];
	_ =	sdelay $0x3  }
0x36: {  	p1 =	seq.s32 s10, $0x1;
	s10 =	sld [smem:$0x3FB6];
	_ =	sdelay $0x3  }
0x37: {  	[smem:$0x3FB6] =	sst s10  }
0x38: {  	s10 =	sld [smem:$0x3FB7]  }
0x39: {  	_ = 	snop;
	(pc) =	sbr.ind lr, $3  }
0x3a: {  	_ = 	snop  }
0x3b: {  	_ = 	snop  }
0x3c: {  	p2 =	seq.s32 s10, $0x1;
	s10 =	sld [smem:$0x3FB6]  }
0x3d: {  	_ =	shalt  }
0x3e: {  	_ =	shalt  }
0x3f: {  	_ =	shalt  }
0x40: {  	_ =	shalt  }
0x41: {  	_ =	shalt  }
0x42: {  	_ =	shalt  }
0x43: {  	_ =	shalt  }
0x44: {  	_ =	shalt  }
0x45: {  	_ =	shalt  }
0x46: {  	_ =	shalt  }
0x47: {  	_ =	shalt  }
0x48: {  	_ =	shalt  }
0x49: {  	_ =	shalt  }
0x4a: {  	_ =	shalt  }
0x4b: {  	_ =	shalt  }
0x4c: {  	_ =	shalt  }
0x4d: {  	_ =	shalt  }
0x4e: {  	_ =	shalt  }
0x4f: {  	_ =	shalt  }
0x50: {  	_ =	shalt  }
0x51: {  	_ =	shalt  }
0x52: {  	_ =	shalt  }
0x53: {  	_ =	shalt  }
0x54: {  	_ =	shalt  }
0x55: {  	_ =	shalt  }
0x56: {  	_ =	shalt  }
0x57: {  	_ =	shalt  }
0x58: {  	_ =	shalt  }
0x59: {  	_ =	shalt  }
0x5a: {  	_ =	shalt  }
0x5b: {  	_ =	shalt  }
0x5c: {  	_ =	shalt  }
0x5d: {  	_ =	shalt  }
0x5e: {  	_ =	shalt  }
0x5f: {  	_ =	shalt  }
0x60: {  	_ =	shalt  }
0x61: {  	_ =	shalt  }
0x62: {  	_ =	shalt  }
0x63: {  	_ =	shalt  }
0x64: {  	_ =	shalt  }
0x65: {  	_ =	shalt  }
0x66: {  	_ =	shalt  }
0x67: {  	_ =	shalt  }
0x68: {  	_ =	shalt  }
0x69: {  	_ =	shalt  }
0x6a: {  	_ =	shalt  }
0x6b: {  	_ =	shalt  }
0x6c: {  	_ =	shalt  }
0x6d: {  	_ =	shalt  }
0x6e: {  	_ =	shalt  }
0x6f: {  	_ =	shalt  }
0x70: {  	_ =	shalt  }
0x71: {  	_ =	shalt  }
0x72: {  	_ =	shalt  }
0x73: {  	_ =	shalt  }
0x74: {  	_ =	shalt  }
0x75: {  	_ =	shalt  }
0x76: {  	_ =	shalt  }
0x77: {  	_ =	shalt  }
0x78: {  	_ =	shalt  }
0x79: {  	_ =	shalt  }
0x7a: {  	_ =	shalt  }
0x7b: {  	_ =	shalt  }
0x7c: {  	_ =	shalt  }
0x7d: {  	_ =	shalt  }
0x7e: {  	_ =	shalt  }
0x7f: {  	_ =	shalt  }
0x80: {  	_ =	shalt  }
0x81: {  	_ =	shalt  }
0x82: {  	_ =	shalt  }
0x83: {  	_ =	shalt  }
0x84: {  	_ =	shalt  }
0x85: {  	_ =	shalt  }
0x86: {  	_ =	shalt  }
0x87: {  	_ =	shalt  }
.Lfunc_end0:
.L_simem_size_0:
called_computation.1_lowered:
.L_overlay_start_0:
0x88: {  	s2 =	sld [smem:$0x3FD9]  }
0x89: {  	s3 =	sld [smem:$0x3FFE];
	_ =	sdelay $0x1  }
0x8a: {  	s1 =	srdreg.scid  }
0x8b: {  	s0 =	sand.u32 $0x1, s1  }
0x8c: {  	s14 =	sshll.u32 s0, $0xA;
	s2 =	sadd.s32 s3, s2  }
0x8d: {  	s2 =	sadd.s32 s2, s14  }
0x8e: {  	[smem:$0x3FC2] =	sst s2  }
0x8f: {  	_ = 	snop  }
0x90: {  	s2 =	sld [smem:$0x3FD0];
	_ =	sdelay $0x2  }
0x91: {  	s15 =	simm.s32 $0xA;
	s4 =	simm.s32 $0x10  }
0x92: {  	[smem:s4], [sflag:s15] =	dma.local [hbm:s2], $0x1  }
0x93: {  	_ =	swait.eq [sflag:s15], $0x1  }
0x94: {  	[sflag:s15] =	ssyncset.done $0x0  }
0x95: {  	[sflag:s15] =	ssyncadd.s32 $0xFFFFFFFF  }
0x96: {  	s16 =	sld [smem:$0x10];
	(tm) =	ssettm $0x1  }
0x97: {  	s17 =	sld [smem:$0x3FFB];
	_ =	sdelay $0x3  }
0x98: {  	_ =	strace s17  }
0x99: {  	s3 =	sld [smem:$0x3FFC];
	_ =	sdelay $0x3  }
0x9a: {  	_ =	strace s3  }
0x9b: {  	s3 =	sld [smem:$0x3FFD];
	_ =	sdelay $0x3  }
0x9c: {  	_ =	strace s3  }
0x9d: {  	_ =	strace $0x8FFFFFFF  }
0x9e: {  	s18 =	sld [smem:$0x3FDB];
	_ =	sdelay $0x1  }
0x9f: {  	s19 =	simm.s32 $_scs_section_size  }
0xa0: {  	s5 =	simm.s32 $_size__tile_overlayer_lowered;
	s6 =	simm.s32 $_tile_overlayer_lowered  }
0xa1: {  	s22 =	simm.s32 $0x1BFF;
	s21 =	sshll.u32 s6, $0x1;
	s3 =	sadd.s32 s19, s18  }
0xa2: {  	s7 =	simm.s32 $0x0;
	s20 =	sshll.u32 s5, $0x1;
	s5 =	sadd.s32 s21, s3  }
0xa3: {  	[timem:s7], [sflag:s22] =	dma.local [hbm:s5], s20  }
0xa4: {  	_ =	swait.ge [sflag:s22], s20  }
0xa5: {  	s4 =	ssub.s32 $0x0, s20;
	[sflag:s22] =	ssyncset.done $0x0  }
0xa6: {  	[sflag:s22] =	ssyncadd.s32 s4;
	_ =	sdelay $0x1  }
0xa7: {  	s23 =	simm.s32 $0x1B8B  }
0xa8: {  	_ =	swait.ge [sflag:s23], $0x1  }
0xa9: {  	[sflag:s23] =	ssyncset.done $0x0  }
0xaa: {  	s25 =	simm.s32 $0x1B8E;
	s24 =	sld [smem:$0x3FFE];
	[sflag:s23] =	ssyncadd.s32 $0xFFFFFFFF  }
0xab: {  	s26 =	simm.s32 $execute0_lowered;
	[smem:$0x3FD2] =	sst s25  }
0xac: {  	s5 =	sshll.u32 s26, $0x1;
	_ =	strace $0x80000049;
	[dreg:$0x1] =	wrdreg $0xFFFFFFFF  }
0xad: {  	s28 =	simm.s32 $_size_execute0_lowered;
	s3 =	sadd.s32 s3, s5;
	[dreg:$0x0] =	wrdreg $0x0  }
0xae: {  	s5 =	sshll.u32 s28, $0x1;
	[dreg:$0x2] =	wrdreg s3  }
0xaf: {  	[dreg:$0x3] =	wrdreg s5  }
0xb0: {  	[dreg:$0x4] =	wrdreg $0xC0  }
0xb1: {  	_ =	task [dreg:s7], $0x5FFFF  }
0xb2: {  	[dreg:$0x1] =	wrdreg $0xFFFFFFFF  }
0xb3: {  	[dreg:$0x0] =	wrdreg $0x60  }
0xb4: {  	[dreg:$0x2] =	wrdreg s24  }
0xb5: {  	[dreg:$0x3] =	wrdreg s16  }
0xb6: {  	[dreg:$0x4] =	wrdreg $0x9  }
0xb7: {  	_ =	task.clear_ibuf [dreg:s7], $0x5FFFF;
	_ =	strace $0x90000049  }
0xb8: {  	s29 =	simm.s32 $0x9;
	_ =	strace $0x8000004B  }
0xb9: {  	_ =	swait.ge [sflag:s29], $0x1  }
0xba: {  	[sflag:s29] =	ssyncadd.s32 $0xFFFFFFFF  }
0xbb: {  	_ =	strace $0x9000004B  }
0xbc: {  	_ =	sfence  }
0xbd: {  	s30 =	sld [smem:$0x0];
	_ =	sdelay $0x2  }
0xbe: {  	s31 =	sshll.u32 s1, $0xD;
	s1 =	sshrl.u32 s1, $0x2  }
0xbf: {  	s3 =	sand.u32 $0x4000, s31;
	s1 =	sadd.s32 s1, s30  }
0xc0: {  	s0 =	sor.u32 s3, s0;
	s1 =	sshll.u32 s1, $0x11  }
0xc1: {  	s0 =	sor.u32 s1, s0  }
0xc2: {  	s0 =	sadd.s32 $0x8F2B, s0  }
0xc3: {  	[sflag:s0] =	ssyncadd.remote.s32 $0x1  }
0xc4: {  	_ =	sfence.sel $0xFFFF  }
0xc5: {  	[dreg:$0x0] =	wrdreg $0xFFFFFFFF;
	(pc) =	sbr.abs _section_cstart, $3  }
0xc6: {  	[dreg:$0x1] =	wrdreg $0xFFFFFFFF  }
0xc7: {  	_ =	task.clear_ibuf [dreg:s7], $0x2FFFF;
	_ =	strace $0x9FFFFFFF  }
0xc8: {  	(tm) =	ssettm $0x7FFFFFFF  }
0xc9: {  	_ =	shalt  }
tec
execute0_lowered:
.L_overlay_start_1:
0x0: {  	(tag) =	ssettag $0x1  }
0x1: {  	s0 =	rddreg [dreg:$0x0]  }
0x2: {  	s1 =	rddreg [dreg:$0x1];
	s3 =	srdreg.scid;
	s2 =	simm.s32 $0x0  }
0x3: {  	s5 =	stileid.u32;
	s13 =	simm.s32 $0x2;
	s12 =	simm.s32 $0x13800  }
0x4: {  	s14 =	simm.s32 $0x14000;
	s15 =	simm.s32 $0x14800;
	s16 =	simm.s32 $0x15000  }
0x5: {  	s17 =	simm.s32 $0x15800;
	s18 =	simm.s32 $0x16000;
	s19 =	simm.s32 $0x16800  }
0x6: {  	s20 =	simm.s32 $0x17000;
	s21 =	simm.s32 $0x17800;
	s22 =	simm.s32 $0x1  }
0x7: {  	s23 =	simm.s32 $0x0;
	s4 =	sand.u32 $0x1, s3;
	[smem:$0x7FF] =	sst s2  }
0x8: {  	s5 =	sshll.u32 s5, $0x7;
	s3 =	sadd.s32 $0xD1600, s0;
	s6 =	sshll.u32 s4, $0x6  }
0x9: {  	s7 =	sadd.s32 $0x11400, s0;
	s4 =	ssub.s32 $0x2, s4;
	s5 =	sor.u32 s6, s5  }
0xa: {  	_ =	strace $0x8000004A;
	s11 =	sshrl.u32 s4, $0x1;
	s8 =	sshll.u32 s5, $0x4  }
0xb: {  	s9 =	sshll.u32 s5, $0x1;
	s11 =	ssub.s32 s4, s11;
	s30 =	sshrl.u32 s5, $0x3  }
0xc: {  	s8 =	sadd.s32 s8, s0;
	s10 =	sand.u32 $0xF00, s9;
	s31 =	smul.u32 $0x300, s30  }
0xd: {  	s11 =	smax.u32 s11, $0x1;
	s10 =	sor.u32 s6, s10;
	s6 =	sor.u32 s6, s9  }
0xe: {  	s9 =	sadd.s32 $0xD1800, s0;
	s29 =	sshrl.u32 s10, $0x3;
	s6 =	sshrl.u32 s6, $0x3  }
0xf: {  	v2 =	vlaneseq.u32;
	s10 =	sadd.s32 s1, s31;
	s1 =	simm.s32 $0x13000;
	s6 =	sor.u32 $0x10, s6  }
0x10: {  	vm0 =	vmmov $0xffff;
	v1 =	vshrl.u32 v2, $0x3;
	s4 =	sadd.s32 s7, s29;
	s5 =	sadd.s32 s7, s6;
	s6 =	sadd.s32 $0x1400, s8  }
0x11: {  	v0 =	vand.u32 $0x7, v2;
	v2 =	vor.u32 $0x8, v2;
	v1 =	vmul.u32 $0x8, v1;
	s7 =	sadd.s32 $0x9400, s8;
	s8 =	sadd.s32 $0xD1700, s0;
	s0 =	simm.s32 $0x12800  }
.LBB2_1:
0x12: {  	s24 =	simm.s32 $0x18000  }
0x13: {  	[tilespmem:s24], [sflag:$0x2] =	stream.linear.gather [hbm4b:s4+s2], $0x40, $0x38;
	[tilespmem:$0x1C100] =	vst v63  }
0x14: {  	_ =	swait.ge [sflag:s13], $0x40  }
0x15: {  	[sflag:s13] =	ssyncset.done $0x0  }
0x16: {  	s30 =	simm.s32 $0x18080;
	[sflag:s13] =	ssyncadd.s32 $0xFFFFFFC0  }
0x17: {  	[tilespmem:s30], [sflag:$0x2] =	stream.linear.gather [hbm4b:s5+s2], $0x40, $0x38;
	[tilespmem:$0x1C100] =	vst v63  }
0x18: {  	_ =	swait.ge [sflag:s13], $0x40  }
0x19: {  	[sflag:s13] =	ssyncset.done $0x0  }
0x1a: {  	s24 =	simm.s32 $0x18100;
	[sflag:s13] =	ssyncadd.s32 $0xFFFFFFC0  }
0x1b: {  	[tilespmem:s24], [sflag:$0x2] =	stream.linear.gather [hbm4b:s6+s2], $0x2000, $0x38;
	[tilespmem:$0x1C100] =	vst v63  }
0x1c: {  	_ =	swait.ge [sflag:s13], $0x2000  }
0x1d: {  	[sflag:s13] =	ssyncset.done $0x0  }
0x1e: {  	s25 =	simm.s32 $0x1A100;
	[sflag:s13] =	ssyncadd.s32 $0xFFFFE000  }
0x1f: {  	[tilespmem:s25], [sflag:$0x2] =	stream.linear.gather [hbm4b:s7+s2], $0x2000, $0x38;
	[tilespmem:$0x1C100] =	vst v63  }
0x20: {  	_ =	swait.ge [sflag:s13], $0x2000  }
0x21: {  	[sflag:s13] =	ssyncset.done $0x0  }
0x22: {  	[sflag:s13] =	ssyncadd.s32 $0xFFFFE000  }
0x23: {  	v3 =	vld [tilespmem:$0x18000];
	_ =	sdelay $0x4  }
0x24: {  	v4 =	vshrl.u32 v3, $0x3  }
0x25: {  	v4 =	vmul.u32 $0x30, v4  }
0x26: {  	v3 =	vand.u32 $0x7, v3  }
0x27: {  	v3 =	vor.u32 v3, v4  }
0x28: {  	v4 =	vperm.xlane v3, v0;
	_ =	sdelay $0x1  }
0x29: {  	v4 =	vadd.s32 v1, v4;
	_ =	sdelay $0x3  }
0x2a: {  	v3 =	vperm.xlane v3, v2  }
0x2b: {  	[tilespmem:s2], [sflag:$0x1] =	stream.indirect_vreg.gather [hbm4b:s3+s2], $0x80, v4, vm0, $0xb8;
	[tilespmem:$0x1C100] =	vst v63  }
0x2c: {  	s26 =	simm.s32 $0x800;
	v3 =	vadd.s32 v1, v3  }
0x2d: {  	[tilespmem:s26], [sflag:$0x1] =	stream.indirect_vreg.gather [hbm4b:s8+s2], $0x80, v4, vm0, $0xb8;
	[tilespmem:$0x1C100] =	vst v63  }
0x2e: {  	s31 =	simm.s32 $0x1000  }
0x2f: {  	[tilespmem:s31], [sflag:$0x1] =	stream.indirect_vreg.gather [hbm4b:s9+s2], $0x80, v4, vm0, $0xb8;
	[tilespmem:$0x1C100] =	vst v63  }
0x30: {  	s30 =	simm.s32 $0x1800  }
0x31: {  	[tilespmem:s30], [sflag:$0x1] =	stream.indirect_vreg.gather [hbm4b:s3+s2], $0x80, v3, vm0, $0xb8;
	[tilespmem:$0x1C100] =	vst v63  }
0x32: {  	s31 =	simm.s32 $0x2000  }
0x33: {  	[tilespmem:s31], [sflag:$0x1] =	stream.indirect_vreg.gather [hbm4b:s8+s2], $0x80, v3, vm0, $0xb8;
	[tilespmem:$0x1C100] =	vst v63  }
0x34: {  	s30 =	simm.s32 $0x2800  }
0x35: {  	[tilespmem:s30], [sflag:$0x1] =	stream.indirect_vreg.gather [hbm4b:s9+s2], $0x80, v3, vm0, $0xb8;
	[tilespmem:$0x1C100] =	vst v63  }
0x36: {  	v3 =	vld [tilespmem:$0x18010];
	_ =	sdelay $0x4  }
0x37: {  	v4 =	vshrl.u32 v3, $0x3  }
0x38: {  	v4 =	vmul.u32 $0x30, v4  }
0x39: {  	v3 =	vand.u32 $0x7, v3  }
0x3a: {  	v3 =	vor.u32 v3, v4  }
0x3b: {  	v4 =	vperm.xlane v3, v0;
	_ =	sdelay $0x1  }
0x3c: {  	v4 =	vadd.s32 v1, v4;
	_ =	sdelay $0x3  }
0x3d: {  	s31 =	simm.s32 $0x3000;
	v3 =	vperm.xlane v3, v2  }
0x3e: {  	[tilespmem:s31], [sflag:$0x1] =	stream.indirect_vreg.gather [hbm4b:s3+s2], $0x80, v4, vm0, $0xb8;
	[tilespmem:$0x1C100] =	vst v63  }
0x3f: {  	s30 =	simm.s32 $0x3800;
	v3 =	vadd.s32 v1, v3  }
0x40: {  	[tilespmem:s30], [sflag:$0x1] =	stream.indirect_vreg.gather [hbm4b:s8+s2], $0x80, v4, vm0, $0xb8;
	[tilespmem:$0x1C100] =	vst v63  }
0x41: {  	s31 =	simm.s32 $0x4000  }
0x42: {  	[tilespmem:s31], [sflag:$0x1] =	stream.indirect_vreg.gather [hbm4b:s9+s2], $0x80, v4, vm0, $0xb8;
	[tilespmem:$0x1C100] =	vst v63  }
0x43: {  	s30 =	simm.s32 $0x4800  }
0x44: {  	[tilespmem:s30], [sflag:$0x1] =	stream.indirect_vreg.gather [hbm4b:s3+s2], $0x80, v3, vm0, $0xb8;
	[tilespmem:$0x1C100] =	vst v63  }
0x45: {  	s31 =	simm.s32 $0x5000  }
0x46: {  	[tilespmem:s31], [sflag:$0x1] =	stream.indirect_vreg.gather [hbm4b:s8+s2], $0x80, v3, vm0, $0xb8;
	[tilespmem:$0x1C100] =	vst v63  }
0x47: {  	s30 =	simm.s32 $0x5800  }
0x48: {  	[tilespmem:s30], [sflag:$0x1] =	stream.indirect_vreg.gather [hbm4b:s9+s2], $0x80, v3, vm0, $0xb8;
	[tilespmem:$0x1C100] =	vst v63  }
0x49: {  	v3 =	vld [tilespmem:$0x18020];
	_ =	sdelay $0x4  }
0x4a: {  	v4 =	vshrl.u32 v3, $0x3  }
0x4b: {  	v4 =	vmul.u32 $0x30, v4  }
0x4c: {  	v3 =	vand.u32 $0x7, v3  }
0x4d: {  	v3 =	vor.u32 v3, v4  }
0x4e: {  	v4 =	vperm.xlane v3, v0;
	_ =	sdelay $0x1  }
0x4f: {  	v4 =	vadd.s32 v1, v4;
	_ =	sdelay $0x3  }
0x50: {  	s31 =	simm.s32 $0x6000;
	v3 =	vperm.xlane v3, v2  }
0x51: {  	[tilespmem:s31], [sflag:$0x1] =	stream.indirect_vreg.gather [hbm4b:s3+s2], $0x80, v4, vm0, $0xb8;
	[tilespmem:$0x1C100] =	vst v63  }
0x52: {  	s30 =	simm.s32 $0x6800;
	v3 =	vadd.s32 v1, v3  }
0x53: {  	[tilespmem:s30], [sflag:$0x1] =	stream.indirect_vreg.gather [hbm4b:s8+s2], $0x80, v4, vm0, $0xb8;
	[tilespmem:$0x1C100] =	vst v63  }
0x54: {  	s31 =	simm.s32 $0x7000  }
0x55: {  	[tilespmem:s31], [sflag:$0x1] =	stream.indirect_vreg.gather [hbm4b:s9+s2], $0x80, v4, vm0, $0xb8;
	[tilespmem:$0x1C100] =	vst v63  }
0x56: {  	s30 =	simm.s32 $0x7800  }
0x57: {  	[tilespmem:s30], [sflag:$0x1] =	stream.indirect_vreg.gather [hbm4b:s3+s2], $0x80, v3, vm0, $0xb8;
	[tilespmem:$0x1C100] =	vst v63  }
0x58: {  	s31 =	simm.s32 $0x8000  }
0x59: {  	[tilespmem:s31], [sflag:$0x1] =	stream.indirect_vreg.gather [hbm4b:s8+s2], $0x80, v3, vm0, $0xb8;
	[tilespmem:$0x1C100] =	vst v63  }
0x5a: {  	s30 =	simm.s32 $0x8800  }
0x5b: {  	[tilespmem:s30], [sflag:$0x1] =	stream.indirect_vreg.gather [hbm4b:s9+s2], $0x80, v3, vm0, $0xb8;
	[tilespmem:$0x1C100] =	vst v63  }
0x5c: {  	v3 =	vld [tilespmem:$0x18030];
	_ =	sdelay $0x4  }
0x5d: {  	v4 =	vshrl.u32 v3, $0x3  }
0x5e: {  	v4 =	vmul.u32 $0x30, v4  }
0x5f: {  	v3 =	vand.u32 $0x7, v3  }
0x60: {  	v3 =	vor.u32 v3, v4  }
0x61: {  	v4 =	vperm.xlane v3, v0;
	_ =	sdelay $0x1  }
0x62: {  	v4 =	vadd.s32 v1, v4;
	_ =	sdelay $0x3  }
0x63: {  	s31 =	simm.s32 $0x9000;
	v3 =	vperm.xlane v3, v2  }
0x64: {  	[tilespmem:s31], [sflag:$0x1] =	stream.indirect_vreg.gather [hbm4b:s3+s2], $0x80, v4, vm0, $0xb8;
	[tilespmem:$0x1C100] =	vst v63  }
0x65: {  	s30 =	simm.s32 $0x9800;
	v3 =	vadd.s32 v1, v3  }
0x66: {  	[tilespmem:s30], [sflag:$0x1] =	stream.indirect_vreg.gather [hbm4b:s8+s2], $0x80, v4, vm0, $0xb8;
	[tilespmem:$0x1C100] =	vst v63  }
0x67: {  	s31 =	simm.s32 $0xA000  }
0x68: {  	[tilespmem:s31], [sflag:$0x1] =	stream.indirect_vreg.gather [hbm4b:s9+s2], $0x80, v4, vm0, $0xb8;
	[tilespmem:$0x1C100] =	vst v63  }
0x69: {  	s30 =	simm.s32 $0xA800  }
0x6a: {  	[tilespmem:s30], [sflag:$0x1] =	stream.indirect_vreg.gather [hbm4b:s3+s2], $0x80, v3, vm0, $0xb8;
	[tilespmem:$0x1C100] =	vst v63  }
0x6b: {  	s31 =	simm.s32 $0xB000  }
0x6c: {  	[tilespmem:s31], [sflag:$0x1] =	stream.indirect_vreg.gather [hbm4b:s8+s2], $0x80, v3, vm0, $0xb8;
	[tilespmem:$0x1C100] =	vst v63  }
0x6d: {  	s30 =	simm.s32 $0xB800  }
0x6e: {  	[tilespmem:s30], [sflag:$0x1] =	stream.indirect_vreg.gather [hbm4b:s9+s2], $0x80, v3, vm0, $0xb8;
	[tilespmem:$0x1C100] =	vst v63  }
0x6f: {  	v3 =	vld [tilespmem:$0x18080];
	_ =	sdelay $0x4  }
0x70: {  	v4 =	vshrl.u32 v3, $0x3  }
0x71: {  	v4 =	vmul.u32 $0x30, v4  }
0x72: {  	v3 =	vand.u32 $0x7, v3  }
0x73: {  	v3 =	vor.u32 v3, v4  }
0x74: {  	v4 =	vperm.xlane v3, v0;
	_ =	sdelay $0x1  }
0x75: {  	v4 =	vadd.s32 v1, v4;
	_ =	sdelay $0x3  }
0x76: {  	s31 =	simm.s32 $0xC000;
	v3 =	vperm.xlane v3, v2  }
0x77: {  	[tilespmem:s31], [sflag:$0x1] =	stream.indirect_vreg.gather [hbm4b:s3+s2], $0x80, v4, vm0, $0xb8;
	[tilespmem:$0x1C100] =	vst v63  }
0x78: {  	s30 =	simm.s32 $0xC800;
	v3 =	vadd.s32 v1, v3  }
0x79: {  	[tilespmem:s30], [sflag:$0x1] =	stream.indirect_vreg.gather [hbm4b:s8+s2], $0x80, v4, vm0, $0xb8;
	[tilespmem:$0x1C100] =	vst v63  }
0x7a: {  	s31 =	simm.s32 $0xD000  }
0x7b: {  	[tilespmem:s31], [sflag:$0x1] =	stream.indirect_vreg.gather [hbm4b:s9+s2], $0x80, v4, vm0, $0xb8;
	[tilespmem:$0x1C100] =	vst v63  }
0x7c: {  	s30 =	simm.s32 $0xD800  }
0x7d: {  	[tilespmem:s30], [sflag:$0x1] =	stream.indirect_vreg.gather [hbm4b:s3+s2], $0x80, v3, vm0, $0xb8;
	[tilespmem:$0x1C100] =	vst v63  }
0x7e: {  	s31 =	simm.s32 $0xE000  }
0x7f: {  	[tilespmem:s31], [sflag:$0x1] =	stream.indirect_vreg.gather [hbm4b:s8+s2], $0x80, v3, vm0, $0xb8;
	[tilespmem:$0x1C100] =	vst v63  }
0x80: {  	s30 =	simm.s32 $0xE800  }
0x81: {  	[tilespmem:s30], [sflag:$0x1] =	stream.indirect_vreg.gather [hbm4b:s9+s2], $0x80, v3, vm0, $0xb8;
	[tilespmem:$0x1C100] =	vst v63  }
0x82: {  	v3 =	vld [tilespmem:$0x18090];
	_ =	sdelay $0x4  }
0x83: {  	v4 =	vshrl.u32 v3, $0x3  }
0x84: {  	v4 =	vmul.u32 $0x30, v4  }
0x85: {  	v3 =	vand.u32 $0x7, v3  }
0x86: {  	v3 =	vor.u32 v3, v4  }
0x87: {  	v4 =	vperm.xlane v3, v0;
	_ =	sdelay $0x1  }
0x88: {  	v4 =	vadd.s32 v1, v4;
	_ =	sdelay $0x3  }
0x89: {  	s31 =	simm.s32 $0xF000;
	v3 =	vperm.xlane v3, v2  }
0x8a: {  	[tilespmem:s31], [sflag:$0x1] =	stream.indirect_vreg.gather [hbm4b:s3+s2], $0x80, v4, vm0, $0xb8;
	[tilespmem:$0x1C100] =	vst v63  }
0x8b: {  	s30 =	simm.s32 $0xF800;
	v3 =	vadd.s32 v1, v3  }
0x8c: {  	[tilespmem:s30], [sflag:$0x1] =	stream.indirect_vreg.gather [hbm4b:s8+s2], $0x80, v4, vm0, $0xb8;
	[tilespmem:$0x1C100] =	vst v63  }
0x8d: {  	s31 =	simm.s32 $0x10000  }
0x8e: {  	[tilespmem:s31], [sflag:$0x1] =	stream.indirect_vreg.gather [hbm4b:s9+s2], $0x80, v4, vm0, $0xb8;
	[tilespmem:$0x1C100] =	vst v63  }
0x8f: {  	s30 =	simm.s32 $0x10800  }
0x90: {  	[tilespmem:s30], [sflag:$0x1] =	stream.indirect_vreg.gather [hbm4b:s3+s2], $0x80, v3, vm0, $0xb8;
	[tilespmem:$0x1C100] =	vst v63  }
0x91: {  	s31 =	simm.s32 $0x11000  }
0x92: {  	[tilespmem:s31], [sflag:$0x1] =	stream.indirect_vreg.gather [hbm4b:s8+s2], $0x80, v3, vm0, $0xb8;
	[tilespmem:$0x1C100] =	vst v63  }
0x93: {  	s30 =	simm.s32 $0x11800  }
0x94: {  	[tilespmem:s30], [sflag:$0x1] =	stream.indirect_vreg.gather [hbm4b:s9+s2], $0x80, v3, vm0, $0xb8;
	[tilespmem:$0x1C100] =	vst v63  }
0x95: {  	v3 =	vld [tilespmem:$0x180A0];
	_ =	sdelay $0x4  }
0x96: {  	v4 =	vshrl.u32 v3, $0x3  }
0x97: {  	v4 =	vmul.u32 $0x30, v4  }
0x98: {  	v3 =	vand.u32 $0x7, v3  }
0x99: {  	v3 =	vor.u32 v3, v4  }
0x9a: {  	v4 =	vperm.xlane v3, v0;
	_ =	sdelay $0x1  }
0x9b: {  	v4 =	vadd.s32 v1, v4;
	_ =	sdelay $0x3  }
0x9c: {  	s31 =	simm.s32 $0x12000;
	v3 =	vperm.xlane v3, v2  }
0x9d: {  	[tilespmem:s31], [sflag:$0x1] =	stream.indirect_vreg.gather [hbm4b:s3+s2], $0x80, v4, vm0, $0xb8;
	[tilespmem:$0x1C100] =	vst v63  }
0x9e: {  	v3 =	vadd.s32 v1, v3  }
0x9f: {  	[tilespmem:s0], [sflag:$0x1] =	stream.indirect_vreg.gather [hbm4b:s8+s2], $0x80, v4, vm0, $0xb8;
	[tilespmem:$0x1C100] =	vst v63  }
0xa0: {  	_ = 	snop  }
0xa1: {  	[tilespmem:s1], [sflag:$0x1] =	stream.indirect_vreg.gather [hbm4b:s9+s2], $0x80, v4, vm0, $0xb8;
	[tilespmem:$0x1C100] =	vst v63  }
0xa2: {  	_ = 	snop  }
0xa3: {  	[tilespmem:s12], [sflag:$0x1] =	stream.indirect_vreg.gather [hbm4b:s3+s2], $0x80, v3, vm0, $0xb8;
	[tilespmem:$0x1C100] =	vst v63  }
0xa4: {  	_ = 	snop  }
0xa5: {  	[tilespmem:s14], [sflag:$0x1] =	stream.indirect_vreg.gather [hbm4b:s8+s2], $0x80, v3, vm0, $0xb8;
	[tilespmem:$0x1C100] =	vst v63  }
0xa6: {  	_ = 	snop  }
0xa7: {  	[tilespmem:s15], [sflag:$0x1] =	stream.indirect_vreg.gather [hbm4b:s9+s2], $0x80, v3, vm0, $0xb8;
	[tilespmem:$0x1C100] =	vst v63  }
0xa8: {  	v3 =	vld [tilespmem:$0x180B0];
	_ =	sdelay $0x4  }
0xa9: {  	v4 =	vshrl.u32 v3, $0x3  }
0xaa: {  	v4 =	vmul.u32 $0x30, v4  }
0xab: {  	v3 =	vand.u32 $0x7, v3  }
0xac: {  	v3 =	vor.u32 v3, v4  }
0xad: {  	v4 =	vperm.xlane v3, v0;
	_ =	sdelay $0x1  }
0xae: {  	v4 =	vadd.s32 v1, v4;
	_ =	sdelay $0x3  }
0xaf: {  	v3 =	vperm.xlane v3, v2  }
0xb0: {  	[tilespmem:s16], [sflag:$0x1] =	stream.indirect_vreg.gather [hbm4b:s3+s2], $0x80, v4, vm0, $0xb8;
	[tilespmem:$0x1C100] =	vst v63  }
0xb1: {  	v3 =	vadd.s32 v1, v3  }
0xb2: {  	[tilespmem:s17], [sflag:$0x1] =	stream.indirect_vreg.gather [hbm4b:s8+s2], $0x80, v4, vm0, $0xb8;
	[tilespmem:$0x1C100] =	vst v63  }
0xb3: {  	_ = 	snop  }
0xb4: {  	[tilespmem:s18], [sflag:$0x1] =	stream.indirect_vreg.gather [hbm4b:s9+s2], $0x80, v4, vm0, $0xb8;
	[tilespmem:$0x1C100] =	vst v63  }
0xb5: {  	_ = 	snop  }
0xb6: {  	[tilespmem:s19], [sflag:$0x1] =	stream.indirect_vreg.gather [hbm4b:s3+s2], $0x80, v3, vm0, $0xb8;
	[tilespmem:$0x1C100] =	vst v63  }
0xb7: {  	_ = 	snop  }
0xb8: {  	[tilespmem:s20], [sflag:$0x1] =	stream.indirect_vreg.gather [hbm4b:s8+s2], $0x80, v3, vm0, $0xb8;
	[tilespmem:$0x1C100] =	vst v63  }
0xb9: {  	_ = 	snop  }
0xba: {  	[tilespmem:s21], [sflag:$0x1] =	stream.indirect_vreg.gather [hbm4b:s9+s2], $0x80, v3, vm0, $0xb8;
	[tilespmem:$0x1C100] =	vst v63  }
0xbb: {  	_ =	swait.ge [sflag:s22], $0xC000  }
0xbc: {  	[sflag:s22] =	ssyncset.done $0x0  }
0xbd: {  	s30 =	simm.s32 $0x0;
	[sflag:s22] =	ssyncadd.s32 $0xFFFF4000  }
0xbe: {  	s26 =	smul.u32 $0x1800, s30;
	_ =	swait.ge [sflag:s22], $0xC000  }
0xbf: {  	s28 =	sand.u32 $0x380, s2;
	[sflag:s22] =	ssyncset.done $0x0  }
0xc0: {  	s29 =	sor.u32 s28, s26;
	[sflag:s22] =	ssyncadd.s32 $0xFFFF4000  }
0xc1: {  	v4 =	vld [tilespmem:s29+$0x10]  }
0xc2: {  	v3 =	vld [tilespmem:s29+$0xC010]  }
0xc3: {  	v6 =	vld [tilespmem:s29+$0x20]  }
0xc4: {  	v5 =	vld [tilespmem:s29+$0xC020]  }
0xc5: {  	v10 =	vld [tilespmem:s29+$0x30]  }
0xc6: {  	v9 =	vld [tilespmem:s29+$0xC030]  }
0xc7: {  	v12 =	vld [tilespmem:s29+$0x40]  }
0xc8: {  	v11 =	vld [tilespmem:s29+$0xC040]  }
0xc9: {  	v13 =	vld [tilespmem:s29+$0x60]  }
0xca: {  	v14 =	vld [tilespmem:s29+$0x70]  }
0xcb: {  	v15 =	vld [tilespmem:s29+$0x400]  }
0xcc: {  	v16 =	vld [tilespmem:s29+$0x410]  }
0xcd: {  	v17 =	vld [tilespmem:s29+$0x420]  }
0xce: {  	v18 =	vld [tilespmem:s29+$0x430]  }
0xcf: {  	v19 =	vld [tilespmem:s29+$0x440]  }
0xd0: {  	v20 =	vld [tilespmem:s29+$0x450]  }
0xd1: {  	v21 =	vld [tilespmem:s29+$0x460]  }
0xd2: {  	v22 =	vld [tilespmem:s29+$0x470]  }
0xd3: {  	v23 =	vld [tilespmem:s29+$0x800]  }
0xd4: {  	v24 =	vld [tilespmem:s29+$0x810]  }
0xd5: {  	v25 =	vld [tilespmem:s29+$0x820]  }
0xd6: {  	v26 =	vld [tilespmem:s29+$0x830]  }
0xd7: {  	v27 =	vld [tilespmem:s29+$0x840]  }
0xd8: {  	v28 =	vld [tilespmem:s29+$0x850]  }
0xd9: {  	v29 =	vld [tilespmem:s29+$0x860]  }
0xda: {  	v30 =	vld [tilespmem:s29+$0x870]  }
0xdb: {  	v31 =	vld [tilespmem:s29+$0xC00]  }
0xdc: {  	v32 =	vld [tilespmem:s29+$0xC10]  }
0xdd: {  	v33 =	vld [tilespmem:s29+$0xC20]  }
0xde: {  	v34 =	vld [tilespmem:s29+$0xC30]  }
0xdf: {  	v35 =	vld [tilespmem:s29+$0xC40]  }
0xe0: {  	v36 =	vld [tilespmem:s29+$0xC50]  }
0xe1: {  	v37 =	vld [tilespmem:s29+$0xC60]  }
0xe2: {  	v38 =	vld [tilespmem:s29+$0xC70]  }
0xe3: {  	v39 =	vld [tilespmem:s29+$0x1000]  }
0xe4: {  	v40 =	vld [tilespmem:s29+$0x1010]  }
0xe5: {  	v41 =	vld [tilespmem:s29+$0x1020]  }
0xe6: {  	v42 =	vld [tilespmem:s29+$0x1030]  }
0xe7: {  	v43 =	vld [tilespmem:s29+$0x1040]  }
0xe8: {  	v44 =	vld [tilespmem:s29+$0x1050]  }
0xe9: {  	v45 =	vld [tilespmem:s29+$0x1060]  }
0xea: {  	v46 =	vld [tilespmem:s29+$0x1400]  }
0xeb: {  	v47 =	vld [tilespmem:s29+$0x1410]  }
0xec: {  	v48 =	vld [tilespmem:s29+$0xD410]  }
0xed: {  	v49 =	vld [tilespmem:s29+$0xD430]  }
0xee: {  	v50 =	vld [tilespmem:s29+$0x1430]  }
0xef: {  	v51 =	vld [tilespmem:s29+$0x1420]  }
0xf0: {  	v7 =	vld [tilespmem:s24+$0x0]  }
0xf1: {  	v8 =	vld [tilespmem:s25+$0x0]  }
0xf2: {  	v52 =	vld [tilespmem:s29+$0xD420]  }
0xf3: {  	v53 =	vld [tilespmem:s29+$0xD400]  }
0xf4: {  	v54 =	vld [tilespmem:s29+$0x1070]  }
0xf5: {  	v55 =	vld [tilespmem:s29+$0xD070];
	v50 =	vmul.f32 v50, v7  }
0xf6: {  	v56 =	vld [tilespmem:s29+$0xD060];
	v49 =	vmul.f32 v49, v8;
	v51 =	vmul.f32 v51, v7  }
0xf7: {  	v57 =	vld [tilespmem:s29+$0xD050];
	v52 =	vmul.f32 v52, v8;
	v47 =	vmul.f32 v47, v7  }
0xf8: {  	v61 =	vld [tilespmem:s29+$0xD000];
	v48 =	vmul.f32 v48, v8;
	v46 =	vmul.f32 v46, v7  }
0xf9: {  	v58 =	vld [tilespmem:s29+$0xD040];
	v62 =	vmul.f32 v53, v8;
	v63 =	vmul.f32 v54, v7;
	v49 =	vadd.f32 v49, v50  }
0xfa: {  	v53 =	vld [tilespmem:s29+$0xD030];
	v59 =	vmul.f32 v55, v8;
	v45 =	vmul.f32 v45, v7;
	v51 =	vadd.f32 v52, v51  }
0xfb: {  	v60 =	vmul.f32 v56, v8;
	v44 =	vmul.f32 v44, v7;
	v56 =	vld [tilespmem:s29+$0xCC60];
	v47 =	vadd.f32 v48, v47;
	[tilespmem:s29+$0x1430] =	vst v49  }
0xfc: {  	v43 =	vmul.f32 v43, v7;
	v39 =	vmul.f32 v39, v7;
	v55 =	vld [tilespmem:s29+$0xC870];
	v46 =	vadd.f32 v62, v46;
	[tilespmem:s29+$0x1420] =	vst v51  }
0xfd: {  	v61 =	vmul.f32 v61, v8;
	v12 =	vmul.f32 v12, v7;
	v48 =	vld [tilespmem:s29+$0xD020];
	v52 =	vadd.f32 v59, v63;
	[tilespmem:s29+$0x1410] =	vst v47  }
0xfe: {  	v11 =	vmul.f32 v11, v8;
	v63 =	vmul.f32 v58, v8;
	v45 =	vadd.f32 v60, v45;
	v58 =	vld [tilespmem:s29+$0xCC50];
	[tilespmem:s29+$0x1400] =	vst v46  }
0xff: {  	v42 =	vmul.f32 v42, v7;
	v62 =	vmul.f32 v57, v8;
	v59 =	vld [tilespmem:s29+$0xCC40];
	v39 =	vadd.f32 v61, v39;
	[tilespmem:s29+$0x1070] =	vst v52  }
0x100: {  	v41 =	vmul.f32 v41, v7;
	v40 =	vmul.f32 v40, v7;
	v60 =	vld [tilespmem:s29+$0xCC30];
	v11 =	vadd.f32 v11, v12;
	[tilespmem:s29+$0x1060] =	vst v45  }
0x101: {  	v38 =	vmul.f32 v38, v7;
	v61 =	vld [tilespmem:s29+$0xC810];
	v44 =	vadd.f32 v62, v44;
	[tilespmem:s29+$0x1000] =	vst v39;
	v57 =	vmul.f32 v53, v8  }
0x102: {  	v37 =	vmul.f32 v37, v7;
	v49 =	vld [tilespmem:s29+$0xD010];
	v43 =	vadd.f32 v63, v43;
	[tilespmem:s29+$0x40] =	vst v11;
	v46 =	vmul.f32 v56, v8  }
0x103: {  	v36 =	vmul.f32 v36, v7;
	v47 =	vld [tilespmem:s29+$0xCC70];
	[tilespmem:s29+$0x1050] =	vst v44;
	v48 =	vmul.f32 v48, v8;
	v42 =	vadd.f32 v57, v42  }
0x104: {  	v35 =	vmul.f32 v35, v7;
	v62 =	vld [tilespmem:s29+$0xCC20];
	[tilespmem:s29+$0x1040] =	vst v43;
	v54 =	vmul.f32 v58, v8;
	v37 =	vadd.f32 v46, v37  }
0x105: {  	v34 =	vmul.f32 v34, v7;
	v63 =	vld [tilespmem:s29+$0xCC10];
	v45 =	vmul.f32 v59, v8;
	v41 =	vadd.f32 v48, v41;
	[tilespmem:s29+$0x1030] =	vst v42  }
0x106: {  	v33 =	vmul.f32 v33, v7;
	v56 =	vld [tilespmem:s29+$0xC860];
	v44 =	vmul.f32 v60, v8;
	v36 =	vadd.f32 v54, v36;
	[tilespmem:s29+$0xC60] =	vst v37  }
0x107: {  	v32 =	vmul.f32 v32, v7;
	v53 =	vld [tilespmem:s29+$0xCC00];
	v49 =	vmul.f32 v49, v8;
	v35 =	vadd.f32 v45, v35;
	[tilespmem:s29+$0x1020] =	vst v41  }
0x108: {  	v6 =	vmul.f32 v6, v7;
	v12 =	vld [tilespmem:s29+$0x1460];
	v47 =	vmul.f32 v47, v8;
	v34 =	vadd.f32 v44, v34;
	[tilespmem:s29+$0xC50] =	vst v36  }
0x109: {  	v5 =	vmul.f32 v5, v8;
	v58 =	vld [tilespmem:s29+$0xC840];
	v43 =	vmul.f32 v62, v8;
	v40 =	vadd.f32 v49, v40;
	[tilespmem:s29+$0xC40] =	vst v35  }
0x10a: {  	v29 =	vmul.f32 v29, v7;
	v59 =	vld [tilespmem:s29+$0xC830];
	v42 =	vmul.f32 v63, v8;
	v38 =	vadd.f32 v47, v38;
	[tilespmem:s29+$0xC30] =	vst v34  }
0x10b: {  	v5 =	vadd.f32 v5, v6;
	v6 =	vld [tilespmem:s29+$0x0];
	v39 =	vmul.f32 v56, v8;
	v33 =	vadd.f32 v43, v33;
	[tilespmem:s29+$0x1010] =	vst v40  }
0x10c: {  	v31 =	vmul.f32 v31, v7;
	v60 =	vld [tilespmem:s29+$0xC820];
	v41 =	vmul.f32 v53, v8;
	v32 =	vadd.f32 v42, v32;
	[tilespmem:s29+$0xC70] =	vst v38  }
0x10d: {  	v24 =	vmul.f32 v24, v7;
	v57 =	vld [tilespmem:s29+$0xC850];
	v34 =	vmul.f32 v61, v8;
	v29 =	vadd.f32 v39, v29;
	[tilespmem:s29+$0xC20] =	vst v33  }
0x10e: {  	v27 =	vmul.f32 v27, v7;
	v62 =	vld [tilespmem:s29+$0xC800];
	v37 =	vmul.f32 v58, v8;
	v31 =	vadd.f32 v41, v31;
	[tilespmem:s29+$0xC10] =	vst v32  }
0x10f: {  	v26 =	vmul.f32 v26, v7;
	v63 =	vld [tilespmem:s29+$0xC470];
	v36 =	vmul.f32 v59, v8;
	v24 =	vadd.f32 v34, v24;
	[tilespmem:s29+$0x860] =	vst v29  }
0x110: {  	v30 =	vmul.f32 v30, v7;
	v40 =	vmul.f32 v55, v8;
	v27 =	vadd.f32 v37, v27;
	v29 =	vld [tilespmem:s29+$0xC440];
	[tilespmem:s29+$0xC00] =	vst v31  }
0x111: {  	v25 =	vmul.f32 v25, v7;
	v35 =	vmul.f32 v60, v8;
	v26 =	vadd.f32 v36, v26;
	v31 =	vld [tilespmem:s29+$0xC460];
	[tilespmem:s29+$0x810] =	vst v24  }
0x112: {  	v28 =	vmul.f32 v28, v7;
	v38 =	vmul.f32 v57, v8;
	v30 =	vadd.f32 v40, v30;
	v24 =	vld [tilespmem:s29+$0xC070];
	[tilespmem:s29+$0x840] =	vst v27  }
0x113: {  	v23 =	vmul.f32 v23, v7;
	v33 =	vmul.f32 v62, v8;
	v25 =	vadd.f32 v35, v25;
	v27 =	vld [tilespmem:s29+$0xC420];
	[tilespmem:s29+$0x830] =	vst v26  }
0x114: {  	v22 =	vmul.f32 v22, v7;
	v32 =	vmul.f32 v63, v8;
	v28 =	vadd.f32 v38, v28;
	[tilespmem:s29+$0x870] =	vst v30;
	v30 =	vld [tilespmem:s29+$0xC450]  }
0x115: {  	v19 =	vmul.f32 v19, v7;
	v23 =	vadd.f32 v33, v23;
	[tilespmem:s29+$0x820] =	vst v25;
	v25 =	vld [tilespmem:s29+$0xC400];
	v29 =	vmul.f32 v29, v8  }
0x116: {  	v21 =	vmul.f32 v21, v7;
	v22 =	vadd.f32 v32, v22;
	[tilespmem:s29+$0x850] =	vst v28;
	v28 =	vld [tilespmem:s29+$0xC430];
	v31 =	vmul.f32 v31, v8  }
0x117: {  	v14 =	vmul.f32 v14, v7;
	[tilespmem:s29+$0x800] =	vst v23;
	v23 =	vld [tilespmem:s29+$0xC060];
	v24 =	vmul.f32 v24, v8;
	v19 =	vadd.f32 v29, v19  }
0x118: {  	v17 =	vmul.f32 v17, v7;
	v26 =	vld [tilespmem:s29+$0xC410];
	[tilespmem:s29+$0x470] =	vst v22;
	v27 =	vmul.f32 v27, v8;
	v21 =	vadd.f32 v31, v21  }
0x119: {  	v20 =	vmul.f32 v20, v7;
	v22 =	vld [tilespmem:s29+$0x50];
	v30 =	vmul.f32 v30, v8;
	v14 =	vadd.f32 v24, v14;
	[tilespmem:s29+$0x440] =	vst v19  }
0x11a: {  	v15 =	vmul.f32 v15, v7;
	v25 =	vmul.f32 v25, v8;
	v17 =	vadd.f32 v27, v17;
	v19 =	vld [tilespmem:s29+$0xD450];
	[tilespmem:s29+$0x460] =	vst v21  }
0x11b: {  	v18 =	vmul.f32 v18, v7;
	v28 =	vmul.f32 v28, v8;
	v20 =	vadd.f32 v30, v20;
	v21 =	vld [tilespmem:s29+$0xC050];
	[tilespmem:s29+$0x70] =	vst v14  }
0x11c: {  	v13 =	vmul.f32 v13, v7;
	v23 =	vmul.f32 v23, v8;
	v15 =	vadd.f32 v25, v15;
	[tilespmem:s29+$0x420] =	vst v17;
	v17 =	vld [tilespmem:s29+$0x1440]  }
0x11d: {  	v16 =	vmul.f32 v16, v7;
	v26 =	vmul.f32 v26, v8;
	v18 =	vadd.f32 v28, v18;
	[tilespmem:s29+$0x450] =	vst v20;
	v20 =	vld [tilespmem:s29+$0xD440]  }
0x11e: {  	v10 =	vmul.f32 v10, v7;
	v9 =	vmul.f32 v9, v8;
	v13 =	vadd.f32 v23, v13;
	[tilespmem:s29+$0x400] =	vst v15;
	v15 =	vld [tilespmem:s29+$0x1450]  }
0x11f: {  	v4 =	vmul.f32 v4, v7;
	v3 =	vmul.f32 v3, v8;
	v16 =	vadd.f32 v26, v16;
	[tilespmem:s29+$0x430] =	vst v18;
	v18 =	vld [tilespmem:s29+$0xD460]  }
0x120: {  	v9 =	vadd.f32 v9, v10;
	v10 =	vmul.f32 v22, v7;
	v14 =	vld [tilespmem:s29+$0x1470];
	[tilespmem:s29+$0x60] =	vst v13;
	v13 =	vmul.f32 v21, v8  }
0x121: {  	v3 =	vadd.f32 v3, v4;
	[tilespmem:s29+$0x410] =	vst v16;
	v16 =	vld [tilespmem:s29+$0xD470]  }
0x122: {  	s31 =	simm.s32 $0x0;
	[tilespmem:s29+$0x30] =	vst v9;
	v9 =	vld [tilespmem:s29+$0xC000];
	v11 =	vmul.f32 v17, v7;
	v17 =	vmul.f32 v20, v8;
	v4 =	vadd.f32 v13, v10  }
0x123: {  	s28 =	simm.s32 $0x80;
	s26 =	smul.u32 $0x1800, s31;
	[tilespmem:s29+$0x20] =	vst v5;
	v5 =	vmul.f32 v15, v7;
	v10 =	vmul.f32 v19, v8  }
0x124: {  	s30 =	sand.u32 $0x380, s28;
	v11 =	vadd.f32 v17, v11;
	[tilespmem:s29+$0x50] =	vst v4;
	v4 =	vmul.f32 v12, v7;
	v12 =	vmul.f32 v18, v8  }
0x125: {  	s26 =	sor.u32 s30, s26;
	[tilespmem:s29+$0x10] =	vst v3;
	v5 =	vadd.f32 v10, v5  }
0x126: {  	v3 =	vld [tilespmem:s26+$0x10];
	v10 =	vmul.f32 v14, v7;
	[tilespmem:s29+$0x1440] =	vst v11;
	v11 =	vmul.f32 v16, v8;
	v12 =	vadd.f32 v12, v4  }
0x127: {  	v7 =	vmul.f32 v6, v7;
	v8 =	vmul.f32 v9, v8;
	v4 =	vld [tilespmem:s26+$0xC010];
	[tilespmem:s29+$0x1450] =	vst v5  }
0x128: {  	v9 =	vadd.f32 v11, v10;
	v6 =	vld [tilespmem:s26+$0x20];
	[tilespmem:s29+$0x1460] =	vst v12  }
0x129: {  	v7 =	vadd.f32 v8, v7;
	v5 =	vld [tilespmem:s26+$0xC020]  }
0x12a: {  	v8 =	vld [tilespmem:s26+$0x30];
	[tilespmem:s29+$0x1470] =	vst v9  }
0x12b: {  	v18 =	vld [tilespmem:s26+$0x430];
	[tilespmem:s29+$0x0] =	vst v7  }
0x12c: {  	v7 =	vld [tilespmem:s26+$0xC030]  }
0x12d: {  	v10 =	vld [tilespmem:s26+$0x40]  }
0x12e: {  	v9 =	vld [tilespmem:s26+$0xC040]  }
0x12f: {  	v12 =	vld [tilespmem:s26+$0x50]  }
0x130: {  	v11 =	vld [tilespmem:s26+$0xC050]  }
0x131: {  	v13 =	vld [tilespmem:s26+$0x60]  }
0x132: {  	v14 =	vld [tilespmem:s26+$0x70]  }
0x133: {  	v15 =	vld [tilespmem:s26+$0x400]  }
0x134: {  	v16 =	vld [tilespmem:s26+$0x410]  }
0x135: {  	v17 =	vld [tilespmem:s26+$0x420]  }
0x136: {  	v19 =	vld [tilespmem:s26+$0x440]  }
0x137: {  	v20 =	vld [tilespmem:s26+$0x450]  }
0x138: {  	v21 =	vld [tilespmem:s26+$0x460]  }
0x139: {  	v22 =	vld [tilespmem:s26+$0x470]  }
0x13a: {  	v23 =	vld [tilespmem:s26+$0x800]  }
0x13b: {  	v24 =	vld [tilespmem:s26+$0x810]  }
0x13c: {  	v25 =	vld [tilespmem:s26+$0x820]  }
0x13d: {  	v26 =	vld [tilespmem:s26+$0x830]  }
0x13e: {  	v27 =	vld [tilespmem:s26+$0x840]  }
0x13f: {  	v28 =	vld [tilespmem:s26+$0x850]  }
0x140: {  	v29 =	vld [tilespmem:s26+$0x860]  }
0x141: {  	v30 =	vld [tilespmem:s26+$0x870]  }
0x142: {  	v31 =	vld [tilespmem:s26+$0xC00]  }
0x143: {  	v34 =	vld [tilespmem:s26+$0xC10]  }
0x144: {  	v35 =	vld [tilespmem:s26+$0xC20]  }
0x145: {  	v36 =	vld [tilespmem:s26+$0xC30]  }
0x146: {  	v37 =	vld [tilespmem:s26+$0xC40]  }
0x147: {  	v38 =	vld [tilespmem:s26+$0xC50]  }
0x148: {  	v39 =	vld [tilespmem:s26+$0xC60]  }
0x149: {  	v40 =	vld [tilespmem:s26+$0xC70]  }
0x14a: {  	v41 =	vld [tilespmem:s26+$0x1000]  }
0x14b: {  	v42 =	vld [tilespmem:s26+$0x1010]  }
0x14c: {  	v43 =	vld [tilespmem:s26+$0x1020]  }
0x14d: {  	v44 =	vld [tilespmem:s26+$0x1030]  }
0x14e: {  	v45 =	vld [tilespmem:s26+$0x1040]  }
0x14f: {  	v46 =	vld [tilespmem:s26+$0x1050]  }
0x150: {  	v47 =	vld [tilespmem:s26+$0x1060]  }
0x151: {  	v48 =	vld [tilespmem:s26+$0x1400]  }
0x152: {  	v50 =	vld [tilespmem:s26+$0x1410]  }
0x153: {  	v49 =	vld [tilespmem:s26+$0xD410]  }
0x154: {  	s29 =	simm.s32 $0x2;
	v51 =	vld [tilespmem:s26+$0xD430]  }
.LBB2_2:
0x155: {  	p0 =	sne.s32 s29, $0x3F;
	v52 =	vld [tilespmem:s26+$0x1430]  }
0x156: {  	s24 =	sadd.s32 $0x80, s24;
	v53 =	vld [tilespmem:s26+$0x1420]  }
0x157: {  	s25 =	sadd.s32 $0x80, s25;
	v33 =	vld [tilespmem:s24+$0x0]  }
0x158: {  	v32 =	vld [tilespmem:s25+$0x0]  }
0x159: {  	v54 =	vld [tilespmem:s26+$0xD420]  }
0x15a: {  	v55 =	vld [tilespmem:s26+$0xD400]  }
0x15b: {  	v56 =	vld [tilespmem:s26+$0x1070]  }
0x15c: {  	v57 =	vld [tilespmem:s26+$0xD070];
	v50 =	vmul.f32 v50, v33;
	v53 =	vmul.f32 v53, v33  }
0x15d: {  	v52 =	vmul.f32 v52, v33;
	v58 =	vld [tilespmem:s26+$0xD060];
	v51 =	vmul.f32 v51, v32  }
0x15e: {  	v49 =	vmul.f32 v49, v32;
	v59 =	vld [tilespmem:s26+$0xD050];
	v54 =	vmul.f32 v54, v32  }
0x15f: {  	v48 =	vmul.f32 v48, v33;
	v60 =	vld [tilespmem:s26+$0xD040];
	v55 =	vmul.f32 v55, v32;
	v51 =	vadd.f32 v51, v52  }
0x160: {  	v49 =	vadd.f32 v49, v50;
	v52 =	vld [tilespmem:s26+$0xD030];
	v56 =	vmul.f32 v56, v33;
	v50 =	vadd.f32 v54, v53  }
0x161: {  	v47 =	vmul.f32 v47, v33;
	v53 =	vld [tilespmem:s26+$0xD020];
	v54 =	vmul.f32 v57, v32;
	v48 =	vadd.f32 v55, v48;
	[tilespmem:s26+$0x1430] =	vst v51  }
0x162: {  	v46 =	vmul.f32 v46, v33;
	v51 =	vld [tilespmem:s26+$0xD010];
	v55 =	vmul.f32 v58, v32;
	[tilespmem:s26+$0x1420] =	vst v50  }
0x163: {  	v45 =	vmul.f32 v45, v33;
	v50 =	vld [tilespmem:s26+$0xD000];
	v57 =	vmul.f32 v59, v32;
	v54 =	vadd.f32 v54, v56;
	[tilespmem:s26+$0x1410] =	vst v49  }
0x164: {  	v44 =	vmul.f32 v44, v33;
	v49 =	vld [tilespmem:s26+$0xCC70];
	v56 =	vmul.f32 v60, v32;
	v47 =	vadd.f32 v55, v47;
	[tilespmem:s26+$0x1400] =	vst v48  }
0x165: {  	v43 =	vmul.f32 v43, v33;
	v48 =	vld [tilespmem:s26+$0xCC60];
	v52 =	vmul.f32 v52, v32;
	v46 =	vadd.f32 v57, v46;
	[tilespmem:s26+$0x1070] =	vst v54  }
0x166: {  	v42 =	vmul.f32 v42, v33;
	v54 =	vld [tilespmem:s26+$0xCC50];
	v53 =	vmul.f32 v53, v32;
	v45 =	vadd.f32 v56, v45;
	[tilespmem:s26+$0x1060] =	vst v47  }
0x167: {  	v41 =	vmul.f32 v41, v33;
	v47 =	vld [tilespmem:s26+$0xCC40];
	v51 =	vmul.f32 v51, v32;
	v44 =	vadd.f32 v52, v44;
	[tilespmem:s26+$0x1050] =	vst v46  }
0x168: {  	v40 =	vmul.f32 v40, v33;
	v46 =	vld [tilespmem:s26+$0xCC30];
	v50 =	vmul.f32 v50, v32;
	v43 =	vadd.f32 v53, v43;
	[tilespmem:s26+$0x1040] =	vst v45  }
0x169: {  	v39 =	vmul.f32 v39, v33;
	v45 =	vld [tilespmem:s26+$0xCC20];
	v49 =	vmul.f32 v49, v32;
	v42 =	vadd.f32 v51, v42;
	[tilespmem:s26+$0x1030] =	vst v44  }
0x16a: {  	v38 =	vmul.f32 v38, v33;
	v44 =	vld [tilespmem:s26+$0xCC10];
	v48 =	vmul.f32 v48, v32;
	v41 =	vadd.f32 v50, v41;
	[tilespmem:s26+$0x1020] =	vst v43  }
0x16b: {  	v37 =	vmul.f32 v37, v33;
	v43 =	vld [tilespmem:s26+$0xCC00];
	v50 =	vmul.f32 v54, v32;
	v40 =	vadd.f32 v49, v40;
	[tilespmem:s26+$0x1010] =	vst v42  }
0x16c: {  	v36 =	vmul.f32 v36, v33;
	v42 =	vld [tilespmem:s26+$0xC870];
	v47 =	vmul.f32 v47, v32;
	v39 =	vadd.f32 v48, v39;
	[tilespmem:s26+$0x1000] =	vst v41  }
0x16d: {  	v35 =	vmul.f32 v35, v33;
	v41 =	vld [tilespmem:s26+$0xC860];
	v46 =	vmul.f32 v46, v32;
	v38 =	vadd.f32 v50, v38;
	[tilespmem:s26+$0xC70] =	vst v40  }
0x16e: {  	v34 =	vmul.f32 v34, v33;
	v40 =	vld [tilespmem:s26+$0xC850];
	v45 =	vmul.f32 v45, v32;
	v37 =	vadd.f32 v47, v37;
	[tilespmem:s26+$0xC60] =	vst v39  }
0x16f: {  	v31 =	vmul.f32 v31, v33;
	v39 =	vld [tilespmem:s26+$0xC840];
	v44 =	vmul.f32 v44, v32;
	v36 =	vadd.f32 v46, v36;
	[tilespmem:s26+$0xC50] =	vst v38  }
0x170: {  	v30 =	vmul.f32 v30, v33;
	v38 =	vld [tilespmem:s26+$0xC830];
	v43 =	vmul.f32 v43, v32;
	v35 =	vadd.f32 v45, v35;
	[tilespmem:s26+$0xC40] =	vst v37  }
0x171: {  	v29 =	vmul.f32 v29, v33;
	v37 =	vld [tilespmem:s26+$0xC820];
	v42 =	vmul.f32 v42, v32;
	v34 =	vadd.f32 v44, v34;
	[tilespmem:s26+$0xC30] =	vst v36  }
0x172: {  	v28 =	vmul.f32 v28, v33;
	v36 =	vld [tilespmem:s26+$0xC810];
	v41 =	vmul.f32 v41, v32;
	v31 =	vadd.f32 v43, v31;
	[tilespmem:s26+$0xC20] =	vst v35  }
0x173: {  	v27 =	vmul.f32 v27, v33;
	v35 =	vld [tilespmem:s26+$0xC800];
	v40 =	vmul.f32 v40, v32;
	v30 =	vadd.f32 v42, v30;
	[tilespmem:s26+$0xC10] =	vst v34  }
0x174: {  	v26 =	vmul.f32 v26, v33;
	v34 =	vld [tilespmem:s26+$0xC470];
	v39 =	vmul.f32 v39, v32;
	v29 =	vadd.f32 v41, v29;
	[tilespmem:s26+$0xC00] =	vst v31  }
0x175: {  	v25 =	vmul.f32 v25, v33;
	v31 =	vld [tilespmem:s26+$0xC460];
	v38 =	vmul.f32 v38, v32;
	v28 =	vadd.f32 v40, v28;
	[tilespmem:s26+$0x870] =	vst v30  }
0x176: {  	v24 =	vmul.f32 v24, v33;
	v30 =	vld [tilespmem:s26+$0xC450];
	v37 =	vmul.f32 v37, v32;
	v27 =	vadd.f32 v39, v27;
	[tilespmem:s26+$0x860] =	vst v29  }
0x177: {  	v23 =	vmul.f32 v23, v33;
	v29 =	vld [tilespmem:s26+$0xC440];
	v36 =	vmul.f32 v36, v32;
	v26 =	vadd.f32 v38, v26;
	[tilespmem:s26+$0x850] =	vst v28  }
0x178: {  	v22 =	vmul.f32 v22, v33;
	v28 =	vld [tilespmem:s26+$0xC430];
	v35 =	vmul.f32 v35, v32;
	v25 =	vadd.f32 v37, v25;
	[tilespmem:s26+$0x840] =	vst v27  }
0x179: {  	v21 =	vmul.f32 v21, v33;
	v27 =	vld [tilespmem:s26+$0xC420];
	v34 =	vmul.f32 v34, v32;
	v24 =	vadd.f32 v36, v24;
	[tilespmem:s26+$0x830] =	vst v26  }
0x17a: {  	v20 =	vmul.f32 v20, v33;
	v26 =	vld [tilespmem:s26+$0xC410];
	v31 =	vmul.f32 v31, v32;
	v23 =	vadd.f32 v35, v23;
	[tilespmem:s26+$0x820] =	vst v25  }
0x17b: {  	v19 =	vmul.f32 v19, v33;
	v25 =	vld [tilespmem:s26+$0xC400];
	v30 =	vmul.f32 v30, v32;
	v22 =	vadd.f32 v34, v22;
	[tilespmem:s26+$0x810] =	vst v24  }
0x17c: {  	v18 =	vmul.f32 v18, v33;
	v24 =	vld [tilespmem:s26+$0xC070];
	v29 =	vmul.f32 v29, v32;
	v21 =	vadd.f32 v31, v21;
	[tilespmem:s26+$0x800] =	vst v23  }
0x17d: {  	v17 =	vmul.f32 v17, v33;
	v23 =	vld [tilespmem:s26+$0xC060];
	v28 =	vmul.f32 v28, v32;
	v20 =	vadd.f32 v30, v20;
	[tilespmem:s26+$0x470] =	vst v22  }
0x17e: {  	v16 =	vmul.f32 v16, v33;
	v22 =	vmul.f32 v27, v32;
	v19 =	vadd.f32 v29, v19;
	[tilespmem:s26+$0x460] =	vst v21;
	v21 =	vld [tilespmem:s26+$0xD440]  }
0x17f: {  	v15 =	vmul.f32 v15, v33;
	v26 =	vmul.f32 v26, v32;
	v18 =	vadd.f32 v28, v18;
	[tilespmem:s26+$0x450] =	vst v20;
	v20 =	vld [tilespmem:s26+$0xD450]  }
0x180: {  	v14 =	vmul.f32 v14, v33;
	v25 =	vmul.f32 v25, v32;
	v17 =	vadd.f32 v22, v17;
	[tilespmem:s26+$0x440] =	vst v19;
	v19 =	vld [tilespmem:s26+$0xD460]  }
0x181: {  	v13 =	vmul.f32 v13, v33;
	v22 =	vmul.f32 v24, v32;
	v16 =	vadd.f32 v26, v16;
	[tilespmem:s26+$0x430] =	vst v18;
	v18 =	vld [tilespmem:s26+$0xD470]  }
0x182: {  	v12 =	vmul.f32 v12, v33;
	v23 =	vmul.f32 v23, v32;
	v15 =	vadd.f32 v25, v15;
	[tilespmem:s26+$0x420] =	vst v17;
	v17 =	vld [tilespmem:s26+$0x1440]  }
0x183: {  	v10 =	vmul.f32 v10, v33;
	v11 =	vmul.f32 v11, v32;
	v14 =	vadd.f32 v22, v14;
	[tilespmem:s26+$0x410] =	vst v16;
	v16 =	vld [tilespmem:s26+$0x1450]  }
0x184: {  	v8 =	vmul.f32 v8, v33;
	v9 =	vmul.f32 v9, v32;
	v13 =	vadd.f32 v23, v13;
	[tilespmem:s26+$0x400] =	vst v15;
	v15 =	vld [tilespmem:s26+$0x1460]  }
0x185: {  	v6 =	vmul.f32 v6, v33;
	v7 =	vmul.f32 v7, v32;
	v11 =	vadd.f32 v11, v12;
	[tilespmem:s26+$0x70] =	vst v14;
	v12 =	vld [tilespmem:s26+$0x1470]  }
0x186: {  	v3 =	vmul.f32 v3, v33;
	v5 =	vmul.f32 v5, v32;
	v9 =	vadd.f32 v9, v10;
	v14 =	vld [tilespmem:s26+$0x0];
	[tilespmem:s26+$0x60] =	vst v13  }
0x187: {  	v4 =	vmul.f32 v4, v32;
	v7 =	vadd.f32 v7, v8;
	v10 =	vld [tilespmem:s26+$0xC000];
	[tilespmem:s26+$0x50] =	vst v11;
	v8 =	vmul.f32 v17, v33  }
0x188: {  	s30 =	sshrl.u32 s29, $0x3;
	v5 =	vadd.f32 v5, v6;
	v6 =	vmul.f32 v21, v32;
	[tilespmem:s26+$0x40] =	vst v9;
	v9 =	vmul.f32 v16, v33  }
0x189: {  	s28 =	sadd.s32 $0x80, s28;
	s30 =	smul.u32 $0x1800, s30;
	v3 =	vadd.f32 v4, v3;
	v4 =	vmul.f32 v20, v32;
	[tilespmem:s26+$0x30] =	vst v7;
	v7 =	vmul.f32 v15, v33  }
0x18a: {  	s31 =	sand.u32 $0x380, s28;
	[tilespmem:s26+$0x20] =	vst v5;
	v5 =	vadd.f32 v6, v8;
	v6 =	vmul.f32 v19, v32;
	v8 =	vmul.f32 v12, v33  }
0x18b: {  	s30 =	sor.u32 s31, s30;
	v9 =	vadd.f32 v4, v9;
	v12 =	vmul.f32 v18, v32;
	v11 =	vmul.f32 v14, v33;
	[tilespmem:s26+$0x10] =	vst v3  }
0x18c: {  	v3 =	vld [tilespmem:s30+$0x10];
	v10 =	vmul.f32 v10, v32;
	[tilespmem:s26+$0x1440] =	vst v5;
	v5 =	vadd.f32 v6, v7  }
0x18d: {  	v7 =	vadd.f32 v12, v8;
	v4 =	vld [tilespmem:s30+$0xC010];
	[tilespmem:s26+$0x1450] =	vst v9  }
0x18e: {  	v6 =	vld [tilespmem:s30+$0x20];
	v9 =	vadd.f32 v10, v11;
	[tilespmem:s26+$0x1460] =	vst v5  }
0x18f: {  	v5 =	vld [tilespmem:s30+$0xC020];
	[tilespmem:s26+$0x1470] =	vst v7  }
0x190: {  	v8 =	vld [tilespmem:s30+$0x30];
	[tilespmem:s26+$0x0] =	vst v9;
	s26 =	smov.u32 s30  }
0x191: {  	v7 =	vld [tilespmem:s26+$0xC030]  }
0x192: {  	v10 =	vld [tilespmem:s26+$0x40]  }
0x193: {  	v9 =	vld [tilespmem:s26+$0xC040]  }
0x194: {  	v12 =	vld [tilespmem:s26+$0x50]  }
0x195: {  	v11 =	vld [tilespmem:s26+$0xC050]  }
0x196: {  	v13 =	vld [tilespmem:s26+$0x60]  }
0x197: {  	v14 =	vld [tilespmem:s26+$0x70]  }
0x198: {  	v15 =	vld [tilespmem:s26+$0x400]  }
0x199: {  	v16 =	vld [tilespmem:s26+$0x410]  }
0x19a: {  	v17 =	vld [tilespmem:s26+$0x420]  }
0x19b: {  	v18 =	vld [tilespmem:s26+$0x430]  }
0x19c: {  	v19 =	vld [tilespmem:s26+$0x440]  }
0x19d: {  	v20 =	vld [tilespmem:s26+$0x450]  }
0x19e: {  	v21 =	vld [tilespmem:s26+$0x460]  }
0x19f: {  	v22 =	vld [tilespmem:s26+$0x470]  }
0x1a0: {  	v23 =	vld [tilespmem:s26+$0x800]  }
0x1a1: {  	v24 =	vld [tilespmem:s26+$0x810]  }
0x1a2: {  	v25 =	vld [tilespmem:s26+$0x820]  }
0x1a3: {  	v26 =	vld [tilespmem:s26+$0x830]  }
0x1a4: {  	v27 =	vld [tilespmem:s26+$0x840]  }
0x1a5: {  	v28 =	vld [tilespmem:s26+$0x850]  }
0x1a6: {  	v29 =	vld [tilespmem:s26+$0x860]  }
0x1a7: {  	v30 =	vld [tilespmem:s26+$0x870]  }
0x1a8: {  	v31 =	vld [tilespmem:s26+$0xC00]  }
0x1a9: {  	v34 =	vld [tilespmem:s26+$0xC10]  }
0x1aa: {  	v35 =	vld [tilespmem:s26+$0xC20]  }
0x1ab: {  	v36 =	vld [tilespmem:s26+$0xC30]  }
0x1ac: {  	v37 =	vld [tilespmem:s26+$0xC40]  }
0x1ad: {  	v38 =	vld [tilespmem:s26+$0xC50]  }
0x1ae: {  	v39 =	vld [tilespmem:s26+$0xC60]  }
0x1af: {  	v40 =	vld [tilespmem:s26+$0xC70]  }
0x1b0: {  	v41 =	vld [tilespmem:s26+$0x1000]  }
0x1b1: {  	v42 =	vld [tilespmem:s26+$0x1010]  }
0x1b2: {  	v43 =	vld [tilespmem:s26+$0x1020]  }
0x1b3: {  	v44 =	vld [tilespmem:s26+$0x1030]  }
0x1b4: {  	v45 =	vld [tilespmem:s26+$0x1040]  }
0x1b5: {  	v46 =	vld [tilespmem:s26+$0x1050]  }
.Ltmp0:
0x1b6: {  	v47 =	vld [tilespmem:s26+$0x1060];
	(pc) =	sbr.rel @p0 .LBB2_2-.Ltmp0, $4  }
0x1b7: {  	v48 =	vld [tilespmem:s26+$0x1400]  }
0x1b8: {  	v50 =	vld [tilespmem:s26+$0x1410]  }
0x1b9: {  	v49 =	vld [tilespmem:s26+$0xD410]  }
0x1ba: {  	s29 =	sadd.s32 $0x1, s29;
	v51 =	vld [tilespmem:s26+$0xD430]  }
0x1bb: {  	v52 =	vld [tilespmem:s26+$0x1430]  }
0x1bc: {  	v53 =	vld [tilespmem:s26+$0x1420];
	s24 =	sadd.s32 $0x80, s24  }
0x1bd: {  	s31 =	sadd.s32 $0x80, s25;
	v32 =	vld [tilespmem:s24+$0x0]  }
0x1be: {  	v33 =	vld [tilespmem:s31+$0x0]  }
0x1bf: {  	v54 =	vld [tilespmem:s26+$0xD420];
	_ =	sdelay $0x1  }
0x1c0: {  	v55 =	vld [tilespmem:s26+$0xD400]  }
0x1c1: {  	v56 =	vld [tilespmem:s26+$0x1070]  }
0x1c2: {  	v58 =	vld [tilespmem:s26+$0xD060];
	v52 =	vmul.f32 v52, v32;
	v51 =	vmul.f32 v51, v33  }
0x1c3: {  	v57 =	vld [tilespmem:s26+$0xD070];
	v53 =	vmul.f32 v53, v32;
	v54 =	vmul.f32 v54, v33  }
0x1c4: {  	v59 =	vld [tilespmem:s26+$0xD050];
	v50 =	vmul.f32 v50, v32;
	v49 =	vmul.f32 v49, v33  }
0x1c5: {  	v60 =	vld [tilespmem:s26+$0xD040];
	v48 =	vmul.f32 v48, v32;
	v62 =	vmul.f32 v55, v33;
	v51 =	vadd.f32 v51, v52  }
0x1c6: {  	v61 =	vld [tilespmem:s26+$0xD020];
	v63 =	vmul.f32 v56, v32;
	v47 =	vmul.f32 v47, v32;
	v53 =	vadd.f32 v54, v53  }
0x1c7: {  	v58 =	vmul.f32 v58, v33;
	v55 =	vld [tilespmem:s26+$0xC460];
	v12 =	vmul.f32 v12, v32;
	v49 =	vadd.f32 v49, v50;
	[tilespmem:s26+$0x1430] =	vst v51  }
0x1c8: {  	v56 =	vld [tilespmem:s26+$0xC450];
	v11 =	vmul.f32 v11, v33;
	v10 =	vmul.f32 v10, v32;
	v48 =	vadd.f32 v62, v48;
	[tilespmem:s26+$0x1420] =	vst v53  }
0x1c9: {  	v9 =	vmul.f32 v9, v33;
	v8 =	vmul.f32 v8, v32;
	v52 =	vld [tilespmem:s26+$0xD030];
	v47 =	vadd.f32 v58, v47;
	[tilespmem:s26+$0x1410] =	vst v49  }
0x1ca: {  	v7 =	vmul.f32 v7, v33;
	v6 =	vmul.f32 v6, v32;
	v50 =	vld [tilespmem:s26+$0xD000];
	v11 =	vadd.f32 v11, v12;
	[tilespmem:s26+$0x1400] =	vst v48  }
0x1cb: {  	v5 =	vmul.f32 v5, v33;
	v3 =	vmul.f32 v3, v32;
	v58 =	vld [tilespmem:s26+$0xCC20];
	v9 =	vadd.f32 v9, v10;
	[tilespmem:s26+$0x1060] =	vst v47  }
0x1cc: {  	v4 =	vmul.f32 v4, v33;
	v62 =	vmul.f32 v59, v33;
	v59 =	vld [tilespmem:s26+$0xCC10];
	v7 =	vadd.f32 v7, v8;
	[tilespmem:s26+$0x50] =	vst v11  }
0x1cd: {  	v57 =	vmul.f32 v57, v33;
	v54 =	vld [tilespmem:s26+$0xC470];
	v5 =	vadd.f32 v5, v6;
	[tilespmem:s26+$0x40] =	vst v9  }
0x1ce: {  	v46 =	vmul.f32 v46, v32;
	v3 =	vadd.f32 v4, v3;
	v51 =	vld [tilespmem:s26+$0xD010];
	[tilespmem:s26+$0x30] =	vst v7  }
0x1cf: {  	v45 =	vmul.f32 v45, v32;
	v49 =	vld [tilespmem:s26+$0xCC70];
	v53 =	vadd.f32 v57, v63;
	v63 =	vmul.f32 v60, v33;
	[tilespmem:s26+$0x20] =	vst v5  }
0x1d0: {  	v43 =	vmul.f32 v43, v32;
	v48 =	vld [tilespmem:s26+$0xCC60];
	v46 =	vadd.f32 v62, v46;
	v57 =	vmul.f32 v61, v33;
	[tilespmem:s26+$0x10] =	vst v3  }
0x1d1: {  	v44 =	vmul.f32 v44, v32;
	v47 =	vld [tilespmem:s26+$0xCC40];
	[tilespmem:s26+$0x1070] =	vst v53;
	v45 =	vadd.f32 v63, v45;
	v52 =	vmul.f32 v52, v33  }
0x1d2: {  	v41 =	vmul.f32 v41, v32;
	v60 =	vld [tilespmem:s26+$0xCC00];
	[tilespmem:s26+$0x1050] =	vst v46;
	v43 =	vadd.f32 v57, v43;
	v50 =	vmul.f32 v50, v33  }
0x1d3: {  	v35 =	vmul.f32 v35, v32;
	v61 =	vld [tilespmem:s26+$0xC870];
	[tilespmem:s26+$0x1040] =	vst v45;
	v45 =	vmul.f32 v58, v33;
	v44 =	vadd.f32 v52, v44  }
0x1d4: {  	v42 =	vmul.f32 v42, v32;
	v53 =	vld [tilespmem:s26+$0xCC50];
	[tilespmem:s26+$0x1020] =	vst v43;
	v51 =	vmul.f32 v51, v33;
	v41 =	vadd.f32 v50, v41  }
0x1d5: {  	v40 =	vmul.f32 v40, v32;
	v46 =	vld [tilespmem:s26+$0xCC30];
	v49 =	vmul.f32 v49, v33;
	v35 =	vadd.f32 v45, v35;
	[tilespmem:s26+$0x1030] =	vst v44  }
0x1d6: {  	v39 =	vmul.f32 v39, v32;
	v62 =	vld [tilespmem:s26+$0xC860];
	v48 =	vmul.f32 v48, v33;
	v42 =	vadd.f32 v51, v42;
	[tilespmem:s26+$0x1000] =	vst v41  }
0x1d7: {  	v37 =	vmul.f32 v37, v32;
	v57 =	vld [tilespmem:s26+$0xC440];
	v47 =	vmul.f32 v47, v33;
	v40 =	vadd.f32 v49, v40;
	[tilespmem:s26+$0xC20] =	vst v35  }
0x1d8: {  	v31 =	vmul.f32 v31, v32;
	v58 =	vld [tilespmem:s26+$0xC430];
	v43 =	vmul.f32 v60, v33;
	v39 =	vadd.f32 v48, v39;
	[tilespmem:s26+$0x1010] =	vst v42  }
0x1d9: {  	v38 =	vmul.f32 v38, v32;
	v50 =	vld [tilespmem:s26+$0xC830];
	v63 =	vmul.f32 v53, v33;
	v37 =	vadd.f32 v47, v37;
	[tilespmem:s26+$0xC70] =	vst v40  }
0x1da: {  	v36 =	vmul.f32 v36, v32;
	v60 =	vld [tilespmem:s26+$0xC410];
	v46 =	vmul.f32 v46, v33;
	v31 =	vadd.f32 v43, v31;
	[tilespmem:s26+$0xC60] =	vst v39  }
0x1db: {  	v34 =	vmul.f32 v34, v32;
	v52 =	vld [tilespmem:s26+$0xC810];
	v44 =	vmul.f32 v59, v33;
	v38 =	vadd.f32 v63, v38;
	[tilespmem:s26+$0xC40] =	vst v37  }
0x1dc: {  	v29 =	vmul.f32 v29, v32;
	v45 =	vld [tilespmem:s26+$0x1440];
	v41 =	vmul.f32 v62, v33;
	v36 =	vadd.f32 v46, v36;
	[tilespmem:s26+$0xC00] =	vst v31  }
0x1dd: {  	v21 =	vmul.f32 v21, v32;
	v48 =	vld [tilespmem:s26+$0xC850];
	v62 =	vmul.f32 v55, v33;
	v34 =	vadd.f32 v44, v34;
	[tilespmem:s26+$0xC50] =	vst v38  }
0x1de: {  	v30 =	vmul.f32 v30, v32;
	v49 =	vld [tilespmem:s26+$0xC840];
	v42 =	vmul.f32 v61, v33;
	v29 =	vadd.f32 v41, v29;
	[tilespmem:s26+$0xC30] =	vst v36  }
0x1df: {  	v16 =	vmul.f32 v16, v32;
	v51 =	vld [tilespmem:s26+$0xC820];
	v21 =	vadd.f32 v62, v21;
	v41 =	vmul.f32 v60, v33;
	[tilespmem:s26+$0xC10] =	vst v34  }
0x1e0: {  	v26 =	vmul.f32 v26, v32;
	v53 =	vld [tilespmem:s26+$0xC800];
	v30 =	vadd.f32 v42, v30;
	[tilespmem:s26+$0x860] =	vst v29;
	v38 =	vmul.f32 v50, v33  }
0x1e1: {  	v24 =	vmul.f32 v24, v32;
	v59 =	vld [tilespmem:s26+$0xC420];
	v36 =	vmul.f32 v52, v33;
	[tilespmem:s26+$0x460] =	vst v21;
	v16 =	vadd.f32 v41, v16  }
0x1e2: {  	v22 =	vmul.f32 v22, v32;
	v43 =	vld [tilespmem:s26+$0xD470];
	v34 =	vmul.f32 v54, v33;
	[tilespmem:s26+$0x870] =	vst v30;
	v26 =	vadd.f32 v38, v26  }
0x1e3: {  	v28 =	vmul.f32 v28, v32;
	v61 =	vld [tilespmem:s26+$0xC400];
	v40 =	vmul.f32 v48, v33;
	v24 =	vadd.f32 v36, v24;
	[tilespmem:s26+$0x410] =	vst v16  }
0x1e4: {  	v27 =	vmul.f32 v27, v32;
	v63 =	vld [tilespmem:s26+$0xC070];
	v39 =	vmul.f32 v49, v33;
	v22 =	vadd.f32 v34, v22;
	[tilespmem:s26+$0x830] =	vst v26  }
0x1e5: {  	v25 =	vmul.f32 v25, v32;
	v46 =	vld [tilespmem:s26+$0x1450];
	v37 =	vmul.f32 v51, v33;
	v28 =	vadd.f32 v40, v28;
	[tilespmem:s26+$0x810] =	vst v24  }
0x1e6: {  	v23 =	vmul.f32 v23, v32;
	v50 =	vld [tilespmem:s26+$0xC000];
	v35 =	vmul.f32 v53, v33;
	v27 =	vadd.f32 v39, v27;
	[tilespmem:s26+$0x470] =	vst v22  }
0x1e7: {  	v20 =	vmul.f32 v20, v32;
	v48 =	vld [tilespmem:s26+$0x1460];
	v30 =	vmul.f32 v56, v33;
	v25 =	vadd.f32 v37, v25;
	[tilespmem:s26+$0x850] =	vst v28  }
0x1e8: {  	v19 =	vmul.f32 v19, v32;
	v51 =	vld [tilespmem:s26+$0x0];
	v23 =	vadd.f32 v35, v23;
	v35 =	vmul.f32 v57, v33;
	[tilespmem:s26+$0x840] =	vst v27  }
0x1e9: {  	v18 =	vmul.f32 v18, v32;
	v34 =	vld [tilespmem:s26+$0xC060];
	v37 =	vmul.f32 v58, v33;
	v20 =	vadd.f32 v30, v20;
	[tilespmem:s26+$0x820] =	vst v25  }
0x1ea: {  	v17 =	vmul.f32 v17, v32;
	v36 =	vld [tilespmem:s26+$0xD440];
	v39 =	vmul.f32 v59, v33;
	[tilespmem:s26+$0x800] =	vst v23;
	v19 =	vadd.f32 v35, v19  }
0x1eb: {  	v15 =	vmul.f32 v15, v32;
	v38 =	vld [tilespmem:s26+$0xD450];
	v42 =	vmul.f32 v61, v33;
	v18 =	vadd.f32 v37, v18;
	[tilespmem:s26+$0x450] =	vst v20  }
0x1ec: {  	v14 =	vmul.f32 v14, v32;
	v40 =	vld [tilespmem:s26+$0xD460];
	v44 =	vmul.f32 v63, v33;
	v17 =	vadd.f32 v39, v17;
	[tilespmem:s26+$0x440] =	vst v19  }
0x1ed: {  	v49 =	vld [tilespmem:s26+$0x1470];
	v15 =	vadd.f32 v42, v15;
	v10 =	vmul.f32 v50, v33;
	v61 =	vmul.f32 v51, v32;
	[tilespmem:s26+$0x430] =	vst v18  }
0x1ee: {  	v13 =	vmul.f32 v13, v32;
	v14 =	vadd.f32 v44, v14;
	[tilespmem:s26+$0x420] =	vst v17;
	v47 =	vmul.f32 v34, v33  }
0x1ef: {  	v52 =	vmul.f32 v45, v32;
	[tilespmem:s26+$0x400] =	vst v15;
	v53 =	vmul.f32 v36, v33;
	v63 =	vadd.f32 v10, v61  }
0x1f0: {  	v54 =	vmul.f32 v46, v32;
	[tilespmem:s26+$0x70] =	vst v14;
	v55 =	vmul.f32 v38, v33;
	v13 =	vadd.f32 v47, v13  }
0x1f1: {  	v56 =	vmul.f32 v48, v32;
	v58 =	vmul.f32 v40, v33;
	v57 =	vadd.f32 v53, v52;
	[tilespmem:s26+$0x0] =	vst v63  }
0x1f2: {  	v60 =	vmul.f32 v43, v33;
	v59 =	vmul.f32 v49, v32;
	v3 =	vadd.f32 v55, v54;
	[tilespmem:s26+$0x60] =	vst v13  }
0x1f3: {  	v62 =	vadd.f32 v58, v56;
	[tilespmem:s26+$0x1440] =	vst v57  }
0x1f4: {  	s23 =	sadd.s32 $0x1, s23;
	[tilespmem:s26+$0x1450] =	vst v3;
	v3 =	vadd.f32 v60, v59  }
0x1f5: {  	p0 =	sne.s32 s23, s11;
	[tilespmem:s26+$0x1460] =	vst v62  }
.Ltmp1:
0x1f6: {  	[tilespmem:s26+$0x1470] =	vst v3;
	(pc) =	sbr.rel @p0 .LBB2_1-.Ltmp1, $4  }
0x1f7: {  	[hbm4b:s10+s2] =	stream.linear.scatter [tilespmem:s2], [sflag:$0x2], $0xC000, $0x38;
	[tilespmem:$0x1C100] =	vst v63  }
0x1f8: {  	_ =	swait.ge [sflag:s13], $0xC000  }
0x1f9: {  	[sflag:s13] =	ssyncset.done $0x0  }
0x1fa: {  	[sflag:s13] =	ssyncadd.s32 $0xFFFF4000  }
0x1fb: {  	_ =	sfence.sel $0x180000  }
0x1fc: {  	[bflag:$0x0] =	sbarrier.arrive $0xFFFF  }
0x1fd: {  	_ =	strace $0x9000004A  }
0x1fe: {  	s0 =	stileid.u32;
	[bflag:$0x2] =	sbarrier.arrive $0xFFFF  }
0x1ff: {  	p0 =	sne.s32 s0, $0x0;
	s0 =	rddreg [dreg:$0x2]  }
0x200: {  	s0 =	sadd.s32 @!p0 $0x100000, s0  }
0x201: {  	[sflag:s0] =	ssyncadd.tile.s32 @!p0 $0x1;
	_ =	shalt  }
.Lfunc_end2:
_tile_overlayer_lowered:
.L_overlay_start_2:
0x202: {  	(tag) =	ssettag $0x2  }
0x203: {  	s0 =	rddreg [dreg:$0x0];
	s2 =	stileid.u32  }
0x204: {  	s1 =	rddreg [dreg:$0x1];
	p0 =	sne.s32 s2, $0x0  }
0x205: {  	s3 =	rddreg [dreg:$0x2];
	[bflag:$0x3] =	sbarrier.arrive $0xFFFF;
	s2 =	simm.s32 @!p0 $0x1C02  }
0x206: {  	[timem:s3], [sflag:s2] =	dma.local @!p0 [hbm:s0], s1  }
0x207: {  	s0 =	simm.s32 @!p0 $0x2  }
0x208: {  	_ =	swait.ge @!p0 [sflag:s0], s1  }
0x209: {  	s1 =	ssub.s32 @!p0 $0x0, s1;
	[sflag:s0] =	ssyncset.done @!p0 $0x0  }
0x20a: {  	[sflag:s0] =	ssyncadd.s32 @!p0 s1  }
0x20b: {  	[bflag:$0x3] =	sbarrier.arrive $0xFFFF  }
0x20c: {  	_ =	shalt  }

</sc_bundles>
